<compile_context>
chip_gen: v7x
topology: tpu7x:2x2x1
jax: 0.10.2.dev20260603
libtpu: 0.0.44.dev20260713+nightly
codegen_flags: <defaults>
</compile_context>

<pallas_src>
import functools

import jax
import jax.numpy as jnp
from jax import lax
from jax.experimental import pallas as pl
from jax.experimental.pallas import tpu as pltpu
from jax.experimental.pallas import tpu_sc as plsc

T = 8
B = 16384
D = 64
M = 1000000
NC = 2
NS = 16
NW = NC * NS
WIN = 256
WPT = 122
RPT = WPT * WIN
STUB = 3906 * WIN
LCAP = 640


@functools.cache
def _mesh():
    return plsc.VectorSubcoreMesh(
        core_axis_name="c", subcore_axis_name="s",
        num_cores=NC, num_subcores=NS)


def _rate_body(valT_ref, out_ref):
    v = valT_ref[...]
    n = jnp.round(v * float(T)).astype(jnp.int32)
    nz = (n != 0) & (n != T)
    nsafe = jnp.clip(n, 1, None).astype(jnp.float32)
    spacing = float(T) / nsafe
    acc = jnp.zeros_like(v)
    for c in range(T):
        cond = nz & (jnp.floor(c / spacing) < nsafe) & (
            jnp.floor(jnp.mod(float(c), spacing)) == 0.0)
        acc = acc + jnp.where(n == T, 1.0, cond.astype(jnp.float32))
    out_ref[:, 0:D] = acc.T * (1.0 / float(T))


def _rate(valT):
    return pl.pallas_call(
        _rate_body,
        out_shape=jax.ShapeDtypeStruct((B, 2 * D), jnp.float32),
        grid=(8,),
        in_specs=[pl.BlockSpec((D, B // 8), lambda i: (0, i))],
        out_specs=pl.BlockSpec((B // 8, 2 * D), lambda i: (i, 0)),
    )(valT)


def _untranspose_body(outP_ref, out_ref):
    out_ref[...] = outP_ref[...][:, 0:D].T


def _untranspose(outP):
    return pl.pallas_call(
        _untranspose_body,
        out_shape=jax.ShapeDtypeStruct((D, B), jnp.float32),
        grid=(8,),
        in_specs=[pl.BlockSpec((B // 8, 2 * D), lambda i: (i, 0))],
        out_specs=pl.BlockSpec((D, B // 8), lambda i: (0, i)),
    )(outP)


def _xlane(x, i):
    return lax.gather(
        x, i[:, None],
        lax.GatherDimensionNumbers(
            offset_dims=(), collapsed_slice_dims=(0,), start_index_map=(0,)),
        (1,),
        mode=lax.GatherScatterMode.PROMISE_IN_BOUNDS)


def _flow_body(memT_hbm, rateP_hbm, idx_hbm, stubT_hbm, outP_hbm,
               ibuf, ilist, rlist, wlist, tagl, cbuf, rrflat, wbuf, wbuf2,
               sbuf, staging, oidx, sem, sem2):
    cid = lax.axis_index("c")
    sid = lax.axis_index("s")
    wid = sid * NC + cid
    lanes = lax.iota(jnp.int32, 16)
    lo = wid * RPT
    hi = jnp.where(wid == NW - 1, M, lo + RPT)
    lane0 = lanes == 0

    def scan_chunk(cc, cnt):
        pltpu.sync_copy(idx_hbm.at[pl.ds(cc * 2048, 2048)], ibuf)

        def scan_vreg(k, cnt):
            x = ibuf[pl.ds(k * 16, 16)]
            m = (x >= lo) & (x < hi)

            def cond(st):
                m, _ = st
                return plsc.all_reduce_population_count(m)[0] > 0

            def body(st):
                m, cnt = st
                lsp = plsc.all_reduce_ffs(m)
                rsp = _xlane(x, lsp)
                isp = cc * 2048 + k * 16 + lsp
                cix = jnp.full((16,), cnt, jnp.int32)
                plsc.store_scatter(ilist, [cix], isp, mask=lane0)
                plsc.store_scatter(rlist, [cix], rsp, mask=lane0)
                plsc.store_scatter(tagl, [rsp - lo], isp, mask=lane0)
                return m & (lanes != lsp), cnt + 1

            m, cnt = lax.while_loop(cond, body, (m, cnt))
            return cnt

        return lax.fori_loop(0, 128, scan_vreg, cnt)

    cnt = lax.fori_loop(0, B // 2048, scan_chunk, 0)

    def wv_body(v, carry):
        valid = (v * 16 + lanes) < cnt
        rv = rlist[pl.ds(v * 16, 16)]
        wv = plsc.load_gather(tagl, [rv - lo], mask=valid)
        wlist[pl.ds(v * 16, 16)] = jnp.where(valid, wv, 0)
        return carry

    lax.fori_loop(0, LCAP // 16, wv_body, 0)

    for c in range(LCAP // D):
        pltpu.async_copy(
            rateP_hbm.at[wlist.at[pl.ds(c * D, D)]], cbuf, sem).wait()

        def cp_body(k, carry):
            ksp = jnp.full((16,), k, jnp.int32)
            for j in range(D // 16):
                cj = lanes + j * 16
                v = plsc.load_gather(cbuf, [ksp, cj])
                plsc.store_scatter(
                    rrflat, [(c * D + k) * D + cj], v)
            return carry

        lax.fori_loop(0, D, cp_body, 0)

    oidx[...] = B + lanes

    def process_window(buf, wbase, wwidth, p):
        def scan_mem(v, p):
            valid = (v * 16 + lanes) < cnt2
            rv = rlist[pl.ds(v * 16, 16)]
            m = valid & (rv >= wbase) & (rv < wbase + wwidth)

            def cond(st):
                m, _ = st
                return plsc.all_reduce_population_count(m)[0] > 0

            def body(st):
                m, p = st
                lsp = plsc.all_reduce_ffs(m)
                rsp = _xlane(rv, lsp)
                isp = _xlane(ilist[pl.ds(v * 16, 16)], lsp)
                col = rsp - wbase
                mo = jnp.full((16,), v * 16, jnp.int32) + lsp

                @pl.when(p[0] == 16)
                def _():
                    pltpu.sync_copy(staging, outP_hbm.at[oidx])
                    oidx[...] = B + lanes

                p = jnp.where(p == 16, 0, p)
                pv = jnp.full((16,), 0, jnp.int32) + p
                for j in range(D // 16):
                    cj = lanes + j * 16
                    mv = plsc.load_gather(buf, [cj, col])
                    rvv = plsc.load_gather(rrflat, [mo * D + cj])
                    plsc.store_scatter(staging, [pv, cj], mv + rvv)
                plsc.store_scatter(oidx, [pv], isp, mask=lane0)
                return m & (lanes != lsp), p + 1

            m, p = lax.while_loop(cond, body, (m, p))
            return p

        return lax.fori_loop(0, LCAP // 16, scan_mem, p)

    cnt2 = cnt
    npair = jnp.where(wid == NW - 1, (WPT + 2) // 2, WPT // 2)
    wbufs = (wbuf, wbuf2)
    sems = (sem, sem2)

    def src_at(win):
        wb = pl.multiple_of(
            jnp.minimum(lo + win * WIN, (STUB // WIN - 1) * WIN), WIN)
        return memT_hbm.at[:, pl.ds(wb, WIN)]

    for b in range(2):
        pltpu.async_copy(src_at(b), wbufs[b], sems[b])

    def pair_body(q, p):
        for b in range(2):
            win = q * 2 + b
            wbase = pl.multiple_of(lo + win * WIN, WIN)
            pltpu.make_async_copy(src_at(win), wbufs[b], sems[b]).wait()
            p = process_window(wbufs[b], wbase, WIN, p)
            pltpu.async_copy(src_at(win + 2), wbufs[b], sems[b])
        return p

    p = lax.fori_loop(0, npair, pair_body, jnp.full((16,), 0, jnp.int32))
    for b in range(2):
        pltpu.make_async_copy(src_at(0), wbufs[b], sems[b]).wait()

    @pl.when(wid == NW - 1)
    def _():
        pltpu.sync_copy(stubT_hbm, sbuf)

    p = lax.cond(
        wid == NW - 1,
        lambda p: process_window(sbuf, STUB, M - STUB, p),
        lambda p: p, p)

    pltpu.sync_copy(staging, outP_hbm.at[oidx])


@functools.cache
def _flow_kernel():
    return functools.partial(
        pl.kernel,
        out_type=jax.ShapeDtypeStruct((B + 16, 2 * D), jnp.float32),
        mesh=_mesh(),
        scratch_types=[
            pltpu.VMEM((2048,), jnp.int32),
            pltpu.VMEM((LCAP,), jnp.int32),
            pltpu.VMEM((LCAP,), jnp.int32),
            pltpu.VMEM((LCAP,), jnp.int32),
            pltpu.VMEM((M - (NW - 1) * RPT,), jnp.int32),
            pltpu.VMEM((D, 2 * D), jnp.float32),
            pltpu.VMEM((LCAP * D,), jnp.float32),
            pltpu.VMEM((D, WIN), jnp.float32),
            pltpu.VMEM((D, WIN), jnp.float32),
            pltpu.VMEM((D, M - STUB), jnp.float32),
            pltpu.VMEM((16, 2 * D), jnp.float32),
            pltpu.VMEM((16,), jnp.int32),
            pltpu.SemaphoreType.DMA,
            pltpu.SemaphoreType.DMA,
        ],
        compiler_params=pltpu.CompilerParams(needs_layout_passes=False),
    )(_flow_body)


def kernel(mem, val, idx):
    idx32 = idx.astype(jnp.int32)
    memT = mem.T
    valT = val.T
    rateP = _rate(valT)
    stubT = memT[:, STUB:]
    outP = _flow_kernel()(memT, rateP, idx32, stubT)
    return _untranspose(outP).T

# --- scband reference (transcript-rebuilt; emitter-appended) ---
"""Pipeline reference for scband-spiking-hybrid-core-flow-61589831025170 (READ-ONLY COPY).

The authoritative reference and input builder live on the scoring server;
editing this copy changes nothing except your own understanding.
"""

import jax, jax.numpy as jnp
import numpy as np

T = 8  # simulation_length

def _uniform_spikes(tensor, cycle, T):
    # faithful port of SpikingHybridCoreFlow.to_uniform_spikes
    N = jnp.round(tensor * T).astype(jnp.int32)
    mask = (N != 0) & (N != T) & (cycle < T)
    N_safe = jnp.clip(N, 1, None).astype(jnp.float32)
    spacing = T / N_safe
    result = mask & (jnp.floor(cycle / spacing) < N_safe) & (jnp.floor(jnp.mod(float(cycle), spacing)) == 0)
    result = result.astype(jnp.float32)
    result = jnp.where(N == T, 1.0, result)
    return result


def setup_inputs(seed: int = 0) -> dict:
    key = jax.random.key(seed)
    k1, k2, k3 = jax.random.split(key, 3)
    mem = jax.random.normal(k1, (1000000, 64), dtype=jnp.float32)
    val = jax.random.uniform(k2, (16384, 64), dtype=jnp.float32)
    idx = jax.random.randint(k3, (16384,), 0, 1000000).astype(jnp.int64)
    return {"mem": mem, "val": val, "idx": idx}


def reference(mem, val, idx):
    # 1) rate-code val into spike trains over T cycles (Uniform spike mode)
    acc = jnp.zeros_like(val)
    for cycle in range(T):
        acc = acc + _uniform_spikes(val, cycle, T)
    rate = acc / float(T)
    # 2) assemble segment input: gather current state-buffer rows (gather)
    gathered = jnp.take(mem, idx, axis=0)
    # 3) segment compute: inject spike rates into gathered state
    updated = gathered + rate
    # 4) store segment output back into the global state buffer (scatter-overwrite)
    new_mem = mem.at[idx].set(updated)
    # 5) gather final output slices from the state buffer
    out = jnp.take(new_mem, idx, axis=0)
    return out

if __name__ == "__main__":
    import jax
    _d = setup_inputs()
    print(jax.jit(kernel)(*tuple(_d.values())))

</pallas_src>

<mosaic_0001>
#map = affine_map<(d0, d1) -> (0, 0)>
#map1 = affine_map<(d0, d1) -> (0)>
module attributes {stable_mosaic.version = 14 : i64} {
  func.func @_flow_body(%arg0: i32, %arg1: i32, %arg2: memref<64x1000000xf32, #tpu.memory_space<hbm>>, %arg3: memref<16384x128xf32, #tpu.memory_space<hbm>>, %arg4: memref<16384xi32, #tpu.memory_space<hbm>>, %arg5: memref<64x64xf32, #tpu.memory_space<hbm>>, %arg6: memref<16400x128xf32, #tpu.memory_space<hbm>>, %arg7: memref<2048xi32, #tpu.memory_space<vmem>>, %arg8: memref<640xi32, #tpu.memory_space<vmem>>, %arg9: memref<640xi32, #tpu.memory_space<vmem>>, %arg10: memref<640xi32, #tpu.memory_space<vmem>>, %arg11: memref<31808xi32, #tpu.memory_space<vmem>>, %arg12: memref<64x128xf32, #tpu.memory_space<vmem>>, %arg13: memref<40960xf32, #tpu.memory_space<vmem>>, %arg14: memref<64x256xf32, #tpu.memory_space<vmem>>, %arg15: memref<64x256xf32, #tpu.memory_space<vmem>>, %arg16: memref<64x64xf32, #tpu.memory_space<vmem>>, %arg17: memref<16x128xf32, #tpu.memory_space<vmem>>, %arg18: memref<16xi32, #tpu.memory_space<vmem>>, %arg19: memref<!tpu.dma_semaphore, #tpu.memory_space<semaphore_mem>>, %arg20: memref<!tpu.dma_semaphore, #tpu.memory_space<semaphore_mem>>) attributes {dimension_semantics = [#tpu.dimension_semantics<core_parallel>, #tpu.dimension_semantics<subcore_parallel>], iteration_bounds = array<i64: 2, 16>, scalar_prefetch = 0 : i64, scratch_operands = 14 : i64, tpu.core_type = #tpu.core_type<sc_vector_subcore>, window_params = [{transform_indices = #map}, {transform_indices = #map}, {transform_indices = #map1}, {transform_indices = #map}, {transform_indices = #map}]} {
    %mul3A = arith.constant 2 : i32
    %mul3A_0 = arith.muli %arg1, %mul3A : i32
    %add3A = arith.addi %mul3A_0, %arg0 : i32
    %iota3A = tpu.iota {dimensions = array<i32: 0>} : vector<16xi32>
    %mul3A_1 = arith.constant 31232 : i32
    %mul3A_2 = arith.muli %add3A, %mul3A_1 : i32
    %eq3A = arith.constant 31 : i32
    %eq3A_3 = arith.cmpi eq, %add3A, %eq3A : i32
    %add3A_4 = arith.constant 31232 : i32
    %add3A_5 = arith.addi %mul3A_2, %add3A_4 : i32
    %jit3A = arith.constant 1000000 : i32
    %select_n3A = arith.select %eq3A_3, %jit3A, %add3A_5 : i32
    %eq3A_6 = arith.constant 0 : i32
    %eq3A_7 = vector.broadcast %eq3A_6 : i32 to vector<16xi32>
    %eq3A_8 = arith.cmpi eq, %iota3A, %eq3A_7 : vector<16xi32>
    %scan3A = arith.constant 0 : i32
    %scan3A_9 = arith.constant 0 : i32
    %scan3A_10 = arith.constant 8 : i32
    %scan3A_11 = arith.addi %scan3A_9, %scan3A_10 : i32
    %scan3A_12 = arith.constant 1 : i32
    %scan3A_13 = scf.for %scan3A_242 = %scan3A_9 to %scan3A_11 step %scan3A_12 iter_args(%scan3A_243 = %scan3A) -> (i32)  : i32 {
      %mul3A_244 = arith.constant 2048 : i32
      %mul3A_245 = arith.muli %scan3A_242, %mul3A_244 : i32
      "tpu.region"() ({
        %run_scoped3A = tpu.sem_alloc : memref<!tpu.dma_semaphore, #tpu.memory_space<semaphore_mem>>
        %dma_start3A_252 = tpu.memref_slice %arg4[%mul3A_245] : memref<16384xi32, #tpu.memory_space<hbm>> -> memref<2048xi32, #tpu.memory_space<hbm>>
        %dma_start3A_253 = tpu.memref_slice %arg4[%mul3A_245] : memref<16384xi32, #tpu.memory_space<hbm>> -> memref<2048xi32, #tpu.memory_space<hbm>>
        tpu.enqueue_dma source(%dma_start3A_253 : memref<2048xi32, #tpu.memory_space<hbm>>) target(%arg7 : memref<2048xi32, #tpu.memory_space<vmem>>) target_semaphore(%run_scoped3A : memref<!tpu.dma_semaphore, #tpu.memory_space<semaphore_mem>>)
        %dma_wait3A_254 = tpu.memref_slice %arg4[%mul3A_245] : memref<16384xi32, #tpu.memory_space<hbm>> -> memref<2048xi32, #tpu.memory_space<hbm>>
        %dma_wait3A_255 = tpu.memref_slice %arg4[%mul3A_245] : memref<16384xi32, #tpu.memory_space<hbm>> -> memref<2048xi32, #tpu.memory_space<hbm>>
        tpu.wait_dma2 semaphore(%run_scoped3A : memref<!tpu.dma_semaphore, #tpu.memory_space<semaphore_mem>>) src(%dma_wait3A_255 : memref<2048xi32, #tpu.memory_space<hbm>>) dst(%arg7 : memref<2048xi32, #tpu.memory_space<vmem>>)
        tpu.yield
      }) : () -> ()
      %scan3A_246 = arith.constant 0 : i32
      %scan3A_247 = arith.constant 128 : i32
      %scan3A_248 = arith.addi %scan3A_246, %scan3A_247 : i32
      %scan3A_249 = arith.constant 1 : i32
      %scan3A_250 = scf.for %scan3A_252 = %scan3A_246 to %scan3A_248 step %scan3A_249 iter_args(%scan3A_253 = %scan3A_243) -> (i32)  : i32 {
        %mul3A_254 = arith.constant 16 : i32
        %mul3A_255 = arith.muli %scan3A_252, %mul3A_254 : i32
        %get3A = arith.index_cast %mul3A_255 : i32 to index
        %get3A_256 = tpu.vector_load %arg7[%get3A] {strides = array<i32>} : memref<2048xi32, #tpu.memory_space<vmem>>, vector<16xi32>,
        %ge3A = vector.broadcast %mul3A_2 : i32 to vector<16xi32>
        %ge3A_257 = arith.cmpi sge, %get3A_256, %ge3A : vector<16xi32>
        %lt3A = vector.broadcast %select_n3A : i32 to vector<16xi32>
        %lt3A_258 = arith.cmpi slt, %get3A_256, %lt3A : vector<16xi32>
        %and3A = arith.andi %ge3A_257, %lt3A_258 : vector<16xi1>
        %while3A_259:2 = scf.while (%while3A_260 = %and3A, %while3A_261 = %scan3A_253) : (vector<16xi1>, i32) -> (vector<16xi1>, i32) {
          %all_reduce_population_count3A = tpu.all_reduce %while3A_260 {dim = 0 : i64, kind = #tpu.reduction_kind<sum>} : vector<16xi1> -> vector<16xi32>
          %slice3A = vector.extract_strided_slice %all_reduce_population_count3A {offsets = [0], sizes = [1], strides = [1]} : vector<16xi32> to vector<1xi32>
          %squeeze3A = vector.extract %slice3A[0] : i32 from vector<1xi32>
          %gt3A = arith.constant 0 : i32
          %gt3A_262 = arith.cmpi sgt, %squeeze3A, %gt3A : i32
          scf.condition(%gt3A_262) %while3A_260, %while3A_261 : vector<16xi1>, i32
        } do {
        ^bb0(%while3A_260: vector<16xi1>, %while3A_261: i32):
          %all_reduce_ffs3A = tpu.all_reduce %while3A_260 {dim = 0 : i64, kind = #tpu.reduction_kind<find_first_set>} : vector<16xi1> -> vector<16xi32>
          %broadcast_in_dim3A_262 = vector.shape_cast %all_reduce_ffs3A : vector<16xi32> to vector<16x1xi32>
          %gather3A = vector.shape_cast %broadcast_in_dim3A_262 : vector<16x1xi32> to vector<16xi32>
          %gather3A_263 = tpu.dynamic_gather %get3A_256[%gather3A] in [0] : vector<16xi32>, vector<16xi32> -> vector<16xi32>
          %mul3A_264 = arith.constant 2048 : i32
          %mul3A_265 = arith.muli %scan3A_242, %mul3A_264 : i32
          %mul3A_266 = arith.constant 16 : i32
          %mul3A_267 = arith.muli %scan3A_252, %mul3A_266 : i32
          %add3A_268 = arith.addi %mul3A_265, %mul3A_267 : i32
          %add3A_269 = vector.broadcast %add3A_268 : i32 to vector<16xi32>
          %add3A_270 = arith.addi %add3A_269, %all_reduce_ffs3A : vector<16xi32>
          %broadcast_in_dim3A_271 = vector.broadcast %while3A_261 : i32 to vector<16xi32>
          tpu.vector_store_idx %arg8[%broadcast_in_dim3A_271], %add3A_270 masked %eq3A_8 : memref<640xi32, #tpu.memory_space<vmem>>[vector<16xi32>], vector<16xi32>, vector<16xi1>
          tpu.vector_store_idx %arg9[%broadcast_in_dim3A_271], %gather3A_263 masked %eq3A_8 : memref<640xi32, #tpu.memory_space<vmem>>[vector<16xi32>], vector<16xi32>, vector<16xi1>
          %sub3A = vector.broadcast %mul3A_2 : i32 to vector<16xi32>
          %sub3A_272 = arith.subi %gather3A_263, %sub3A : vector<16xi32>
          tpu.vector_store_idx %arg11[%sub3A_272], %add3A_270 masked %eq3A_8 : memref<31808xi32, #tpu.memory_space<vmem>>[vector<16xi32>], vector<16xi32>, vector<16xi1>
          %ne3A = arith.cmpi ne, %iota3A, %all_reduce_ffs3A : vector<16xi32>
          %and3A_273 = arith.andi %while3A_260, %ne3A : vector<16xi1>
          %add3A_274 = arith.constant 1 : i32
          %add3A_275 = arith.addi %while3A_261, %add3A_274 : i32
          scf.yield %and3A_273, %add3A_275 : vector<16xi1>, i32
        }
        scf.yield %while3A_259#1 : i32
      }
      %scan3A_251 = arith.constant 128 : i32
      scf.yield %scan3A_250 : i32
    }
    %scan3A_14 = arith.constant 8 : i32
    %scan3A_15 = arith.constant 0 : i32
    %scan3A_16 = arith.constant 0 : i32
    %scan3A_17 = arith.constant 40 : i32
    %scan3A_18 = arith.addi %scan3A_16, %scan3A_17 : i32
    %scan3A_19 = arith.constant 1 : i32
    scf.for %scan3A_242 = %scan3A_16 to %scan3A_18 step %scan3A_19  : i32 {
      %mul3A_243 = arith.constant 16 : i32
      %mul3A_244 = arith.muli %scan3A_242, %mul3A_243 : i32
      %add3A_245 = vector.broadcast %mul3A_244 : i32 to vector<16xi32>
      %add3A_246 = arith.addi %add3A_245, %iota3A : vector<16xi32>
      %lt3A = vector.broadcast %scan3A_13 : i32 to vector<16xi32>
      %lt3A_247 = arith.cmpi slt, %add3A_246, %lt3A : vector<16xi32>
      %mul3A_248 = arith.constant 16 : i32
      %mul3A_249 = arith.muli %scan3A_242, %mul3A_248 : i32
      %get3A = arith.index_cast %mul3A_249 : i32 to index
      %get3A_250 = tpu.vector_load %arg9[%get3A] {strides = array<i32>} : memref<640xi32, #tpu.memory_space<vmem>>, vector<16xi32>,
      %sub3A = vector.broadcast %mul3A_2 : i32 to vector<16xi32>
      %sub3A_251 = arith.subi %get3A_250, %sub3A : vector<16xi32>
      %gather3A = tpu.vector_load_idx %arg11[%sub3A_251] masked %lt3A_247 : memref<31808xi32, #tpu.memory_space<vmem>>[vector<16xi32>], vector<16xi32>, vector<16xi1>
      %jit3A_252 = arith.constant 0 : i32
      %broadcast_in_dim3A_253 = vector.broadcast %jit3A_252 : i32 to vector<16xi32>
      %select_n3A_254 = arith.select %lt3A_247, %gather3A, %broadcast_in_dim3A_253 : vector<16xi1>, vector<16xi32>
      %mul3A_255 = arith.constant 16 : i32
      %mul3A_256 = arith.muli %scan3A_242, %mul3A_255 : i32
      %swap3A_257 = arith.index_cast %mul3A_256 : i32 to index
      %swap3A_258 = tpu.vector_load %arg10[%swap3A_257] {strides = array<i32>} : memref<640xi32, #tpu.memory_space<vmem>>, vector<16xi32>,
      tpu.vector_store %arg10[%swap3A_257], %select_n3A_254 {strides = array<i32>} : memref<640xi32, #tpu.memory_space<vmem>>, vector<16xi32>,
    }
    %scan3A_20 = arith.constant 40 : i32
    %dma_start3A = arith.constant 0 : i32
    %dma_start3A_21 = tpu.memref_slice %arg10[%dma_start3A] : memref<640xi32, #tpu.memory_space<vmem>> -> memref<64xi32, #tpu.memory_space<vmem>>
    %dma_start3A_22 = arith.constant 0 : i32
    %dma_start3A_23 = arith.constant 0 : i32
    %dma_start3A_24 = tpu.memref_slice %arg3[%dma_start3A_22, %dma_start3A_23] : memref<16384x128xf32, #tpu.memory_space<hbm>> -> memref<16384x128xf32, #tpu.memory_space<hbm>>
    tpu.enqueue_indirect_dma source(%dma_start3A_24 : memref<16384x128xf32, #tpu.memory_space<hbm>>) target(%arg12 : memref<64x128xf32, #tpu.memory_space<vmem>>) offsets(%dma_start3A_21 : memref<64xi32, #tpu.memory_space<vmem>>) semaphore(%arg19 : memref<!tpu.dma_semaphore, #tpu.memory_space<semaphore_mem>>)
    %dma_wait3A = arith.constant 0 : i32
    %dma_wait3A_25 = tpu.memref_slice %arg10[%dma_wait3A] : memref<640xi32, #tpu.memory_space<vmem>> -> memref<64xi32, #tpu.memory_space<vmem>>
    %dma_wait3A_26 = arith.constant 0 : i32
    %dma_wait3A_27 = arith.constant 0 : i32
    %dma_wait3A_28 = tpu.memref_slice %arg3[%dma_wait3A_26, %dma_wait3A_27] : memref<16384x128xf32, #tpu.memory_space<hbm>> -> memref<16384x128xf32, #tpu.memory_space<hbm>>
    tpu.wait_indirect_dma semaphore(%arg19 : memref<!tpu.dma_semaphore, #tpu.memory_space<semaphore_mem>>) src(%dma_wait3A_28 : memref<16384x128xf32, #tpu.memory_space<hbm>>) dst(%arg12 : memref<64x128xf32, #tpu.memory_space<vmem>>)
    %scan3A_29 = arith.constant 0 : i32
    %scan3A_30 = arith.constant 0 : i32
    %scan3A_31 = arith.constant 64 : i32
    %scan3A_32 = arith.addi %scan3A_30, %scan3A_31 : i32
    %scan3A_33 = arith.constant 1 : i32
    scf.for %scan3A_242 = %scan3A_30 to %scan3A_32 step %scan3A_33  : i32 {
      %broadcast_in_dim3A_243 = vector.broadcast %scan3A_242 : i32 to vector<16xi32>
      %add3A_244 = arith.constant 0 : i32
      %add3A_245 = vector.broadcast %add3A_244 : i32 to vector<16xi32>
      %add3A_246 = arith.addi %iota3A, %add3A_245 : vector<16xi32>
      %gather3A = tpu.vector_load_idx %arg12[%broadcast_in_dim3A_243, %add3A_246] : memref<64x128xf32, #tpu.memory_space<vmem>>[vector<16xi32>, vector<16xi32>], vector<16xf32>,
      %add3A_247 = arith.constant 0 : i32
      %add3A_248 = arith.addi %add3A_247, %scan3A_242 : i32
      %mul3A_249 = arith.constant 64 : i32
      %mul3A_250 = arith.muli %add3A_248, %mul3A_249 : i32
      %add3A_251 = vector.broadcast %mul3A_250 : i32 to vector<16xi32>
      %add3A_252 = arith.addi %add3A_251, %add3A_246 : vector<16xi32>
      tpu.vector_store_idx %arg13[%add3A_252], %gather3A : memref<40960xf32, #tpu.memory_space<vmem>>[vector<16xi32>], vector<16xf32>,
      %add3A_253 = arith.constant 16 : i32
      %add3A_254 = vector.broadcast %add3A_253 : i32 to vector<16xi32>
      %add3A_255 = arith.addi %iota3A, %add3A_254 : vector<16xi32>
      %gather3A_256 = tpu.vector_load_idx %arg12[%broadcast_in_dim3A_243, %add3A_255] : memref<64x128xf32, #tpu.memory_space<vmem>>[vector<16xi32>, vector<16xi32>], vector<16xf32>,
      %add3A_257 = arith.constant 0 : i32
      %add3A_258 = arith.addi %add3A_257, %scan3A_242 : i32
      %mul3A_259 = arith.constant 64 : i32
      %mul3A_260 = arith.muli %add3A_258, %mul3A_259 : i32
      %add3A_261 = vector.broadcast %mul3A_260 : i32 to vector<16xi32>
      %add3A_262 = arith.addi %add3A_261, %add3A_255 : vector<16xi32>
      tpu.vector_store_idx %arg13[%add3A_262], %gather3A_256 : memref<40960xf32, #tpu.memory_space<vmem>>[vector<16xi32>], vector<16xf32>,
      %add3A_263 = arith.constant 32 : i32
      %add3A_264 = vector.broadcast %add3A_263 : i32 to vector<16xi32>
      %add3A_265 = arith.addi %iota3A, %add3A_264 : vector<16xi32>
      %gather3A_266 = tpu.vector_load_idx %arg12[%broadcast_in_dim3A_243, %add3A_265] : memref<64x128xf32, #tpu.memory_space<vmem>>[vector<16xi32>, vector<16xi32>], vector<16xf32>,
      %add3A_267 = arith.constant 0 : i32
      %add3A_268 = arith.addi %add3A_267, %scan3A_242 : i32
      %mul3A_269 = arith.constant 64 : i32
      %mul3A_270 = arith.muli %add3A_268, %mul3A_269 : i32
      %add3A_271 = vector.broadcast %mul3A_270 : i32 to vector<16xi32>
      %add3A_272 = arith.addi %add3A_271, %add3A_265 : vector<16xi32>
      tpu.vector_store_idx %arg13[%add3A_272], %gather3A_266 : memref<40960xf32, #tpu.memory_space<vmem>>[vector<16xi32>], vector<16xf32>,
      %add3A_273 = arith.constant 48 : i32
      %add3A_274 = vector.broadcast %add3A_273 : i32 to vector<16xi32>
      %add3A_275 = arith.addi %iota3A, %add3A_274 : vector<16xi32>
      %gather3A_276 = tpu.vector_load_idx %arg12[%broadcast_in_dim3A_243, %add3A_275] : memref<64x128xf32, #tpu.memory_space<vmem>>[vector<16xi32>, vector<16xi32>], vector<16xf32>,
      %add3A_277 = arith.constant 0 : i32
      %add3A_278 = arith.addi %add3A_277, %scan3A_242 : i32
      %mul3A_279 = arith.constant 64 : i32
      %mul3A_280 = arith.muli %add3A_278, %mul3A_279 : i32
      %add3A_281 = vector.broadcast %mul3A_280 : i32 to vector<16xi32>
      %add3A_282 = arith.addi %add3A_281, %add3A_275 : vector<16xi32>
      tpu.vector_store_idx %arg13[%add3A_282], %gather3A_276 : memref<40960xf32, #tpu.memory_space<vmem>>[vector<16xi32>], vector<16xf32>,
    }
    %scan3A_34 = arith.constant 64 : i32
    %dma_start3A_35 = arith.constant 64 : i32
    %dma_start3A_36 = tpu.memref_slice %arg10[%dma_start3A_35] : memref<640xi32, #tpu.memory_space<vmem>> -> memref<64xi32, #tpu.memory_space<vmem>>
    %dma_start3A_37 = arith.constant 0 : i32
    %dma_start3A_38 = arith.constant 0 : i32
    %dma_start3A_39 = tpu.memref_slice %arg3[%dma_start3A_37, %dma_start3A_38] : memref<16384x128xf32, #tpu.memory_space<hbm>> -> memref<16384x128xf32, #tpu.memory_space<hbm>>
    tpu.enqueue_indirect_dma source(%dma_start3A_39 : memref<16384x128xf32, #tpu.memory_space<hbm>>) target(%arg12 : memref<64x128xf32, #tpu.memory_space<vmem>>) offsets(%dma_start3A_36 : memref<64xi32, #tpu.memory_space<vmem>>) semaphore(%arg19 : memref<!tpu.dma_semaphore, #tpu.memory_space<semaphore_mem>>)
    %dma_wait3A_40 = arith.constant 64 : i32
    %dma_wait3A_41 = tpu.memref_slice %arg10[%dma_wait3A_40] : memref<640xi32, #tpu.memory_space<vmem>> -> memref<64xi32, #tpu.memory_space<vmem>>
    %dma_wait3A_42 = arith.constant 0 : i32
    %dma_wait3A_43 = arith.constant 0 : i32
    %dma_wait3A_44 = tpu.memref_slice %arg3[%dma_wait3A_42, %dma_wait3A_43] : memref<16384x128xf32, #tpu.memory_space<hbm>> -> memref<16384x128xf32, #tpu.memory_space<hbm>>
    tpu.wait_indirect_dma semaphore(%arg19 : memref<!tpu.dma_semaphore, #tpu.memory_space<semaphore_mem>>) src(%dma_wait3A_44 : memref<16384x128xf32, #tpu.memory_space<hbm>>) dst(%arg12 : memref<64x128xf32, #tpu.memory_space<vmem>>)
    %scan3A_45 = arith.constant 0 : i32
    %scan3A_46 = arith.constant 0 : i32
    %scan3A_47 = arith.constant 64 : i32
    %scan3A_48 = arith.addi %scan3A_46, %scan3A_47 : i32
    %scan3A_49 = arith.constant 1 : i32
    scf.for %scan3A_242 = %scan3A_46 to %scan3A_48 step %scan3A_49  : i32 {
      %broadcast_in_dim3A_243 = vector.broadcast %scan3A_242 : i32 to vector<16xi32>
      %add3A_244 = arith.constant 0 : i32
      %add3A_245 = vector.broadcast %add3A_244 : i32 to vector<16xi32>
      %add3A_246 = arith.addi %iota3A, %add3A_245 : vector<16xi32>
      %gather3A = tpu.vector_load_idx %arg12[%broadcast_in_dim3A_243, %add3A_246] : memref<64x128xf32, #tpu.memory_space<vmem>>[vector<16xi32>, vector<16xi32>], vector<16xf32>,
      %add3A_247 = arith.constant 64 : i32
      %add3A_248 = arith.addi %add3A_247, %scan3A_242 : i32
      %mul3A_249 = arith.constant 64 : i32
      %mul3A_250 = arith.muli %add3A_248, %mul3A_249 : i32
      %add3A_251 = vector.broadcast %mul3A_250 : i32 to vector<16xi32>
      %add3A_252 = arith.addi %add3A_251, %add3A_246 : vector<16xi32>
      tpu.vector_store_idx %arg13[%add3A_252], %gather3A : memref<40960xf32, #tpu.memory_space<vmem>>[vector<16xi32>], vector<16xf32>,
      %add3A_253 = arith.constant 16 : i32
      %add3A_254 = vector.broadcast %add3A_253 : i32 to vector<16xi32>
      %add3A_255 = arith.addi %iota3A, %add3A_254 : vector<16xi32>
      %gather3A_256 = tpu.vector_load_idx %arg12[%broadcast_in_dim3A_243, %add3A_255] : memref<64x128xf32, #tpu.memory_space<vmem>>[vector<16xi32>, vector<16xi32>], vector<16xf32>,
      %add3A_257 = arith.constant 64 : i32
      %add3A_258 = arith.addi %add3A_257, %scan3A_242 : i32
      %mul3A_259 = arith.constant 64 : i32
      %mul3A_260 = arith.muli %add3A_258, %mul3A_259 : i32
      %add3A_261 = vector.broadcast %mul3A_260 : i32 to vector<16xi32>
      %add3A_262 = arith.addi %add3A_261, %add3A_255 : vector<16xi32>
      tpu.vector_store_idx %arg13[%add3A_262], %gather3A_256 : memref<40960xf32, #tpu.memory_space<vmem>>[vector<16xi32>], vector<16xf32>,
      %add3A_263 = arith.constant 32 : i32
      %add3A_264 = vector.broadcast %add3A_263 : i32 to vector<16xi32>
      %add3A_265 = arith.addi %iota3A, %add3A_264 : vector<16xi32>
      %gather3A_266 = tpu.vector_load_idx %arg12[%broadcast_in_dim3A_243, %add3A_265] : memref<64x128xf32, #tpu.memory_space<vmem>>[vector<16xi32>, vector<16xi32>], vector<16xf32>,
      %add3A_267 = arith.constant 64 : i32
      %add3A_268 = arith.addi %add3A_267, %scan3A_242 : i32
      %mul3A_269 = arith.constant 64 : i32
      %mul3A_270 = arith.muli %add3A_268, %mul3A_269 : i32
      %add3A_271 = vector.broadcast %mul3A_270 : i32 to vector<16xi32>
      %add3A_272 = arith.addi %add3A_271, %add3A_265 : vector<16xi32>
      tpu.vector_store_idx %arg13[%add3A_272], %gather3A_266 : memref<40960xf32, #tpu.memory_space<vmem>>[vector<16xi32>], vector<16xf32>,
      %add3A_273 = arith.constant 48 : i32
      %add3A_274 = vector.broadcast %add3A_273 : i32 to vector<16xi32>
      %add3A_275 = arith.addi %iota3A, %add3A_274 : vector<16xi32>
      %gather3A_276 = tpu.vector_load_idx %arg12[%broadcast_in_dim3A_243, %add3A_275] : memref<64x128xf32, #tpu.memory_space<vmem>>[vector<16xi32>, vector<16xi32>], vector<16xf32>,
      %add3A_277 = arith.constant 64 : i32
      %add3A_278 = arith.addi %add3A_277, %scan3A_242 : i32
      %mul3A_279 = arith.constant 64 : i32
      %mul3A_280 = arith.muli %add3A_278, %mul3A_279 : i32
      %add3A_281 = vector.broadcast %mul3A_280 : i32 to vector<16xi32>
      %add3A_282 = arith.addi %add3A_281, %add3A_275 : vector<16xi32>
      tpu.vector_store_idx %arg13[%add3A_282], %gather3A_276 : memref<40960xf32, #tpu.memory_space<vmem>>[vector<16xi32>], vector<16xf32>,
    }
    %scan3A_50 = arith.constant 64 : i32
    %dma_start3A_51 = arith.constant 128 : i32
    %dma_start3A_52 = tpu.memref_slice %arg10[%dma_start3A_51] : memref<640xi32, #tpu.memory_space<vmem>> -> memref<64xi32, #tpu.memory_space<vmem>>
    %dma_start3A_53 = arith.constant 0 : i32
    %dma_start3A_54 = arith.constant 0 : i32
    %dma_start3A_55 = tpu.memref_slice %arg3[%dma_start3A_53, %dma_start3A_54] : memref<16384x128xf32, #tpu.memory_space<hbm>> -> memref<16384x128xf32, #tpu.memory_space<hbm>>
    tpu.enqueue_indirect_dma source(%dma_start3A_55 : memref<16384x128xf32, #tpu.memory_space<hbm>>) target(%arg12 : memref<64x128xf32, #tpu.memory_space<vmem>>) offsets(%dma_start3A_52 : memref<64xi32, #tpu.memory_space<vmem>>) semaphore(%arg19 : memref<!tpu.dma_semaphore, #tpu.memory_space<semaphore_mem>>)
    %dma_wait3A_56 = arith.constant 128 : i32
    %dma_wait3A_57 = tpu.memref_slice %arg10[%dma_wait3A_56] : memref<640xi32, #tpu.memory_space<vmem>> -> memref<64xi32, #tpu.memory_space<vmem>>
    %dma_wait3A_58 = arith.constant 0 : i32
    %dma_wait3A_59 = arith.constant 0 : i32
    %dma_wait3A_60 = tpu.memref_slice %arg3[%dma_wait3A_58, %dma_wait3A_59] : memref<16384x128xf32, #tpu.memory_space<hbm>> -> memref<16384x128xf32, #tpu.memory_space<hbm>>
    tpu.wait_indirect_dma semaphore(%arg19 : memref<!tpu.dma_semaphore, #tpu.memory_space<semaphore_mem>>) src(%dma_wait3A_60 : memref<16384x128xf32, #tpu.memory_space<hbm>>) dst(%arg12 : memref<64x128xf32, #tpu.memory_space<vmem>>)
    %scan3A_61 = arith.constant 0 : i32
    %scan3A_62 = arith.constant 0 : i32
    %scan3A_63 = arith.constant 64 : i32
    %scan3A_64 = arith.addi %scan3A_62, %scan3A_63 : i32
    %scan3A_65 = arith.constant 1 : i32
    scf.for %scan3A_242 = %scan3A_62 to %scan3A_64 step %scan3A_65  : i32 {
      %broadcast_in_dim3A_243 = vector.broadcast %scan3A_242 : i32 to vector<16xi32>
      %add3A_244 = arith.constant 0 : i32
      %add3A_245 = vector.broadcast %add3A_244 : i32 to vector<16xi32>
      %add3A_246 = arith.addi %iota3A, %add3A_245 : vector<16xi32>
      %gather3A = tpu.vector_load_idx %arg12[%broadcast_in_dim3A_243, %add3A_246] : memref<64x128xf32, #tpu.memory_space<vmem>>[vector<16xi32>, vector<16xi32>], vector<16xf32>,
      %add3A_247 = arith.constant 128 : i32
      %add3A_248 = arith.addi %add3A_247, %scan3A_242 : i32
      %mul3A_249 = arith.constant 64 : i32
      %mul3A_250 = arith.muli %add3A_248, %mul3A_249 : i32
      %add3A_251 = vector.broadcast %mul3A_250 : i32 to vector<16xi32>
      %add3A_252 = arith.addi %add3A_251, %add3A_246 : vector<16xi32>
      tpu.vector_store_idx %arg13[%add3A_252], %gather3A : memref<40960xf32, #tpu.memory_space<vmem>>[vector<16xi32>], vector<16xf32>,
      %add3A_253 = arith.constant 16 : i32
      %add3A_254 = vector.broadcast %add3A_253 : i32 to vector<16xi32>
      %add3A_255 = arith.addi %iota3A, %add3A_254 : vector<16xi32>
      %gather3A_256 = tpu.vector_load_idx %arg12[%broadcast_in_dim3A_243, %add3A_255] : memref<64x128xf32, #tpu.memory_space<vmem>>[vector<16xi32>, vector<16xi32>], vector<16xf32>,
      %add3A_257 = arith.constant 128 : i32
      %add3A_258 = arith.addi %add3A_257, %scan3A_242 : i32
      %mul3A_259 = arith.constant 64 : i32
      %mul3A_260 = arith.muli %add3A_258, %mul3A_259 : i32
      %add3A_261 = vector.broadcast %mul3A_260 : i32 to vector<16xi32>
      %add3A_262 = arith.addi %add3A_261, %add3A_255 : vector<16xi32>
      tpu.vector_store_idx %arg13[%add3A_262], %gather3A_256 : memref<40960xf32, #tpu.memory_space<vmem>>[vector<16xi32>], vector<16xf32>,
      %add3A_263 = arith.constant 32 : i32
      %add3A_264 = vector.broadcast %add3A_263 : i32 to vector<16xi32>
      %add3A_265 = arith.addi %iota3A, %add3A_264 : vector<16xi32>
      %gather3A_266 = tpu.vector_load_idx %arg12[%broadcast_in_dim3A_243, %add3A_265] : memref<64x128xf32, #tpu.memory_space<vmem>>[vector<16xi32>, vector<16xi32>], vector<16xf32>,
      %add3A_267 = arith.constant 128 : i32
      %add3A_268 = arith.addi %add3A_267, %scan3A_242 : i32
      %mul3A_269 = arith.constant 64 : i32
      %mul3A_270 = arith.muli %add3A_268, %mul3A_269 : i32
      %add3A_271 = vector.broadcast %mul3A_270 : i32 to vector<16xi32>
      %add3A_272 = arith.addi %add3A_271, %add3A_265 : vector<16xi32>
      tpu.vector_store_idx %arg13[%add3A_272], %gather3A_266 : memref<40960xf32, #tpu.memory_space<vmem>>[vector<16xi32>], vector<16xf32>,
      %add3A_273 = arith.constant 48 : i32
      %add3A_274 = vector.broadcast %add3A_273 : i32 to vector<16xi32>
      %add3A_275 = arith.addi %iota3A, %add3A_274 : vector<16xi32>
      %gather3A_276 = tpu.vector_load_idx %arg12[%broadcast_in_dim3A_243, %add3A_275] : memref<64x128xf32, #tpu.memory_space<vmem>>[vector<16xi32>, vector<16xi32>], vector<16xf32>,
      %add3A_277 = arith.constant 128 : i32
      %add3A_278 = arith.addi %add3A_277, %scan3A_242 : i32
      %mul3A_279 = arith.constant 64 : i32
      %mul3A_280 = arith.muli %add3A_278, %mul3A_279 : i32
      %add3A_281 = vector.broadcast %mul3A_280 : i32 to vector<16xi32>
      %add3A_282 = arith.addi %add3A_281, %add3A_275 : vector<16xi32>
      tpu.vector_store_idx %arg13[%add3A_282], %gather3A_276 : memref<40960xf32, #tpu.memory_space<vmem>>[vector<16xi32>], vector<16xf32>,
    }
    %scan3A_66 = arith.constant 64 : i32
    %dma_start3A_67 = arith.constant 192 : i32
    %dma_start3A_68 = tpu.memref_slice %arg10[%dma_start3A_67] : memref<640xi32, #tpu.memory_space<vmem>> -> memref<64xi32, #tpu.memory_space<vmem>>
    %dma_start3A_69 = arith.constant 0 : i32
    %dma_start3A_70 = arith.constant 0 : i32
    %dma_start3A_71 = tpu.memref_slice %arg3[%dma_start3A_69, %dma_start3A_70] : memref<16384x128xf32, #tpu.memory_space<hbm>> -> memref<16384x128xf32, #tpu.memory_space<hbm>>
    tpu.enqueue_indirect_dma source(%dma_start3A_71 : memref<16384x128xf32, #tpu.memory_space<hbm>>) target(%arg12 : memref<64x128xf32, #tpu.memory_space<vmem>>) offsets(%dma_start3A_68 : memref<64xi32, #tpu.memory_space<vmem>>) semaphore(%arg19 : memref<!tpu.dma_semaphore, #tpu.memory_space<semaphore_mem>>)
    %dma_wait3A_72 = arith.constant 192 : i32
    %dma_wait3A_73 = tpu.memref_slice %arg10[%dma_wait3A_72] : memref<640xi32, #tpu.memory_space<vmem>> -> memref<64xi32, #tpu.memory_space<vmem>>
    %dma_wait3A_74 = arith.constant 0 : i32
    %dma_wait3A_75 = arith.constant 0 : i32
    %dma_wait3A_76 = tpu.memref_slice %arg3[%dma_wait3A_74, %dma_wait3A_75] : memref<16384x128xf32, #tpu.memory_space<hbm>> -> memref<16384x128xf32, #tpu.memory_space<hbm>>
    tpu.wait_indirect_dma semaphore(%arg19 : memref<!tpu.dma_semaphore, #tpu.memory_space<semaphore_mem>>) src(%dma_wait3A_76 : memref<16384x128xf32, #tpu.memory_space<hbm>>) dst(%arg12 : memref<64x128xf32, #tpu.memory_space<vmem>>)
    %scan3A_77 = arith.constant 0 : i32
    %scan3A_78 = arith.constant 0 : i32
    %scan3A_79 = arith.constant 64 : i32
    %scan3A_80 = arith.addi %scan3A_78, %scan3A_79 : i32
    %scan3A_81 = arith.constant 1 : i32
    scf.for %scan3A_242 = %scan3A_78 to %scan3A_80 step %scan3A_81  : i32 {
      %broadcast_in_dim3A_243 = vector.broadcast %scan3A_242 : i32 to vector<16xi32>
      %add3A_244 = arith.constant 0 : i32
      %add3A_245 = vector.broadcast %add3A_244 : i32 to vector<16xi32>
      %add3A_246 = arith.addi %iota3A, %add3A_245 : vector<16xi32>
      %gather3A = tpu.vector_load_idx %arg12[%broadcast_in_dim3A_243, %add3A_246] : memref<64x128xf32, #tpu.memory_space<vmem>>[vector<16xi32>, vector<16xi32>], vector<16xf32>,
      %add3A_247 = arith.constant 192 : i32
      %add3A_248 = arith.addi %add3A_247, %scan3A_242 : i32
      %mul3A_249 = arith.constant 64 : i32
      %mul3A_250 = arith.muli %add3A_248, %mul3A_249 : i32
      %add3A_251 = vector.broadcast %mul3A_250 : i32 to vector<16xi32>
      %add3A_252 = arith.addi %add3A_251, %add3A_246 : vector<16xi32>
      tpu.vector_store_idx %arg13[%add3A_252], %gather3A : memref<40960xf32, #tpu.memory_space<vmem>>[vector<16xi32>], vector<16xf32>,
      %add3A_253 = arith.constant 16 : i32
      %add3A_254 = vector.broadcast %add3A_253 : i32 to vector<16xi32>
      %add3A_255 = arith.addi %iota3A, %add3A_254 : vector<16xi32>
      %gather3A_256 = tpu.vector_load_idx %arg12[%broadcast_in_dim3A_243, %add3A_255] : memref<64x128xf32, #tpu.memory_space<vmem>>[vector<16xi32>, vector<16xi32>], vector<16xf32>,
      %add3A_257 = arith.constant 192 : i32
      %add3A_258 = arith.addi %add3A_257, %scan3A_242 : i32
      %mul3A_259 = arith.constant 64 : i32
      %mul3A_260 = arith.muli %add3A_258, %mul3A_259 : i32
      %add3A_261 = vector.broadcast %mul3A_260 : i32 to vector<16xi32>
      %add3A_262 = arith.addi %add3A_261, %add3A_255 : vector<16xi32>
      tpu.vector_store_idx %arg13[%add3A_262], %gather3A_256 : memref<40960xf32, #tpu.memory_space<vmem>>[vector<16xi32>], vector<16xf32>,
      %add3A_263 = arith.constant 32 : i32
      %add3A_264 = vector.broadcast %add3A_263 : i32 to vector<16xi32>
      %add3A_265 = arith.addi %iota3A, %add3A_264 : vector<16xi32>
      %gather3A_266 = tpu.vector_load_idx %arg12[%broadcast_in_dim3A_243, %add3A_265] : memref<64x128xf32, #tpu.memory_space<vmem>>[vector<16xi32>, vector<16xi32>], vector<16xf32>,
      %add3A_267 = arith.constant 192 : i32
      %add3A_268 = arith.addi %add3A_267, %scan3A_242 : i32
      %mul3A_269 = arith.constant 64 : i32
      %mul3A_270 = arith.muli %add3A_268, %mul3A_269 : i32
      %add3A_271 = vector.broadcast %mul3A_270 : i32 to vector<16xi32>
      %add3A_272 = arith.addi %add3A_271, %add3A_265 : vector<16xi32>
      tpu.vector_store_idx %arg13[%add3A_272], %gather3A_266 : memref<40960xf32, #tpu.memory_space<vmem>>[vector<16xi32>], vector<16xf32>,
      %add3A_273 = arith.constant 48 : i32
      %add3A_274 = vector.broadcast %add3A_273 : i32 to vector<16xi32>
      %add3A_275 = arith.addi %iota3A, %add3A_274 : vector<16xi32>
      %gather3A_276 = tpu.vector_load_idx %arg12[%broadcast_in_dim3A_243, %add3A_275] : memref<64x128xf32, #tpu.memory_space<vmem>>[vector<16xi32>, vector<16xi32>], vector<16xf32>,
      %add3A_277 = arith.constant 192 : i32
      %add3A_278 = arith.addi %add3A_277, %scan3A_242 : i32
      %mul3A_279 = arith.constant 64 : i32
      %mul3A_280 = arith.muli %add3A_278, %mul3A_279 : i32
      %add3A_281 = vector.broadcast %mul3A_280 : i32 to vector<16xi32>
      %add3A_282 = arith.addi %add3A_281, %add3A_275 : vector<16xi32>
      tpu.vector_store_idx %arg13[%add3A_282], %gather3A_276 : memref<40960xf32, #tpu.memory_space<vmem>>[vector<16xi32>], vector<16xf32>,
    }
    %scan3A_82 = arith.constant 64 : i32
    %dma_start3A_83 = arith.constant 256 : i32
    %dma_start3A_84 = tpu.memref_slice %arg10[%dma_start3A_83] : memref<640xi32, #tpu.memory_space<vmem>> -> memref<64xi32, #tpu.memory_space<vmem>>
    %dma_start3A_85 = arith.constant 0 : i32
    %dma_start3A_86 = arith.constant 0 : i32
    %dma_start3A_87 = tpu.memref_slice %arg3[%dma_start3A_85, %dma_start3A_86] : memref<16384x128xf32, #tpu.memory_space<hbm>> -> memref<16384x128xf32, #tpu.memory_space<hbm>>
    tpu.enqueue_indirect_dma source(%dma_start3A_87 : memref<16384x128xf32, #tpu.memory_space<hbm>>) target(%arg12 : memref<64x128xf32, #tpu.memory_space<vmem>>) offsets(%dma_start3A_84 : memref<64xi32, #tpu.memory_space<vmem>>) semaphore(%arg19 : memref<!tpu.dma_semaphore, #tpu.memory_space<semaphore_mem>>)
    %dma_wait3A_88 = arith.constant 256 : i32
    %dma_wait3A_89 = tpu.memref_slice %arg10[%dma_wait3A_88] : memref<640xi32, #tpu.memory_space<vmem>> -> memref<64xi32, #tpu.memory_space<vmem>>
    %dma_wait3A_90 = arith.constant 0 : i32
    %dma_wait3A_91 = arith.constant 0 : i32
    %dma_wait3A_92 = tpu.memref_slice %arg3[%dma_wait3A_90, %dma_wait3A_91] : memref<16384x128xf32, #tpu.memory_space<hbm>> -> memref<16384x128xf32, #tpu.memory_space<hbm>>
    tpu.wait_indirect_dma semaphore(%arg19 : memref<!tpu.dma_semaphore, #tpu.memory_space<semaphore_mem>>) src(%dma_wait3A_92 : memref<16384x128xf32, #tpu.memory_space<hbm>>) dst(%arg12 : memref<64x128xf32, #tpu.memory_space<vmem>>)
    %scan3A_93 = arith.constant 0 : i32
    %scan3A_94 = arith.constant 0 : i32
    %scan3A_95 = arith.constant 64 : i32
    %scan3A_96 = arith.addi %scan3A_94, %scan3A_95 : i32
    %scan3A_97 = arith.constant 1 : i32
    scf.for %scan3A_242 = %scan3A_94 to %scan3A_96 step %scan3A_97  : i32 {
      %broadcast_in_dim3A_243 = vector.broadcast %scan3A_242 : i32 to vector<16xi32>
      %add3A_244 = arith.constant 0 : i32
      %add3A_245 = vector.broadcast %add3A_244 : i32 to vector<16xi32>
      %add3A_246 = arith.addi %iota3A, %add3A_245 : vector<16xi32>
      %gather3A = tpu.vector_load_idx %arg12[%broadcast_in_dim3A_243, %add3A_246] : memref<64x128xf32, #tpu.memory_space<vmem>>[vector<16xi32>, vector<16xi32>], vector<16xf32>,
      %add3A_247 = arith.constant 256 : i32
      %add3A_248 = arith.addi %add3A_247, %scan3A_242 : i32
      %mul3A_249 = arith.constant 64 : i32
      %mul3A_250 = arith.muli %add3A_248, %mul3A_249 : i32
      %add3A_251 = vector.broadcast %mul3A_250 : i32 to vector<16xi32>
      %add3A_252 = arith.addi %add3A_251, %add3A_246 : vector<16xi32>
      tpu.vector_store_idx %arg13[%add3A_252], %gather3A : memref<40960xf32, #tpu.memory_space<vmem>>[vector<16xi32>], vector<16xf32>,
      %add3A_253 = arith.constant 16 : i32
      %add3A_254 = vector.broadcast %add3A_253 : i32 to vector<16xi32>
      %add3A_255 = arith.addi %iota3A, %add3A_254 : vector<16xi32>
      %gather3A_256 = tpu.vector_load_idx %arg12[%broadcast_in_dim3A_243, %add3A_255] : memref<64x128xf32, #tpu.memory_space<vmem>>[vector<16xi32>, vector<16xi32>], vector<16xf32>,
      %add3A_257 = arith.constant 256 : i32
      %add3A_258 = arith.addi %add3A_257, %scan3A_242 : i32
      %mul3A_259 = arith.constant 64 : i32
      %mul3A_260 = arith.muli %add3A_258, %mul3A_259 : i32
      %add3A_261 = vector.broadcast %mul3A_260 : i32 to vector<16xi32>
      %add3A_262 = arith.addi %add3A_261, %add3A_255 : vector<16xi32>
      tpu.vector_store_idx %arg13[%add3A_262], %gather3A_256 : memref<40960xf32, #tpu.memory_space<vmem>>[vector<16xi32>], vector<16xf32>,
      %add3A_263 = arith.constant 32 : i32
      %add3A_264 = vector.broadcast %add3A_263 : i32 to vector<16xi32>
      %add3A_265 = arith.addi %iota3A, %add3A_264 : vector<16xi32>
      %gather3A_266 = tpu.vector_load_idx %arg12[%broadcast_in_dim3A_243, %add3A_265] : memref<64x128xf32, #tpu.memory_space<vmem>>[vector<16xi32>, vector<16xi32>], vector<16xf32>,
      %add3A_267 = arith.constant 256 : i32
      %add3A_268 = arith.addi %add3A_267, %scan3A_242 : i32
      %mul3A_269 = arith.constant 64 : i32
      %mul3A_270 = arith.muli %add3A_268, %mul3A_269 : i32
      %add3A_271 = vector.broadcast %mul3A_270 : i32 to vector<16xi32>
      %add3A_272 = arith.addi %add3A_271, %add3A_265 : vector<16xi32>
      tpu.vector_store_idx %arg13[%add3A_272], %gather3A_266 : memref<40960xf32, #tpu.memory_space<vmem>>[vector<16xi32>], vector<16xf32>,
      %add3A_273 = arith.constant 48 : i32
      %add3A_274 = vector.broadcast %add3A_273 : i32 to vector<16xi32>
      %add3A_275 = arith.addi %iota3A, %add3A_274 : vector<16xi32>
      %gather3A_276 = tpu.vector_load_idx %arg12[%broadcast_in_dim3A_243, %add3A_275] : memref<64x128xf32, #tpu.memory_space<vmem>>[vector<16xi32>, vector<16xi32>], vector<16xf32>,
      %add3A_277 = arith.constant 256 : i32
      %add3A_278 = arith.addi %add3A_277, %scan3A_242 : i32
      %mul3A_279 = arith.constant 64 : i32
      %mul3A_280 = arith.muli %add3A_278, %mul3A_279 : i32
      %add3A_281 = vector.broadcast %mul3A_280 : i32 to vector<16xi32>
      %add3A_282 = arith.addi %add3A_281, %add3A_275 : vector<16xi32>
      tpu.vector_store_idx %arg13[%add3A_282], %gather3A_276 : memref<40960xf32, #tpu.memory_space<vmem>>[vector<16xi32>], vector<16xf32>,
    }
    %scan3A_98 = arith.constant 64 : i32
    %dma_start3A_99 = arith.constant 320 : i32
    %dma_start3A_100 = tpu.memref_slice %arg10[%dma_start3A_99] : memref<640xi32, #tpu.memory_space<vmem>> -> memref<64xi32, #tpu.memory_space<vmem>>
    %dma_start3A_101 = arith.constant 0 : i32
    %dma_start3A_102 = arith.constant 0 : i32
    %dma_start3A_103 = tpu.memref_slice %arg3[%dma_start3A_101, %dma_start3A_102] : memref<16384x128xf32, #tpu.memory_space<hbm>> -> memref<16384x128xf32, #tpu.memory_space<hbm>>
    tpu.enqueue_indirect_dma source(%dma_start3A_103 : memref<16384x128xf32, #tpu.memory_space<hbm>>) target(%arg12 : memref<64x128xf32, #tpu.memory_space<vmem>>) offsets(%dma_start3A_100 : memref<64xi32, #tpu.memory_space<vmem>>) semaphore(%arg19 : memref<!tpu.dma_semaphore, #tpu.memory_space<semaphore_mem>>)
    %dma_wait3A_104 = arith.constant 320 : i32
    %dma_wait3A_105 = tpu.memref_slice %arg10[%dma_wait3A_104] : memref<640xi32, #tpu.memory_space<vmem>> -> memref<64xi32, #tpu.memory_space<vmem>>
    %dma_wait3A_106 = arith.constant 0 : i32
    %dma_wait3A_107 = arith.constant 0 : i32
    %dma_wait3A_108 = tpu.memref_slice %arg3[%dma_wait3A_106, %dma_wait3A_107] : memref<16384x128xf32, #tpu.memory_space<hbm>> -> memref<16384x128xf32, #tpu.memory_space<hbm>>
    tpu.wait_indirect_dma semaphore(%arg19 : memref<!tpu.dma_semaphore, #tpu.memory_space<semaphore_mem>>) src(%dma_wait3A_108 : memref<16384x128xf32, #tpu.memory_space<hbm>>) dst(%arg12 : memref<64x128xf32, #tpu.memory_space<vmem>>)
    %scan3A_109 = arith.constant 0 : i32
    %scan3A_110 = arith.constant 0 : i32
    %scan3A_111 = arith.constant 64 : i32
    %scan3A_112 = arith.addi %scan3A_110, %scan3A_111 : i32
    %scan3A_113 = arith.constant 1 : i32
    scf.for %scan3A_242 = %scan3A_110 to %scan3A_112 step %scan3A_113  : i32 {
      %broadcast_in_dim3A_243 = vector.broadcast %scan3A_242 : i32 to vector<16xi32>
      %add3A_244 = arith.constant 0 : i32
      %add3A_245 = vector.broadcast %add3A_244 : i32 to vector<16xi32>
      %add3A_246 = arith.addi %iota3A, %add3A_245 : vector<16xi32>
      %gather3A = tpu.vector_load_idx %arg12[%broadcast_in_dim3A_243, %add3A_246] : memref<64x128xf32, #tpu.memory_space<vmem>>[vector<16xi32>, vector<16xi32>], vector<16xf32>,
      %add3A_247 = arith.constant 320 : i32
      %add3A_248 = arith.addi %add3A_247, %scan3A_242 : i32
      %mul3A_249 = arith.constant 64 : i32
      %mul3A_250 = arith.muli %add3A_248, %mul3A_249 : i32
      %add3A_251 = vector.broadcast %mul3A_250 : i32 to vector<16xi32>
      %add3A_252 = arith.addi %add3A_251, %add3A_246 : vector<16xi32>
      tpu.vector_store_idx %arg13[%add3A_252], %gather3A : memref<40960xf32, #tpu.memory_space<vmem>>[vector<16xi32>], vector<16xf32>,
      %add3A_253 = arith.constant 16 : i32
      %add3A_254 = vector.broadcast %add3A_253 : i32 to vector<16xi32>
      %add3A_255 = arith.addi %iota3A, %add3A_254 : vector<16xi32>
      %gather3A_256 = tpu.vector_load_idx %arg12[%broadcast_in_dim3A_243, %add3A_255] : memref<64x128xf32, #tpu.memory_space<vmem>>[vector<16xi32>, vector<16xi32>], vector<16xf32>,
      %add3A_257 = arith.constant 320 : i32
      %add3A_258 = arith.addi %add3A_257, %scan3A_242 : i32
      %mul3A_259 = arith.constant 64 : i32
      %mul3A_260 = arith.muli %add3A_258, %mul3A_259 : i32
      %add3A_261 = vector.broadcast %mul3A_260 : i32 to vector<16xi32>
      %add3A_262 = arith.addi %add3A_261, %add3A_255 : vector<16xi32>
      tpu.vector_store_idx %arg13[%add3A_262], %gather3A_256 : memref<40960xf32, #tpu.memory_space<vmem>>[vector<16xi32>], vector<16xf32>,
      %add3A_263 = arith.constant 32 : i32
      %add3A_264 = vector.broadcast %add3A_263 : i32 to vector<16xi32>
      %add3A_265 = arith.addi %iota3A, %add3A_264 : vector<16xi32>
      %gather3A_266 = tpu.vector_load_idx %arg12[%broadcast_in_dim3A_243, %add3A_265] : memref<64x128xf32, #tpu.memory_space<vmem>>[vector<16xi32>, vector<16xi32>], vector<16xf32>,
      %add3A_267 = arith.constant 320 : i32
      %add3A_268 = arith.addi %add3A_267, %scan3A_242 : i32
      %mul3A_269 = arith.constant 64 : i32
      %mul3A_270 = arith.muli %add3A_268, %mul3A_269 : i32
      %add3A_271 = vector.broadcast %mul3A_270 : i32 to vector<16xi32>
      %add3A_272 = arith.addi %add3A_271, %add3A_265 : vector<16xi32>
      tpu.vector_store_idx %arg13[%add3A_272], %gather3A_266 : memref<40960xf32, #tpu.memory_space<vmem>>[vector<16xi32>], vector<16xf32>,
      %add3A_273 = arith.constant 48 : i32
      %add3A_274 = vector.broadcast %add3A_273 : i32 to vector<16xi32>
      %add3A_275 = arith.addi %iota3A, %add3A_274 : vector<16xi32>
      %gather3A_276 = tpu.vector_load_idx %arg12[%broadcast_in_dim3A_243, %add3A_275] : memref<64x128xf32, #tpu.memory_space<vmem>>[vector<16xi32>, vector<16xi32>], vector<16xf32>,
      %add3A_277 = arith.constant 320 : i32
      %add3A_278 = arith.addi %add3A_277, %scan3A_242 : i32
      %mul3A_279 = arith.constant 64 : i32
      %mul3A_280 = arith.muli %add3A_278, %mul3A_279 : i32
      %add3A_281 = vector.broadcast %mul3A_280 : i32 to vector<16xi32>
      %add3A_282 = arith.addi %add3A_281, %add3A_275 : vector<16xi32>
      tpu.vector_store_idx %arg13[%add3A_282], %gather3A_276 : memref<40960xf32, #tpu.memory_space<vmem>>[vector<16xi32>], vector<16xf32>,
    }
    %scan3A_114 = arith.constant 64 : i32
    %dma_start3A_115 = arith.constant 384 : i32
    %dma_start3A_116 = tpu.memref_slice %arg10[%dma_start3A_115] : memref<640xi32, #tpu.memory_space<vmem>> -> memref<64xi32, #tpu.memory_space<vmem>>
    %dma_start3A_117 = arith.constant 0 : i32
    %dma_start3A_118 = arith.constant 0 : i32
    %dma_start3A_119 = tpu.memref_slice %arg3[%dma_start3A_117, %dma_start3A_118] : memref<16384x128xf32, #tpu.memory_space<hbm>> -> memref<16384x128xf32, #tpu.memory_space<hbm>>
    tpu.enqueue_indirect_dma source(%dma_start3A_119 : memref<16384x128xf32, #tpu.memory_space<hbm>>) target(%arg12 : memref<64x128xf32, #tpu.memory_space<vmem>>) offsets(%dma_start3A_116 : memref<64xi32, #tpu.memory_space<vmem>>) semaphore(%arg19 : memref<!tpu.dma_semaphore, #tpu.memory_space<semaphore_mem>>)
    %dma_wait3A_120 = arith.constant 384 : i32
    %dma_wait3A_121 = tpu.memref_slice %arg10[%dma_wait3A_120] : memref<640xi32, #tpu.memory_space<vmem>> -> memref<64xi32, #tpu.memory_space<vmem>>
    %dma_wait3A_122 = arith.constant 0 : i32
    %dma_wait3A_123 = arith.constant 0 : i32
    %dma_wait3A_124 = tpu.memref_slice %arg3[%dma_wait3A_122, %dma_wait3A_123] : memref<16384x128xf32, #tpu.memory_space<hbm>> -> memref<16384x128xf32, #tpu.memory_space<hbm>>
    tpu.wait_indirect_dma semaphore(%arg19 : memref<!tpu.dma_semaphore, #tpu.memory_space<semaphore_mem>>) src(%dma_wait3A_124 : memref<16384x128xf32, #tpu.memory_space<hbm>>) dst(%arg12 : memref<64x128xf32, #tpu.memory_space<vmem>>)
    %scan3A_125 = arith.constant 0 : i32
    %scan3A_126 = arith.constant 0 : i32
    %scan3A_127 = arith.constant 64 : i32
    %scan3A_128 = arith.addi %scan3A_126, %scan3A_127 : i32
    %scan3A_129 = arith.constant 1 : i32
    scf.for %scan3A_242 = %scan3A_126 to %scan3A_128 step %scan3A_129  : i32 {
      %broadcast_in_dim3A_243 = vector.broadcast %scan3A_242 : i32 to vector<16xi32>
      %add3A_244 = arith.constant 0 : i32
      %add3A_245 = vector.broadcast %add3A_244 : i32 to vector<16xi32>
      %add3A_246 = arith.addi %iota3A, %add3A_245 : vector<16xi32>
      %gather3A = tpu.vector_load_idx %arg12[%broadcast_in_dim3A_243, %add3A_246] : memref<64x128xf32, #tpu.memory_space<vmem>>[vector<16xi32>, vector<16xi32>], vector<16xf32>,
      %add3A_247 = arith.constant 384 : i32
      %add3A_248 = arith.addi %add3A_247, %scan3A_242 : i32
      %mul3A_249 = arith.constant 64 : i32
      %mul3A_250 = arith.muli %add3A_248, %mul3A_249 : i32
      %add3A_251 = vector.broadcast %mul3A_250 : i32 to vector<16xi32>
      %add3A_252 = arith.addi %add3A_251, %add3A_246 : vector<16xi32>
      tpu.vector_store_idx %arg13[%add3A_252], %gather3A : memref<40960xf32, #tpu.memory_space<vmem>>[vector<16xi32>], vector<16xf32>,
      %add3A_253 = arith.constant 16 : i32
      %add3A_254 = vector.broadcast %add3A_253 : i32 to vector<16xi32>
      %add3A_255 = arith.addi %iota3A, %add3A_254 : vector<16xi32>
      %gather3A_256 = tpu.vector_load_idx %arg12[%broadcast_in_dim3A_243, %add3A_255] : memref<64x128xf32, #tpu.memory_space<vmem>>[vector<16xi32>, vector<16xi32>], vector<16xf32>,
      %add3A_257 = arith.constant 384 : i32
      %add3A_258 = arith.addi %add3A_257, %scan3A_242 : i32
      %mul3A_259 = arith.constant 64 : i32
      %mul3A_260 = arith.muli %add3A_258, %mul3A_259 : i32
      %add3A_261 = vector.broadcast %mul3A_260 : i32 to vector<16xi32>
      %add3A_262 = arith.addi %add3A_261, %add3A_255 : vector<16xi32>
      tpu.vector_store_idx %arg13[%add3A_262], %gather3A_256 : memref<40960xf32, #tpu.memory_space<vmem>>[vector<16xi32>], vector<16xf32>,
      %add3A_263 = arith.constant 32 : i32
      %add3A_264 = vector.broadcast %add3A_263 : i32 to vector<16xi32>
      %add3A_265 = arith.addi %iota3A, %add3A_264 : vector<16xi32>
      %gather3A_266 = tpu.vector_load_idx %arg12[%broadcast_in_dim3A_243, %add3A_265] : memref<64x128xf32, #tpu.memory_space<vmem>>[vector<16xi32>, vector<16xi32>], vector<16xf32>,
      %add3A_267 = arith.constant 384 : i32
      %add3A_268 = arith.addi %add3A_267, %scan3A_242 : i32
      %mul3A_269 = arith.constant 64 : i32
      %mul3A_270 = arith.muli %add3A_268, %mul3A_269 : i32
      %add3A_271 = vector.broadcast %mul3A_270 : i32 to vector<16xi32>
      %add3A_272 = arith.addi %add3A_271, %add3A_265 : vector<16xi32>
      tpu.vector_store_idx %arg13[%add3A_272], %gather3A_266 : memref<40960xf32, #tpu.memory_space<vmem>>[vector<16xi32>], vector<16xf32>,
      %add3A_273 = arith.constant 48 : i32
      %add3A_274 = vector.broadcast %add3A_273 : i32 to vector<16xi32>
      %add3A_275 = arith.addi %iota3A, %add3A_274 : vector<16xi32>
      %gather3A_276 = tpu.vector_load_idx %arg12[%broadcast_in_dim3A_243, %add3A_275] : memref<64x128xf32, #tpu.memory_space<vmem>>[vector<16xi32>, vector<16xi32>], vector<16xf32>,
      %add3A_277 = arith.constant 384 : i32
      %add3A_278 = arith.addi %add3A_277, %scan3A_242 : i32
      %mul3A_279 = arith.constant 64 : i32
      %mul3A_280 = arith.muli %add3A_278, %mul3A_279 : i32
      %add3A_281 = vector.broadcast %mul3A_280 : i32 to vector<16xi32>
      %add3A_282 = arith.addi %add3A_281, %add3A_275 : vector<16xi32>
      tpu.vector_store_idx %arg13[%add3A_282], %gather3A_276 : memref<40960xf32, #tpu.memory_space<vmem>>[vector<16xi32>], vector<16xf32>,
    }
    %scan3A_130 = arith.constant 64 : i32
    %dma_start3A_131 = arith.constant 448 : i32
    %dma_start3A_132 = tpu.memref_slice %arg10[%dma_start3A_131] : memref<640xi32, #tpu.memory_space<vmem>> -> memref<64xi32, #tpu.memory_space<vmem>>
    %dma_start3A_133 = arith.constant 0 : i32
    %dma_start3A_134 = arith.constant 0 : i32
    %dma_start3A_135 = tpu.memref_slice %arg3[%dma_start3A_133, %dma_start3A_134] : memref<16384x128xf32, #tpu.memory_space<hbm>> -> memref<16384x128xf32, #tpu.memory_space<hbm>>
    tpu.enqueue_indirect_dma source(%dma_start3A_135 : memref<16384x128xf32, #tpu.memory_space<hbm>>) target(%arg12 : memref<64x128xf32, #tpu.memory_space<vmem>>) offsets(%dma_start3A_132 : memref<64xi32, #tpu.memory_space<vmem>>) semaphore(%arg19 : memref<!tpu.dma_semaphore, #tpu.memory_space<semaphore_mem>>)
    %dma_wait3A_136 = arith.constant 448 : i32
    %dma_wait3A_137 = tpu.memref_slice %arg10[%dma_wait3A_136] : memref<640xi32, #tpu.memory_space<vmem>> -> memref<64xi32, #tpu.memory_space<vmem>>
    %dma_wait3A_138 = arith.constant 0 : i32
    %dma_wait3A_139 = arith.constant 0 : i32
    %dma_wait3A_140 = tpu.memref_slice %arg3[%dma_wait3A_138, %dma_wait3A_139] : memref<16384x128xf32, #tpu.memory_space<hbm>> -> memref<16384x128xf32, #tpu.memory_space<hbm>>
    tpu.wait_indirect_dma semaphore(%arg19 : memref<!tpu.dma_semaphore, #tpu.memory_space<semaphore_mem>>) src(%dma_wait3A_140 : memref<16384x128xf32, #tpu.memory_space<hbm>>) dst(%arg12 : memref<64x128xf32, #tpu.memory_space<vmem>>)
    %scan3A_141 = arith.constant 0 : i32
    %scan3A_142 = arith.constant 0 : i32
    %scan3A_143 = arith.constant 64 : i32
    %scan3A_144 = arith.addi %scan3A_142, %scan3A_143 : i32
    %scan3A_145 = arith.constant 1 : i32
    scf.for %scan3A_242 = %scan3A_142 to %scan3A_144 step %scan3A_145  : i32 {
      %broadcast_in_dim3A_243 = vector.broadcast %scan3A_242 : i32 to vector<16xi32>
      %add3A_244 = arith.constant 0 : i32
      %add3A_245 = vector.broadcast %add3A_244 : i32 to vector<16xi32>
      %add3A_246 = arith.addi %iota3A, %add3A_245 : vector<16xi32>
      %gather3A = tpu.vector_load_idx %arg12[%broadcast_in_dim3A_243, %add3A_246] : memref<64x128xf32, #tpu.memory_space<vmem>>[vector<16xi32>, vector<16xi32>], vector<16xf32>,
      %add3A_247 = arith.constant 448 : i32
      %add3A_248 = arith.addi %add3A_247, %scan3A_242 : i32
      %mul3A_249 = arith.constant 64 : i32
      %mul3A_250 = arith.muli %add3A_248, %mul3A_249 : i32
      %add3A_251 = vector.broadcast %mul3A_250 : i32 to vector<16xi32>
      %add3A_252 = arith.addi %add3A_251, %add3A_246 : vector<16xi32>
      tpu.vector_store_idx %arg13[%add3A_252], %gather3A : memref<40960xf32, #tpu.memory_space<vmem>>[vector<16xi32>], vector<16xf32>,
      %add3A_253 = arith.constant 16 : i32
      %add3A_254 = vector.broadcast %add3A_253 : i32 to vector<16xi32>
      %add3A_255 = arith.addi %iota3A, %add3A_254 : vector<16xi32>
      %gather3A_256 = tpu.vector_load_idx %arg12[%broadcast_in_dim3A_243, %add3A_255] : memref<64x128xf32, #tpu.memory_space<vmem>>[vector<16xi32>, vector<16xi32>], vector<16xf32>,
      %add3A_257 = arith.constant 448 : i32
      %add3A_258 = arith.addi %add3A_257, %scan3A_242 : i32
      %mul3A_259 = arith.constant 64 : i32
      %mul3A_260 = arith.muli %add3A_258, %mul3A_259 : i32
      %add3A_261 = vector.broadcast %mul3A_260 : i32 to vector<16xi32>
      %add3A_262 = arith.addi %add3A_261, %add3A_255 : vector<16xi32>
      tpu.vector_store_idx %arg13[%add3A_262], %gather3A_256 : memref<40960xf32, #tpu.memory_space<vmem>>[vector<16xi32>], vector<16xf32>,
      %add3A_263 = arith.constant 32 : i32
      %add3A_264 = vector.broadcast %add3A_263 : i32 to vector<16xi32>
      %add3A_265 = arith.addi %iota3A, %add3A_264 : vector<16xi32>
      %gather3A_266 = tpu.vector_load_idx %arg12[%broadcast_in_dim3A_243, %add3A_265] : memref<64x128xf32, #tpu.memory_space<vmem>>[vector<16xi32>, vector<16xi32>], vector<16xf32>,
      %add3A_267 = arith.constant 448 : i32
      %add3A_268 = arith.addi %add3A_267, %scan3A_242 : i32
      %mul3A_269 = arith.constant 64 : i32
      %mul3A_270 = arith.muli %add3A_268, %mul3A_269 : i32
      %add3A_271 = vector.broadcast %mul3A_270 : i32 to vector<16xi32>
      %add3A_272 = arith.addi %add3A_271, %add3A_265 : vector<16xi32>
      tpu.vector_store_idx %arg13[%add3A_272], %gather3A_266 : memref<40960xf32, #tpu.memory_space<vmem>>[vector<16xi32>], vector<16xf32>,
      %add3A_273 = arith.constant 48 : i32
      %add3A_274 = vector.broadcast %add3A_273 : i32 to vector<16xi32>
      %add3A_275 = arith.addi %iota3A, %add3A_274 : vector<16xi32>
      %gather3A_276 = tpu.vector_load_idx %arg12[%broadcast_in_dim3A_243, %add3A_275] : memref<64x128xf32, #tpu.memory_space<vmem>>[vector<16xi32>, vector<16xi32>], vector<16xf32>,
      %add3A_277 = arith.constant 448 : i32
      %add3A_278 = arith.addi %add3A_277, %scan3A_242 : i32
      %mul3A_279 = arith.constant 64 : i32
      %mul3A_280 = arith.muli %add3A_278, %mul3A_279 : i32
      %add3A_281 = vector.broadcast %mul3A_280 : i32 to vector<16xi32>
      %add3A_282 = arith.addi %add3A_281, %add3A_275 : vector<16xi32>
      tpu.vector_store_idx %arg13[%add3A_282], %gather3A_276 : memref<40960xf32, #tpu.memory_space<vmem>>[vector<16xi32>], vector<16xf32>,
    }
    %scan3A_146 = arith.constant 64 : i32
    %dma_start3A_147 = arith.constant 512 : i32
    %dma_start3A_148 = tpu.memref_slice %arg10[%dma_start3A_147] : memref<640xi32, #tpu.memory_space<vmem>> -> memref<64xi32, #tpu.memory_space<vmem>>
    %dma_start3A_149 = arith.constant 0 : i32
    %dma_start3A_150 = arith.constant 0 : i32
    %dma_start3A_151 = tpu.memref_slice %arg3[%dma_start3A_149, %dma_start3A_150] : memref<16384x128xf32, #tpu.memory_space<hbm>> -> memref<16384x128xf32, #tpu.memory_space<hbm>>
    tpu.enqueue_indirect_dma source(%dma_start3A_151 : memref<16384x128xf32, #tpu.memory_space<hbm>>) target(%arg12 : memref<64x128xf32, #tpu.memory_space<vmem>>) offsets(%dma_start3A_148 : memref<64xi32, #tpu.memory_space<vmem>>) semaphore(%arg19 : memref<!tpu.dma_semaphore, #tpu.memory_space<semaphore_mem>>)
    %dma_wait3A_152 = arith.constant 512 : i32
    %dma_wait3A_153 = tpu.memref_slice %arg10[%dma_wait3A_152] : memref<640xi32, #tpu.memory_space<vmem>> -> memref<64xi32, #tpu.memory_space<vmem>>
    %dma_wait3A_154 = arith.constant 0 : i32
    %dma_wait3A_155 = arith.constant 0 : i32
    %dma_wait3A_156 = tpu.memref_slice %arg3[%dma_wait3A_154, %dma_wait3A_155] : memref<16384x128xf32, #tpu.memory_space<hbm>> -> memref<16384x128xf32, #tpu.memory_space<hbm>>
    tpu.wait_indirect_dma semaphore(%arg19 : memref<!tpu.dma_semaphore, #tpu.memory_space<semaphore_mem>>) src(%dma_wait3A_156 : memref<16384x128xf32, #tpu.memory_space<hbm>>) dst(%arg12 : memref<64x128xf32, #tpu.memory_space<vmem>>)
    %scan3A_157 = arith.constant 0 : i32
    %scan3A_158 = arith.constant 0 : i32
    %scan3A_159 = arith.constant 64 : i32
    %scan3A_160 = arith.addi %scan3A_158, %scan3A_159 : i32
    %scan3A_161 = arith.constant 1 : i32
    scf.for %scan3A_242 = %scan3A_158 to %scan3A_160 step %scan3A_161  : i32 {
      %broadcast_in_dim3A_243 = vector.broadcast %scan3A_242 : i32 to vector<16xi32>
      %add3A_244 = arith.constant 0 : i32
      %add3A_245 = vector.broadcast %add3A_244 : i32 to vector<16xi32>
      %add3A_246 = arith.addi %iota3A, %add3A_245 : vector<16xi32>
      %gather3A = tpu.vector_load_idx %arg12[%broadcast_in_dim3A_243, %add3A_246] : memref<64x128xf32, #tpu.memory_space<vmem>>[vector<16xi32>, vector<16xi32>], vector<16xf32>,
      %add3A_247 = arith.constant 512 : i32
      %add3A_248 = arith.addi %add3A_247, %scan3A_242 : i32
      %mul3A_249 = arith.constant 64 : i32
      %mul3A_250 = arith.muli %add3A_248, %mul3A_249 : i32
      %add3A_251 = vector.broadcast %mul3A_250 : i32 to vector<16xi32>
      %add3A_252 = arith.addi %add3A_251, %add3A_246 : vector<16xi32>
      tpu.vector_store_idx %arg13[%add3A_252], %gather3A : memref<40960xf32, #tpu.memory_space<vmem>>[vector<16xi32>], vector<16xf32>,
      %add3A_253 = arith.constant 16 : i32
      %add3A_254 = vector.broadcast %add3A_253 : i32 to vector<16xi32>
      %add3A_255 = arith.addi %iota3A, %add3A_254 : vector<16xi32>
      %gather3A_256 = tpu.vector_load_idx %arg12[%broadcast_in_dim3A_243, %add3A_255] : memref<64x128xf32, #tpu.memory_space<vmem>>[vector<16xi32>, vector<16xi32>], vector<16xf32>,
      %add3A_257 = arith.constant 512 : i32
      %add3A_258 = arith.addi %add3A_257, %scan3A_242 : i32
      %mul3A_259 = arith.constant 64 : i32
      %mul3A_260 = arith.muli %add3A_258, %mul3A_259 : i32
      %add3A_261 = vector.broadcast %mul3A_260 : i32 to vector<16xi32>
      %add3A_262 = arith.addi %add3A_261, %add3A_255 : vector<16xi32>
      tpu.vector_store_idx %arg13[%add3A_262], %gather3A_256 : memref<40960xf32, #tpu.memory_space<vmem>>[vector<16xi32>], vector<16xf32>,
      %add3A_263 = arith.constant 32 : i32
      %add3A_264 = vector.broadcast %add3A_263 : i32 to vector<16xi32>
      %add3A_265 = arith.addi %iota3A, %add3A_264 : vector<16xi32>
      %gather3A_266 = tpu.vector_load_idx %arg12[%broadcast_in_dim3A_243, %add3A_265] : memref<64x128xf32, #tpu.memory_space<vmem>>[vector<16xi32>, vector<16xi32>], vector<16xf32>,
      %add3A_267 = arith.constant 512 : i32
      %add3A_268 = arith.addi %add3A_267, %scan3A_242 : i32
      %mul3A_269 = arith.constant 64 : i32
      %mul3A_270 = arith.muli %add3A_268, %mul3A_269 : i32
      %add3A_271 = vector.broadcast %mul3A_270 : i32 to vector<16xi32>
      %add3A_272 = arith.addi %add3A_271, %add3A_265 : vector<16xi32>
      tpu.vector_store_idx %arg13[%add3A_272], %gather3A_266 : memref<40960xf32, #tpu.memory_space<vmem>>[vector<16xi32>], vector<16xf32>,
      %add3A_273 = arith.constant 48 : i32
      %add3A_274 = vector.broadcast %add3A_273 : i32 to vector<16xi32>
      %add3A_275 = arith.addi %iota3A, %add3A_274 : vector<16xi32>
      %gather3A_276 = tpu.vector_load_idx %arg12[%broadcast_in_dim3A_243, %add3A_275] : memref<64x128xf32, #tpu.memory_space<vmem>>[vector<16xi32>, vector<16xi32>], vector<16xf32>,
      %add3A_277 = arith.constant 512 : i32
      %add3A_278 = arith.addi %add3A_277, %scan3A_242 : i32
      %mul3A_279 = arith.constant 64 : i32
      %mul3A_280 = arith.muli %add3A_278, %mul3A_279 : i32
      %add3A_281 = vector.broadcast %mul3A_280 : i32 to vector<16xi32>
      %add3A_282 = arith.addi %add3A_281, %add3A_275 : vector<16xi32>
      tpu.vector_store_idx %arg13[%add3A_282], %gather3A_276 : memref<40960xf32, #tpu.memory_space<vmem>>[vector<16xi32>], vector<16xf32>,
    }
    %scan3A_162 = arith.constant 64 : i32
    %dma_start3A_163 = arith.constant 576 : i32
    %dma_start3A_164 = tpu.memref_slice %arg10[%dma_start3A_163] : memref<640xi32, #tpu.memory_space<vmem>> -> memref<64xi32, #tpu.memory_space<vmem>>
    %dma_start3A_165 = arith.constant 0 : i32
    %dma_start3A_166 = arith.constant 0 : i32
    %dma_start3A_167 = tpu.memref_slice %arg3[%dma_start3A_165, %dma_start3A_166] : memref<16384x128xf32, #tpu.memory_space<hbm>> -> memref<16384x128xf32, #tpu.memory_space<hbm>>
    tpu.enqueue_indirect_dma source(%dma_start3A_167 : memref<16384x128xf32, #tpu.memory_space<hbm>>) target(%arg12 : memref<64x128xf32, #tpu.memory_space<vmem>>) offsets(%dma_start3A_164 : memref<64xi32, #tpu.memory_space<vmem>>) semaphore(%arg19 : memref<!tpu.dma_semaphore, #tpu.memory_space<semaphore_mem>>)
    %dma_wait3A_168 = arith.constant 576 : i32
    %dma_wait3A_169 = tpu.memref_slice %arg10[%dma_wait3A_168] : memref<640xi32, #tpu.memory_space<vmem>> -> memref<64xi32, #tpu.memory_space<vmem>>
    %dma_wait3A_170 = arith.constant 0 : i32
    %dma_wait3A_171 = arith.constant 0 : i32
    %dma_wait3A_172 = tpu.memref_slice %arg3[%dma_wait3A_170, %dma_wait3A_171] : memref<16384x128xf32, #tpu.memory_space<hbm>> -> memref<16384x128xf32, #tpu.memory_space<hbm>>
    tpu.wait_indirect_dma semaphore(%arg19 : memref<!tpu.dma_semaphore, #tpu.memory_space<semaphore_mem>>) src(%dma_wait3A_172 : memref<16384x128xf32, #tpu.memory_space<hbm>>) dst(%arg12 : memref<64x128xf32, #tpu.memory_space<vmem>>)
    %scan3A_173 = arith.constant 0 : i32
    %scan3A_174 = arith.constant 0 : i32
    %scan3A_175 = arith.constant 64 : i32
    %scan3A_176 = arith.addi %scan3A_174, %scan3A_175 : i32
    %scan3A_177 = arith.constant 1 : i32
    scf.for %scan3A_242 = %scan3A_174 to %scan3A_176 step %scan3A_177  : i32 {
      %broadcast_in_dim3A_243 = vector.broadcast %scan3A_242 : i32 to vector<16xi32>
      %add3A_244 = arith.constant 0 : i32
      %add3A_245 = vector.broadcast %add3A_244 : i32 to vector<16xi32>
      %add3A_246 = arith.addi %iota3A, %add3A_245 : vector<16xi32>
      %gather3A = tpu.vector_load_idx %arg12[%broadcast_in_dim3A_243, %add3A_246] : memref<64x128xf32, #tpu.memory_space<vmem>>[vector<16xi32>, vector<16xi32>], vector<16xf32>,
      %add3A_247 = arith.constant 576 : i32
      %add3A_248 = arith.addi %add3A_247, %scan3A_242 : i32
      %mul3A_249 = arith.constant 64 : i32
      %mul3A_250 = arith.muli %add3A_248, %mul3A_249 : i32
      %add3A_251 = vector.broadcast %mul3A_250 : i32 to vector<16xi32>
      %add3A_252 = arith.addi %add3A_251, %add3A_246 : vector<16xi32>
      tpu.vector_store_idx %arg13[%add3A_252], %gather3A : memref<40960xf32, #tpu.memory_space<vmem>>[vector<16xi32>], vector<16xf32>,
      %add3A_253 = arith.constant 16 : i32
      %add3A_254 = vector.broadcast %add3A_253 : i32 to vector<16xi32>
      %add3A_255 = arith.addi %iota3A, %add3A_254 : vector<16xi32>
      %gather3A_256 = tpu.vector_load_idx %arg12[%broadcast_in_dim3A_243, %add3A_255] : memref<64x128xf32, #tpu.memory_space<vmem>>[vector<16xi32>, vector<16xi32>], vector<16xf32>,
      %add3A_257 = arith.constant 576 : i32
      %add3A_258 = arith.addi %add3A_257, %scan3A_242 : i32
      %mul3A_259 = arith.constant 64 : i32
      %mul3A_260 = arith.muli %add3A_258, %mul3A_259 : i32
      %add3A_261 = vector.broadcast %mul3A_260 : i32 to vector<16xi32>
      %add3A_262 = arith.addi %add3A_261, %add3A_255 : vector<16xi32>
      tpu.vector_store_idx %arg13[%add3A_262], %gather3A_256 : memref<40960xf32, #tpu.memory_space<vmem>>[vector<16xi32>], vector<16xf32>,
      %add3A_263 = arith.constant 32 : i32
      %add3A_264 = vector.broadcast %add3A_263 : i32 to vector<16xi32>
      %add3A_265 = arith.addi %iota3A, %add3A_264 : vector<16xi32>
      %gather3A_266 = tpu.vector_load_idx %arg12[%broadcast_in_dim3A_243, %add3A_265] : memref<64x128xf32, #tpu.memory_space<vmem>>[vector<16xi32>, vector<16xi32>], vector<16xf32>,
      %add3A_267 = arith.constant 576 : i32
      %add3A_268 = arith.addi %add3A_267, %scan3A_242 : i32
      %mul3A_269 = arith.constant 64 : i32
      %mul3A_270 = arith.muli %add3A_268, %mul3A_269 : i32
      %add3A_271 = vector.broadcast %mul3A_270 : i32 to vector<16xi32>
      %add3A_272 = arith.addi %add3A_271, %add3A_265 : vector<16xi32>
      tpu.vector_store_idx %arg13[%add3A_272], %gather3A_266 : memref<40960xf32, #tpu.memory_space<vmem>>[vector<16xi32>], vector<16xf32>,
      %add3A_273 = arith.constant 48 : i32
      %add3A_274 = vector.broadcast %add3A_273 : i32 to vector<16xi32>
      %add3A_275 = arith.addi %iota3A, %add3A_274 : vector<16xi32>
      %gather3A_276 = tpu.vector_load_idx %arg12[%broadcast_in_dim3A_243, %add3A_275] : memref<64x128xf32, #tpu.memory_space<vmem>>[vector<16xi32>, vector<16xi32>], vector<16xf32>,
      %add3A_277 = arith.constant 576 : i32
      %add3A_278 = arith.addi %add3A_277, %scan3A_242 : i32
      %mul3A_279 = arith.constant 64 : i32
      %mul3A_280 = arith.muli %add3A_278, %mul3A_279 : i32
      %add3A_281 = vector.broadcast %mul3A_280 : i32 to vector<16xi32>
      %add3A_282 = arith.addi %add3A_281, %add3A_275 : vector<16xi32>
      tpu.vector_store_idx %arg13[%add3A_282], %gather3A_276 : memref<40960xf32, #tpu.memory_space<vmem>>[vector<16xi32>], vector<16xf32>,
    }
    %scan3A_178 = arith.constant 64 : i32
    %add3A_179 = arith.constant 16384 : i32
    %add3A_180 = vector.broadcast %add3A_179 : i32 to vector<16xi32>
    %add3A_181 = arith.addi %add3A_180, %iota3A : vector<16xi32>
    %swap3A = arith.constant 0 : index
    %swap3A_182 = tpu.vector_load %arg18[%swap3A] {strides = array<i32>} : memref<16xi32, #tpu.memory_space<vmem>>, vector<16xi32>,
    tpu.vector_store %arg18[%swap3A], %add3A_181 {strides = array<i32>} : memref<16xi32, #tpu.memory_space<vmem>>, vector<16xi32>,
    %eq3A_183 = arith.constant 31 : i32
    %eq3A_184 = arith.cmpi eq, %add3A, %eq3A_183 : i32
    %jit3A_185 = arith.constant 62 : i32
    %jit3A_186 = arith.constant 61 : i32
    %select_n3A_187 = arith.select %eq3A_184, %jit3A_185, %jit3A_186 : i32
    %add3A_188 = arith.constant 0 : i32
    %add3A_189 = arith.addi %mul3A_2, %add3A_188 : i32
    %min3A = arith.constant 999680 : i32
    %min3A_190 = arith.minsi %add3A_189, %min3A : i32
    %multiple_of3A = tpu.assume_multiple %min3A_190, 256 : i32
    %dma_start3A_191 = arith.constant 0 : i32
    %dma_start3A_192 = tpu.memref_slice %arg2[%dma_start3A_191, %multiple_of3A] : memref<64x1000000xf32, #tpu.memory_space<hbm>> -> memref<64x256xf32, #tpu.memory_space<hbm>>
    %dma_start3A_193 = arith.constant 0 : i32
    %dma_start3A_194 = tpu.memref_slice %arg2[%dma_start3A_193, %multiple_of3A] : memref<64x1000000xf32, #tpu.memory_space<hbm>> -> memref<64x256xf32, #tpu.memory_space<hbm>>
    tpu.enqueue_dma source(%dma_start3A_194 : memref<64x256xf32, #tpu.memory_space<hbm>>) target(%arg14 : memref<64x256xf32, #tpu.memory_space<vmem>>) target_semaphore(%arg19 : memref<!tpu.dma_semaphore, #tpu.memory_space<semaphore_mem>>)
    %add3A_195 = arith.constant 256 : i32
    %add3A_196 = arith.addi %mul3A_2, %add3A_195 : i32
    %min3A_197 = arith.constant 999680 : i32
    %min3A_198 = arith.minsi %add3A_196, %min3A_197 : i32
    %multiple_of3A_199 = tpu.assume_multiple %min3A_198, 256 : i32
    %dma_start3A_200 = arith.constant 0 : i32
    %dma_start3A_201 = tpu.memref_slice %arg2[%dma_start3A_200, %multiple_of3A_199] : memref<64x1000000xf32, #tpu.memory_space<hbm>> -> memref<64x256xf32, #tpu.memory_space<hbm>>
    %dma_start3A_202 = arith.constant 0 : i32
    %dma_start3A_203 = tpu.memref_slice %arg2[%dma_start3A_202, %multiple_of3A_199] : memref<64x1000000xf32, #tpu.memory_space<hbm>> -> memref<64x256xf32, #tpu.memory_space<hbm>>
    tpu.enqueue_dma source(%dma_start3A_203 : memref<64x256xf32, #tpu.memory_space<hbm>>) target(%arg15 : memref<64x256xf32, #tpu.memory_space<vmem>>) target_semaphore(%arg20 : memref<!tpu.dma_semaphore, #tpu.memory_space<semaphore_mem>>)
    %broadcast_in_dim3A = arith.constant 0 : i32
    %broadcast_in_dim3A_204 = vector.broadcast %broadcast_in_dim3A : i32 to vector<16xi32>
    %while3A = arith.constant 0 : i32
    %while3A_205 = arith.subi %select_n3A_187, %while3A : i32
    %while3A_206 = arith.addi %while3A, %while3A_205 : i32
    %while3A_207 = arith.constant 1 : i32
    %while3A_208 = arith.divsi %while3A_205, %while3A_207 : i32
    %while3A_209 = arith.muli %while3A_208, %while3A_207 : i32
    %while3A_210 = arith.addi %while3A, %while3A_209 : i32
    %while3A_211 = arith.constant 1 : i32
    %while3A_212 = scf.for %while3A_242 = %while3A to %while3A_210 step %while3A_211 iter_args(%while3A_243 = %broadcast_in_dim3A_204) -> (vector<16xi32>)  : i32 {
      %mul3A_244 = arith.constant 2 : i32
      %mul3A_245 = arith.muli %while3A_242, %mul3A_244 : i32
      %add3A_246 = arith.constant 0 : i32
      %add3A_247 = arith.addi %mul3A_245, %add3A_246 : i32
      %mul3A_248 = arith.constant 256 : i32
      %mul3A_249 = arith.muli %add3A_247, %mul3A_248 : i32
      %add3A_250 = arith.addi %mul3A_2, %mul3A_249 : i32
      %multiple_of3A_251 = tpu.assume_multiple %add3A_250, 256 : i32
      %mul3A_252 = arith.constant 256 : i32
      %mul3A_253 = arith.muli %add3A_247, %mul3A_252 : i32
      %add3A_254 = arith.addi %mul3A_2, %mul3A_253 : i32
      %min3A_255 = arith.constant 999680 : i32
      %min3A_256 = arith.minsi %add3A_254, %min3A_255 : i32
      %multiple_of3A_257 = tpu.assume_multiple %min3A_256, 256 : i32
      %dma_wait3A_258 = arith.constant 0 : i32
      %dma_wait3A_259 = tpu.memref_slice %arg2[%dma_wait3A_258, %multiple_of3A_257] : memref<64x1000000xf32, #tpu.memory_space<hbm>> -> memref<64x256xf32, #tpu.memory_space<hbm>>
      %dma_wait3A_260 = arith.constant 0 : i32
      %dma_wait3A_261 = tpu.memref_slice %arg2[%dma_wait3A_260, %multiple_of3A_257] : memref<64x1000000xf32, #tpu.memory_space<hbm>> -> memref<64x256xf32, #tpu.memory_space<hbm>>
      tpu.wait_dma2 semaphore(%arg19 : memref<!tpu.dma_semaphore, #tpu.memory_space<semaphore_mem>>) src(%dma_wait3A_261 : memref<64x256xf32, #tpu.memory_space<hbm>>) dst(%arg14 : memref<64x256xf32, #tpu.memory_space<vmem>>)
      %scan3A_262 = arith.constant 0 : i32
      %scan3A_263 = arith.constant 40 : i32
      %scan3A_264 = arith.addi %scan3A_262, %scan3A_263 : i32
      %scan3A_265 = arith.constant 1 : i32
      %scan3A_266 = scf.for %scan3A_316 = %scan3A_262 to %scan3A_264 step %scan3A_265 iter_args(%scan3A_317 = %while3A_243) -> (vector<16xi32>)  : i32 {
        %mul3A_318 = arith.constant 16 : i32
        %mul3A_319 = arith.muli %scan3A_316, %mul3A_318 : i32
        %add3A_320 = vector.broadcast %mul3A_319 : i32 to vector<16xi32>
        %add3A_321 = arith.addi %add3A_320, %iota3A : vector<16xi32>
        %lt3A = vector.broadcast %scan3A_13 : i32 to vector<16xi32>
        %lt3A_322 = arith.cmpi slt, %add3A_321, %lt3A : vector<16xi32>
        %mul3A_323 = arith.constant 16 : i32
        %mul3A_324 = arith.muli %scan3A_316, %mul3A_323 : i32
        %get3A = arith.index_cast %mul3A_324 : i32 to index
        %get3A_325 = tpu.vector_load %arg9[%get3A] {strides = array<i32>} : memref<640xi32, #tpu.memory_space<vmem>>, vector<16xi32>,
        %ge3A = vector.broadcast %multiple_of3A_251 : i32 to vector<16xi32>
        %ge3A_326 = arith.cmpi sge, %get3A_325, %ge3A : vector<16xi32>
        %and3A = arith.andi %lt3A_322, %ge3A_326 : vector<16xi1>
        %add3A_327 = arith.constant 256 : i32
        %add3A_328 = arith.addi %multiple_of3A_251, %add3A_327 : i32
        %lt3A_329 = vector.broadcast %add3A_328 : i32 to vector<16xi32>
        %lt3A_330 = arith.cmpi slt, %get3A_325, %lt3A_329 : vector<16xi32>
        %and3A_331 = arith.andi %and3A, %lt3A_330 : vector<16xi1>
        %while3A_332:2 = scf.while (%while3A_333 = %and3A_331, %while3A_334 = %scan3A_317) : (vector<16xi1>, vector<16xi32>) -> (vector<16xi1>, vector<16xi32>) {
          %all_reduce_population_count3A = tpu.all_reduce %while3A_333 {dim = 0 : i64, kind = #tpu.reduction_kind<sum>} : vector<16xi1> -> vector<16xi32>
          %slice3A = vector.extract_strided_slice %all_reduce_population_count3A {offsets = [0], sizes = [1], strides = [1]} : vector<16xi32> to vector<1xi32>
          %squeeze3A = vector.extract %slice3A[0] : i32 from vector<1xi32>
          %gt3A = arith.constant 0 : i32
          %gt3A_335 = arith.cmpi sgt, %squeeze3A, %gt3A : i32
          scf.condition(%gt3A_335) %while3A_333, %while3A_334 : vector<16xi1>, vector<16xi32>
        } do {
        ^bb0(%while3A_333: vector<16xi1>, %while3A_334: vector<16xi32>):
          %all_reduce_ffs3A = tpu.all_reduce %while3A_333 {dim = 0 : i64, kind = #tpu.reduction_kind<find_first_set>} : vector<16xi1> -> vector<16xi32>
          %broadcast_in_dim3A_335 = vector.shape_cast %all_reduce_ffs3A : vector<16xi32> to vector<16x1xi32>
          %gather3A = vector.shape_cast %broadcast_in_dim3A_335 : vector<16x1xi32> to vector<16xi32>
          %gather3A_336 = tpu.dynamic_gather %get3A_325[%gather3A] in [0] : vector<16xi32>, vector<16xi32> -> vector<16xi32>
          %mul3A_337 = arith.constant 16 : i32
          %mul3A_338 = arith.muli %scan3A_316, %mul3A_337 : i32
          %get3A_339 = arith.index_cast %mul3A_338 : i32 to index
          %get3A_340 = tpu.vector_load %arg8[%get3A_339] {strides = array<i32>} : memref<640xi32, #tpu.memory_space<vmem>>, vector<16xi32>,
          %broadcast_in_dim3A_341 = vector.shape_cast %all_reduce_ffs3A : vector<16xi32> to vector<16x1xi32>
          %gather3A_342 = vector.shape_cast %broadcast_in_dim3A_341 : vector<16x1xi32> to vector<16xi32>
          %gather3A_343 = tpu.dynamic_gather %get3A_340[%gather3A_342] in [0] : vector<16xi32>, vector<16xi32> -> vector<16xi32>
          %sub3A = vector.broadcast %multiple_of3A_251 : i32 to vector<16xi32>
          %sub3A_344 = arith.subi %gather3A_336, %sub3A : vector<16xi32>
          %mul3A_345 = arith.constant 16 : i32
          %mul3A_346 = arith.muli %scan3A_316, %mul3A_345 : i32
          %broadcast_in_dim3A_347 = vector.broadcast %mul3A_346 : i32 to vector<16xi32>
          %add3A_348 = arith.addi %broadcast_in_dim3A_347, %all_reduce_ffs3A : vector<16xi32>
          %slice3A = vector.extract_strided_slice %while3A_334 {offsets = [0], sizes = [1], strides = [1]} : vector<16xi32> to vector<1xi32>
          %squeeze3A = vector.extract %slice3A[0] : i32 from vector<1xi32>
          %eq3A_349 = arith.constant 16 : i32
          %eq3A_350 = arith.cmpi eq, %squeeze3A, %eq3A_349 : i32
          %convert_element_type3A_351 = arith.extui %eq3A_350 : i1 to i32
          %cond3A_352 = arith.constant 0 : i32
          %cond3A_353 = arith.cmpi ne, %convert_element_type3A_351, %cond3A_352 : i32
          scf.if %cond3A_353 {
            "tpu.region"() ({
              %run_scoped3A = tpu.sem_alloc : memref<!tpu.dma_semaphore, #tpu.memory_space<semaphore_mem>>
              %dma_start3A_412 = arith.constant 0 : i32
              %dma_start3A_413 = arith.constant 0 : i32
              %dma_start3A_414 = tpu.memref_slice %arg6[%dma_start3A_412, %dma_start3A_413] : memref<16400x128xf32, #tpu.memory_space<hbm>> -> memref<16400x128xf32, #tpu.memory_space<hbm>>
              tpu.enqueue_indirect_dma source(%arg17 : memref<16x128xf32, #tpu.memory_space<vmem>>) target(%dma_start3A_414 : memref<16400x128xf32, #tpu.memory_space<hbm>>) offsets(%arg18 : memref<16xi32, #tpu.memory_space<vmem>>) semaphore(%run_scoped3A : memref<!tpu.dma_semaphore, #tpu.memory_space<semaphore_mem>>)
              %dma_wait3A_415 = arith.constant 0 : i32
              %dma_wait3A_416 = arith.constant 0 : i32
              %dma_wait3A_417 = tpu.memref_slice %arg6[%dma_wait3A_415, %dma_wait3A_416] : memref<16400x128xf32, #tpu.memory_space<hbm>> -> memref<16400x128xf32, #tpu.memory_space<hbm>>
              tpu.wait_indirect_dma semaphore(%run_scoped3A : memref<!tpu.dma_semaphore, #tpu.memory_space<semaphore_mem>>) src(%arg17 : memref<16x128xf32, #tpu.memory_space<vmem>>) dst(%dma_wait3A_417 : memref<16400x128xf32, #tpu.memory_space<hbm>>)
              tpu.yield
            }) : () -> ()
            %add3A_407 = arith.constant 16384 : i32
            %add3A_408 = vector.broadcast %add3A_407 : i32 to vector<16xi32>
            %add3A_409 = arith.addi %add3A_408, %iota3A : vector<16xi32>
            %swap3A_410 = arith.constant 0 : index
            %swap3A_411 = tpu.vector_load %arg18[%swap3A_410] {strides = array<i32>} : memref<16xi32, #tpu.memory_space<vmem>>, vector<16xi32>,
            tpu.vector_store %arg18[%swap3A_410], %add3A_409 {strides = array<i32>} : memref<16xi32, #tpu.memory_space<vmem>>, vector<16xi32>,
          } else {
          }
          %eq3A_354 = arith.constant 16 : i32
          %eq3A_355 = vector.broadcast %eq3A_354 : i32 to vector<16xi32>
          %eq3A_356 = arith.cmpi eq, %while3A_334, %eq3A_355 : vector<16xi32>
          %jit3A_357 = arith.constant 0 : i32
          %broadcast_in_dim3A_358 = vector.broadcast %jit3A_357 : i32 to vector<16xi32>
          %select_n3A_359 = arith.select %eq3A_356, %broadcast_in_dim3A_358, %while3A_334 : vector<16xi1>, vector<16xi32>
          %broadcast_in_dim3A_360 = arith.constant 0 : i32
          %broadcast_in_dim3A_361 = vector.broadcast %broadcast_in_dim3A_360 : i32 to vector<16xi32>
          %add3A_362 = arith.addi %broadcast_in_dim3A_361, %select_n3A_359 : vector<16xi32>
          %add3A_363 = arith.constant 0 : i32
          %add3A_364 = vector.broadcast %add3A_363 : i32 to vector<16xi32>
          %add3A_365 = arith.addi %iota3A, %add3A_364 : vector<16xi32>
          %gather3A_366 = tpu.vector_load_idx %arg14[%add3A_365, %sub3A_344] : memref<64x256xf32, #tpu.memory_space<vmem>>[vector<16xi32>, vector<16xi32>], vector<16xf32>,
          %mul3A_367 = arith.constant 64 : i32
          %mul3A_368 = vector.broadcast %mul3A_367 : i32 to vector<16xi32>
          %mul3A_369 = arith.muli %add3A_348, %mul3A_368 : vector<16xi32>
          %add3A_370 = arith.addi %mul3A_369, %add3A_365 : vector<16xi32>
          %gather3A_371 = tpu.vector_load_idx %arg13[%add3A_370] : memref<40960xf32, #tpu.memory_space<vmem>>[vector<16xi32>], vector<16xf32>,
          %add3A_372 = arith.addf %gather3A_366, %gather3A_371 : vector<16xf32>
          tpu.vector_store_idx %arg17[%add3A_362, %add3A_365], %add3A_372 : memref<16x128xf32, #tpu.memory_space<vmem>>[vector<16xi32>, vector<16xi32>], vector<16xf32>,
          %add3A_373 = arith.constant 16 : i32
          %add3A_374 = vector.broadcast %add3A_373 : i32 to vector<16xi32>
          %add3A_375 = arith.addi %iota3A, %add3A_374 : vector<16xi32>
          %gather3A_376 = tpu.vector_load_idx %arg14[%add3A_375, %sub3A_344] : memref<64x256xf32, #tpu.memory_space<vmem>>[vector<16xi32>, vector<16xi32>], vector<16xf32>,
          %mul3A_377 = arith.constant 64 : i32
          %mul3A_378 = vector.broadcast %mul3A_377 : i32 to vector<16xi32>
          %mul3A_379 = arith.muli %add3A_348, %mul3A_378 : vector<16xi32>
          %add3A_380 = arith.addi %mul3A_379, %add3A_375 : vector<16xi32>
          %gather3A_381 = tpu.vector_load_idx %arg13[%add3A_380] : memref<40960xf32, #tpu.memory_space<vmem>>[vector<16xi32>], vector<16xf32>,
          %add3A_382 = arith.addf %gather3A_376, %gather3A_381 : vector<16xf32>
          tpu.vector_store_idx %arg17[%add3A_362, %add3A_375], %add3A_382 : memref<16x128xf32, #tpu.memory_space<vmem>>[vector<16xi32>, vector<16xi32>], vector<16xf32>,
          %add3A_383 = arith.constant 32 : i32
          %add3A_384 = vector.broadcast %add3A_383 : i32 to vector<16xi32>
          %add3A_385 = arith.addi %iota3A, %add3A_384 : vector<16xi32>
          %gather3A_386 = tpu.vector_load_idx %arg14[%add3A_385, %sub3A_344] : memref<64x256xf32, #tpu.memory_space<vmem>>[vector<16xi32>, vector<16xi32>], vector<16xf32>,
          %mul3A_387 = arith.constant 64 : i32
          %mul3A_388 = vector.broadcast %mul3A_387 : i32 to vector<16xi32>
          %mul3A_389 = arith.muli %add3A_348, %mul3A_388 : vector<16xi32>
          %add3A_390 = arith.addi %mul3A_389, %add3A_385 : vector<16xi32>
          %gather3A_391 = tpu.vector_load_idx %arg13[%add3A_390] : memref<40960xf32, #tpu.memory_space<vmem>>[vector<16xi32>], vector<16xf32>,
          %add3A_392 = arith.addf %gather3A_386, %gather3A_391 : vector<16xf32>
          tpu.vector_store_idx %arg17[%add3A_362, %add3A_385], %add3A_392 : memref<16x128xf32, #tpu.memory_space<vmem>>[vector<16xi32>, vector<16xi32>], vector<16xf32>,
          %add3A_393 = arith.constant 48 : i32
          %add3A_394 = vector.broadcast %add3A_393 : i32 to vector<16xi32>
          %add3A_395 = arith.addi %iota3A, %add3A_394 : vector<16xi32>
          %gather3A_396 = tpu.vector_load_idx %arg14[%add3A_395, %sub3A_344] : memref<64x256xf32, #tpu.memory_space<vmem>>[vector<16xi32>, vector<16xi32>], vector<16xf32>,
          %mul3A_397 = arith.constant 64 : i32
          %mul3A_398 = vector.broadcast %mul3A_397 : i32 to vector<16xi32>
          %mul3A_399 = arith.muli %add3A_348, %mul3A_398 : vector<16xi32>
          %add3A_400 = arith.addi %mul3A_399, %add3A_395 : vector<16xi32>
          %gather3A_401 = tpu.vector_load_idx %arg13[%add3A_400] : memref<40960xf32, #tpu.memory_space<vmem>>[vector<16xi32>], vector<16xf32>,
          %add3A_402 = arith.addf %gather3A_396, %gather3A_401 : vector<16xf32>
          tpu.vector_store_idx %arg17[%add3A_362, %add3A_395], %add3A_402 : memref<16x128xf32, #tpu.memory_space<vmem>>[vector<16xi32>, vector<16xi32>], vector<16xf32>,
          tpu.vector_store_idx %arg18[%add3A_362], %gather3A_343 masked %eq3A_8 : memref<16xi32, #tpu.memory_space<vmem>>[vector<16xi32>], vector<16xi32>, vector<16xi1>
          %ne3A = arith.cmpi ne, %iota3A, %all_reduce_ffs3A : vector<16xi32>
          %and3A_403 = arith.andi %while3A_333, %ne3A : vector<16xi1>
          %add3A_404 = arith.constant 1 : i32
          %add3A_405 = vector.broadcast %add3A_404 : i32 to vector<16xi32>
          %add3A_406 = arith.addi %select_n3A_359, %add3A_405 : vector<16xi32>
          scf.yield %and3A_403, %add3A_406 : vector<16xi1>, vector<16xi32>
        }
        scf.yield %while3A_332#1 : vector<16xi32>
      }
      %scan3A_267 = arith.constant 40 : i32
      %add3A_268 = arith.constant 2 : i32
      %add3A_269 = arith.addi %add3A_247, %add3A_268 : i32
      %mul3A_270 = arith.constant 256 : i32
      %mul3A_271 = arith.muli %add3A_269, %mul3A_270 : i32
      %add3A_272 = arith.addi %mul3A_2, %mul3A_271 : i32
      %min3A_273 = arith.constant 999680 : i32
      %min3A_274 = arith.minsi %add3A_272, %min3A_273 : i32
      %multiple_of3A_275 = tpu.assume_multiple %min3A_274, 256 : i32
      %dma_start3A_276 = arith.constant 0 : i32
      %dma_start3A_277 = tpu.memref_slice %arg2[%dma_start3A_276, %multiple_of3A_275] : memref<64x1000000xf32, #tpu.memory_space<hbm>> -> memref<64x256xf32, #tpu.memory_space<hbm>>
      %dma_start3A_278 = arith.constant 0 : i32
      %dma_start3A_279 = tpu.memref_slice %arg2[%dma_start3A_278, %multiple_of3A_275] : memref<64x1000000xf32, #tpu.memory_space<hbm>> -> memref<64x256xf32, #tpu.memory_space<hbm>>
      tpu.enqueue_dma source(%dma_start3A_279 : memref<64x256xf32, #tpu.memory_space<hbm>>) target(%arg14 : memref<64x256xf32, #tpu.memory_space<vmem>>) target_semaphore(%arg19 : memref<!tpu.dma_semaphore, #tpu.memory_space<semaphore_mem>>)
      %mul3A_280 = arith.constant 2 : i32
      %mul3A_281 = arith.muli %while3A_242, %mul3A_280 : i32
      %add3A_282 = arith.constant 1 : i32
      %add3A_283 = arith.addi %mul3A_281, %add3A_282 : i32
      %mul3A_284 = arith.constant 256 : i32
      %mul3A_285 = arith.muli %add3A_283, %mul3A_284 : i32
      %add3A_286 = arith.addi %mul3A_2, %mul3A_285 : i32
      %multiple_of3A_287 = tpu.assume_multiple %add3A_286, 256 : i32
      %mul3A_288 = arith.constant 256 : i32
      %mul3A_289 = arith.muli %add3A_283, %mul3A_288 : i32
      %add3A_290 = arith.addi %mul3A_2, %mul3A_289 : i32
      %min3A_291 = arith.constant 999680 : i32
      %min3A_292 = arith.minsi %add3A_290, %min3A_291 : i32
      %multiple_of3A_293 = tpu.assume_multiple %min3A_292, 256 : i32
      %dma_wait3A_294 = arith.constant 0 : i32
      %dma_wait3A_295 = tpu.memref_slice %arg2[%dma_wait3A_294, %multiple_of3A_293] : memref<64x1000000xf32, #tpu.memory_space<hbm>> -> memref<64x256xf32, #tpu.memory_space<hbm>>
      %dma_wait3A_296 = arith.constant 0 : i32
      %dma_wait3A_297 = tpu.memref_slice %arg2[%dma_wait3A_296, %multiple_of3A_293] : memref<64x1000000xf32, #tpu.memory_space<hbm>> -> memref<64x256xf32, #tpu.memory_space<hbm>>
      tpu.wait_dma2 semaphore(%arg20 : memref<!tpu.dma_semaphore, #tpu.memory_space<semaphore_mem>>) src(%dma_wait3A_297 : memref<64x256xf32, #tpu.memory_space<hbm>>) dst(%arg15 : memref<64x256xf32, #tpu.memory_space<vmem>>)
      %scan3A_298 = arith.constant 0 : i32
      %scan3A_299 = arith.constant 40 : i32
      %scan3A_300 = arith.addi %scan3A_298, %scan3A_299 : i32
      %scan3A_301 = arith.constant 1 : i32
      %scan3A_302 = scf.for %scan3A_316 = %scan3A_298 to %scan3A_300 step %scan3A_301 iter_args(%scan3A_317 = %scan3A_266) -> (vector<16xi32>)  : i32 {
        %mul3A_318 = arith.constant 16 : i32
        %mul3A_319 = arith.muli %scan3A_316, %mul3A_318 : i32
        %add3A_320 = vector.broadcast %mul3A_319 : i32 to vector<16xi32>
        %add3A_321 = arith.addi %add3A_320, %iota3A : vector<16xi32>
        %lt3A = vector.broadcast %scan3A_13 : i32 to vector<16xi32>
        %lt3A_322 = arith.cmpi slt, %add3A_321, %lt3A : vector<16xi32>
        %mul3A_323 = arith.constant 16 : i32
        %mul3A_324 = arith.muli %scan3A_316, %mul3A_323 : i32
        %get3A = arith.index_cast %mul3A_324 : i32 to index
        %get3A_325 = tpu.vector_load %arg9[%get3A] {strides = array<i32>} : memref<640xi32, #tpu.memory_space<vmem>>, vector<16xi32>,
        %ge3A = vector.broadcast %multiple_of3A_287 : i32 to vector<16xi32>
        %ge3A_326 = arith.cmpi sge, %get3A_325, %ge3A : vector<16xi32>
        %and3A = arith.andi %lt3A_322, %ge3A_326 : vector<16xi1>
        %add3A_327 = arith.constant 256 : i32
        %add3A_328 = arith.addi %multiple_of3A_287, %add3A_327 : i32
        %lt3A_329 = vector.broadcast %add3A_328 : i32 to vector<16xi32>
        %lt3A_330 = arith.cmpi slt, %get3A_325, %lt3A_329 : vector<16xi32>
        %and3A_331 = arith.andi %and3A, %lt3A_330 : vector<16xi1>
        %while3A_332:2 = scf.while (%while3A_333 = %and3A_331, %while3A_334 = %scan3A_317) : (vector<16xi1>, vector<16xi32>) -> (vector<16xi1>, vector<16xi32>) {
          %all_reduce_population_count3A = tpu.all_reduce %while3A_333 {dim = 0 : i64, kind = #tpu.reduction_kind<sum>} : vector<16xi1> -> vector<16xi32>
          %slice3A = vector.extract_strided_slice %all_reduce_population_count3A {offsets = [0], sizes = [1], strides = [1]} : vector<16xi32> to vector<1xi32>
          %squeeze3A = vector.extract %slice3A[0] : i32 from vector<1xi32>
          %gt3A = arith.constant 0 : i32
          %gt3A_335 = arith.cmpi sgt, %squeeze3A, %gt3A : i32
          scf.condition(%gt3A_335) %while3A_333, %while3A_334 : vector<16xi1>, vector<16xi32>
        } do {
        ^bb0(%while3A_333: vector<16xi1>, %while3A_334: vector<16xi32>):
          %all_reduce_ffs3A = tpu.all_reduce %while3A_333 {dim = 0 : i64, kind = #tpu.reduction_kind<find_first_set>} : vector<16xi1> -> vector<16xi32>
          %broadcast_in_dim3A_335 = vector.shape_cast %all_reduce_ffs3A : vector<16xi32> to vector<16x1xi32>
          %gather3A = vector.shape_cast %broadcast_in_dim3A_335 : vector<16x1xi32> to vector<16xi32>
          %gather3A_336 = tpu.dynamic_gather %get3A_325[%gather3A] in [0] : vector<16xi32>, vector<16xi32> -> vector<16xi32>
          %mul3A_337 = arith.constant 16 : i32
          %mul3A_338 = arith.muli %scan3A_316, %mul3A_337 : i32
          %get3A_339 = arith.index_cast %mul3A_338 : i32 to index
          %get3A_340 = tpu.vector_load %arg8[%get3A_339] {strides = array<i32>} : memref<640xi32, #tpu.memory_space<vmem>>, vector<16xi32>,
          %broadcast_in_dim3A_341 = vector.shape_cast %all_reduce_ffs3A : vector<16xi32> to vector<16x1xi32>
          %gather3A_342 = vector.shape_cast %broadcast_in_dim3A_341 : vector<16x1xi32> to vector<16xi32>
          %gather3A_343 = tpu.dynamic_gather %get3A_340[%gather3A_342] in [0] : vector<16xi32>, vector<16xi32> -> vector<16xi32>
          %sub3A = vector.broadcast %multiple_of3A_287 : i32 to vector<16xi32>
          %sub3A_344 = arith.subi %gather3A_336, %sub3A : vector<16xi32>
          %mul3A_345 = arith.constant 16 : i32
          %mul3A_346 = arith.muli %scan3A_316, %mul3A_345 : i32
          %broadcast_in_dim3A_347 = vector.broadcast %mul3A_346 : i32 to vector<16xi32>
          %add3A_348 = arith.addi %broadcast_in_dim3A_347, %all_reduce_ffs3A : vector<16xi32>
          %slice3A = vector.extract_strided_slice %while3A_334 {offsets = [0], sizes = [1], strides = [1]} : vector<16xi32> to vector<1xi32>
          %squeeze3A = vector.extract %slice3A[0] : i32 from vector<1xi32>
          %eq3A_349 = arith.constant 16 : i32
          %eq3A_350 = arith.cmpi eq, %squeeze3A, %eq3A_349 : i32
          %convert_element_type3A_351 = arith.extui %eq3A_350 : i1 to i32
          %cond3A_352 = arith.constant 0 : i32
          %cond3A_353 = arith.cmpi ne, %convert_element_type3A_351, %cond3A_352 : i32
          scf.if %cond3A_353 {
            "tpu.region"() ({
              %run_scoped3A = tpu.sem_alloc : memref<!tpu.dma_semaphore, #tpu.memory_space<semaphore_mem>>
              %dma_start3A_412 = arith.constant 0 : i32
              %dma_start3A_413 = arith.constant 0 : i32
              %dma_start3A_414 = tpu.memref_slice %arg6[%dma_start3A_412, %dma_start3A_413] : memref<16400x128xf32, #tpu.memory_space<hbm>> -> memref<16400x128xf32, #tpu.memory_space<hbm>>
              tpu.enqueue_indirect_dma source(%arg17 : memref<16x128xf32, #tpu.memory_space<vmem>>) target(%dma_start3A_414 : memref<16400x128xf32, #tpu.memory_space<hbm>>) offsets(%arg18 : memref<16xi32, #tpu.memory_space<vmem>>) semaphore(%run_scoped3A : memref<!tpu.dma_semaphore, #tpu.memory_space<semaphore_mem>>)
              %dma_wait3A_415 = arith.constant 0 : i32
              %dma_wait3A_416 = arith.constant 0 : i32
              %dma_wait3A_417 = tpu.memref_slice %arg6[%dma_wait3A_415, %dma_wait3A_416] : memref<16400x128xf32, #tpu.memory_space<hbm>> -> memref<16400x128xf32, #tpu.memory_space<hbm>>
              tpu.wait_indirect_dma semaphore(%run_scoped3A : memref<!tpu.dma_semaphore, #tpu.memory_space<semaphore_mem>>) src(%arg17 : memref<16x128xf32, #tpu.memory_space<vmem>>) dst(%dma_wait3A_417 : memref<16400x128xf32, #tpu.memory_space<hbm>>)
              tpu.yield
            }) : () -> ()
            %add3A_407 = arith.constant 16384 : i32
            %add3A_408 = vector.broadcast %add3A_407 : i32 to vector<16xi32>
            %add3A_409 = arith.addi %add3A_408, %iota3A : vector<16xi32>
            %swap3A_410 = arith.constant 0 : index
            %swap3A_411 = tpu.vector_load %arg18[%swap3A_410] {strides = array<i32>} : memref<16xi32, #tpu.memory_space<vmem>>, vector<16xi32>,
            tpu.vector_store %arg18[%swap3A_410], %add3A_409 {strides = array<i32>} : memref<16xi32, #tpu.memory_space<vmem>>, vector<16xi32>,
          } else {
          }
          %eq3A_354 = arith.constant 16 : i32
          %eq3A_355 = vector.broadcast %eq3A_354 : i32 to vector<16xi32>
          %eq3A_356 = arith.cmpi eq, %while3A_334, %eq3A_355 : vector<16xi32>
          %jit3A_357 = arith.constant 0 : i32
          %broadcast_in_dim3A_358 = vector.broadcast %jit3A_357 : i32 to vector<16xi32>
          %select_n3A_359 = arith.select %eq3A_356, %broadcast_in_dim3A_358, %while3A_334 : vector<16xi1>, vector<16xi32>
          %broadcast_in_dim3A_360 = arith.constant 0 : i32
          %broadcast_in_dim3A_361 = vector.broadcast %broadcast_in_dim3A_360 : i32 to vector<16xi32>
          %add3A_362 = arith.addi %broadcast_in_dim3A_361, %select_n3A_359 : vector<16xi32>
          %add3A_363 = arith.constant 0 : i32
          %add3A_364 = vector.broadcast %add3A_363 : i32 to vector<16xi32>
          %add3A_365 = arith.addi %iota3A, %add3A_364 : vector<16xi32>
          %gather3A_366 = tpu.vector_load_idx %arg15[%add3A_365, %sub3A_344] : memref<64x256xf32, #tpu.memory_space<vmem>>[vector<16xi32>, vector<16xi32>], vector<16xf32>,
          %mul3A_367 = arith.constant 64 : i32
          %mul3A_368 = vector.broadcast %mul3A_367 : i32 to vector<16xi32>
          %mul3A_369 = arith.muli %add3A_348, %mul3A_368 : vector<16xi32>
          %add3A_370 = arith.addi %mul3A_369, %add3A_365 : vector<16xi32>
          %gather3A_371 = tpu.vector_load_idx %arg13[%add3A_370] : memref<40960xf32, #tpu.memory_space<vmem>>[vector<16xi32>], vector<16xf32>,
          %add3A_372 = arith.addf %gather3A_366, %gather3A_371 : vector<16xf32>
          tpu.vector_store_idx %arg17[%add3A_362, %add3A_365], %add3A_372 : memref<16x128xf32, #tpu.memory_space<vmem>>[vector<16xi32>, vector<16xi32>], vector<16xf32>,
          %add3A_373 = arith.constant 16 : i32
          %add3A_374 = vector.broadcast %add3A_373 : i32 to vector<16xi32>
          %add3A_375 = arith.addi %iota3A, %add3A_374 : vector<16xi32>
          %gather3A_376 = tpu.vector_load_idx %arg15[%add3A_375, %sub3A_344] : memref<64x256xf32, #tpu.memory_space<vmem>>[vector<16xi32>, vector<16xi32>], vector<16xf32>,
          %mul3A_377 = arith.constant 64 : i32
          %mul3A_378 = vector.broadcast %mul3A_377 : i32 to vector<16xi32>
          %mul3A_379 = arith.muli %add3A_348, %mul3A_378 : vector<16xi32>
          %add3A_380 = arith.addi %mul3A_379, %add3A_375 : vector<16xi32>
          %gather3A_381 = tpu.vector_load_idx %arg13[%add3A_380] : memref<40960xf32, #tpu.memory_space<vmem>>[vector<16xi32>], vector<16xf32>,
          %add3A_382 = arith.addf %gather3A_376, %gather3A_381 : vector<16xf32>
          tpu.vector_store_idx %arg17[%add3A_362, %add3A_375], %add3A_382 : memref<16x128xf32, #tpu.memory_space<vmem>>[vector<16xi32>, vector<16xi32>], vector<16xf32>,
          %add3A_383 = arith.constant 32 : i32
          %add3A_384 = vector.broadcast %add3A_383 : i32 to vector<16xi32>
          %add3A_385 = arith.addi %iota3A, %add3A_384 : vector<16xi32>
          %gather3A_386 = tpu.vector_load_idx %arg15[%add3A_385, %sub3A_344] : memref<64x256xf32, #tpu.memory_space<vmem>>[vector<16xi32>, vector<16xi32>], vector<16xf32>,
          %mul3A_387 = arith.constant 64 : i32
          %mul3A_388 = vector.broadcast %mul3A_387 : i32 to vector<16xi32>
          %mul3A_389 = arith.muli %add3A_348, %mul3A_388 : vector<16xi32>
          %add3A_390 = arith.addi %mul3A_389, %add3A_385 : vector<16xi32>
          %gather3A_391 = tpu.vector_load_idx %arg13[%add3A_390] : memref<40960xf32, #tpu.memory_space<vmem>>[vector<16xi32>], vector<16xf32>,
          %add3A_392 = arith.addf %gather3A_386, %gather3A_391 : vector<16xf32>
          tpu.vector_store_idx %arg17[%add3A_362, %add3A_385], %add3A_392 : memref<16x128xf32, #tpu.memory_space<vmem>>[vector<16xi32>, vector<16xi32>], vector<16xf32>,
          %add3A_393 = arith.constant 48 : i32
          %add3A_394 = vector.broadcast %add3A_393 : i32 to vector<16xi32>
          %add3A_395 = arith.addi %iota3A, %add3A_394 : vector<16xi32>
          %gather3A_396 = tpu.vector_load_idx %arg15[%add3A_395, %sub3A_344] : memref<64x256xf32, #tpu.memory_space<vmem>>[vector<16xi32>, vector<16xi32>], vector<16xf32>,
          %mul3A_397 = arith.constant 64 : i32
          %mul3A_398 = vector.broadcast %mul3A_397 : i32 to vector<16xi32>
          %mul3A_399 = arith.muli %add3A_348, %mul3A_398 : vector<16xi32>
          %add3A_400 = arith.addi %mul3A_399, %add3A_395 : vector<16xi32>
          %gather3A_401 = tpu.vector_load_idx %arg13[%add3A_400] : memref<40960xf32, #tpu.memory_space<vmem>>[vector<16xi32>], vector<16xf32>,
          %add3A_402 = arith.addf %gather3A_396, %gather3A_401 : vector<16xf32>
          tpu.vector_store_idx %arg17[%add3A_362, %add3A_395], %add3A_402 : memref<16x128xf32, #tpu.memory_space<vmem>>[vector<16xi32>, vector<16xi32>], vector<16xf32>,
          tpu.vector_store_idx %arg18[%add3A_362], %gather3A_343 masked %eq3A_8 : memref<16xi32, #tpu.memory_space<vmem>>[vector<16xi32>], vector<16xi32>, vector<16xi1>
          %ne3A = arith.cmpi ne, %iota3A, %all_reduce_ffs3A : vector<16xi32>
          %and3A_403 = arith.andi %while3A_333, %ne3A : vector<16xi1>
          %add3A_404 = arith.constant 1 : i32
          %add3A_405 = vector.broadcast %add3A_404 : i32 to vector<16xi32>
          %add3A_406 = arith.addi %select_n3A_359, %add3A_405 : vector<16xi32>
          scf.yield %and3A_403, %add3A_406 : vector<16xi1>, vector<16xi32>
        }
        scf.yield %while3A_332#1 : vector<16xi32>
      }
      %scan3A_303 = arith.constant 40 : i32
      %add3A_304 = arith.constant 2 : i32
      %add3A_305 = arith.addi %add3A_283, %add3A_304 : i32
      %mul3A_306 = arith.constant 256 : i32
      %mul3A_307 = arith.muli %add3A_305, %mul3A_306 : i32
      %add3A_308 = arith.addi %mul3A_2, %mul3A_307 : i32
      %min3A_309 = arith.constant 999680 : i32
      %min3A_310 = arith.minsi %add3A_308, %min3A_309 : i32
      %multiple_of3A_311 = tpu.assume_multiple %min3A_310, 256 : i32
      %dma_start3A_312 = arith.constant 0 : i32
      %dma_start3A_313 = tpu.memref_slice %arg2[%dma_start3A_312, %multiple_of3A_311] : memref<64x1000000xf32, #tpu.memory_space<hbm>> -> memref<64x256xf32, #tpu.memory_space<hbm>>
      %dma_start3A_314 = arith.constant 0 : i32
      %dma_start3A_315 = tpu.memref_slice %arg2[%dma_start3A_314, %multiple_of3A_311] : memref<64x1000000xf32, #tpu.memory_space<hbm>> -> memref<64x256xf32, #tpu.memory_space<hbm>>
      tpu.enqueue_dma source(%dma_start3A_315 : memref<64x256xf32, #tpu.memory_space<hbm>>) target(%arg15 : memref<64x256xf32, #tpu.memory_space<vmem>>) target_semaphore(%arg20 : memref<!tpu.dma_semaphore, #tpu.memory_space<semaphore_mem>>)
      scf.yield %scan3A_302 : vector<16xi32>
    }
    %while3A_213 = arith.constant 1 : i32
    %while3A_214 = scf.for %while3A_242 = %while3A_210 to %while3A_206 step %while3A_213 iter_args(%while3A_243 = %while3A_212) -> (vector<16xi32>)  : i32 {
      %mul3A_244 = arith.constant 2 : i32
      %mul3A_245 = arith.muli %while3A_242, %mul3A_244 : i32
      %add3A_246 = arith.constant 0 : i32
      %add3A_247 = arith.addi %mul3A_245, %add3A_246 : i32
      %mul3A_248 = arith.constant 256 : i32
      %mul3A_249 = arith.muli %add3A_247, %mul3A_248 : i32
      %add3A_250 = arith.addi %mul3A_2, %mul3A_249 : i32
      %multiple_of3A_251 = tpu.assume_multiple %add3A_250, 256 : i32
      %mul3A_252 = arith.constant 256 : i32
      %mul3A_253 = arith.muli %add3A_247, %mul3A_252 : i32
      %add3A_254 = arith.addi %mul3A_2, %mul3A_253 : i32
      %min3A_255 = arith.constant 999680 : i32
      %min3A_256 = arith.minsi %add3A_254, %min3A_255 : i32
      %multiple_of3A_257 = tpu.assume_multiple %min3A_256, 256 : i32
      %dma_wait3A_258 = arith.constant 0 : i32
      %dma_wait3A_259 = tpu.memref_slice %arg2[%dma_wait3A_258, %multiple_of3A_257] : memref<64x1000000xf32, #tpu.memory_space<hbm>> -> memref<64x256xf32, #tpu.memory_space<hbm>>
      %dma_wait3A_260 = arith.constant 0 : i32
      %dma_wait3A_261 = tpu.memref_slice %arg2[%dma_wait3A_260, %multiple_of3A_257] : memref<64x1000000xf32, #tpu.memory_space<hbm>> -> memref<64x256xf32, #tpu.memory_space<hbm>>
      tpu.wait_dma2 semaphore(%arg19 : memref<!tpu.dma_semaphore, #tpu.memory_space<semaphore_mem>>) src(%dma_wait3A_261 : memref<64x256xf32, #tpu.memory_space<hbm>>) dst(%arg14 : memref<64x256xf32, #tpu.memory_space<vmem>>)
      %scan3A_262 = arith.constant 0 : i32
      %scan3A_263 = arith.constant 40 : i32
      %scan3A_264 = arith.addi %scan3A_262, %scan3A_263 : i32
      %scan3A_265 = arith.constant 1 : i32
      %scan3A_266 = scf.for %scan3A_316 = %scan3A_262 to %scan3A_264 step %scan3A_265 iter_args(%scan3A_317 = %while3A_243) -> (vector<16xi32>)  : i32 {
        %mul3A_318 = arith.constant 16 : i32
        %mul3A_319 = arith.muli %scan3A_316, %mul3A_318 : i32
        %add3A_320 = vector.broadcast %mul3A_319 : i32 to vector<16xi32>
        %add3A_321 = arith.addi %add3A_320, %iota3A : vector<16xi32>
        %lt3A = vector.broadcast %scan3A_13 : i32 to vector<16xi32>
        %lt3A_322 = arith.cmpi slt, %add3A_321, %lt3A : vector<16xi32>
        %mul3A_323 = arith.constant 16 : i32
        %mul3A_324 = arith.muli %scan3A_316, %mul3A_323 : i32
        %get3A = arith.index_cast %mul3A_324 : i32 to index
        %get3A_325 = tpu.vector_load %arg9[%get3A] {strides = array<i32>} : memref<640xi32, #tpu.memory_space<vmem>>, vector<16xi32>,
        %ge3A = vector.broadcast %multiple_of3A_251 : i32 to vector<16xi32>
        %ge3A_326 = arith.cmpi sge, %get3A_325, %ge3A : vector<16xi32>
        %and3A = arith.andi %lt3A_322, %ge3A_326 : vector<16xi1>
        %add3A_327 = arith.constant 256 : i32
        %add3A_328 = arith.addi %multiple_of3A_251, %add3A_327 : i32
        %lt3A_329 = vector.broadcast %add3A_328 : i32 to vector<16xi32>
        %lt3A_330 = arith.cmpi slt, %get3A_325, %lt3A_329 : vector<16xi32>
        %and3A_331 = arith.andi %and3A, %lt3A_330 : vector<16xi1>
        %while3A_332:2 = scf.while (%while3A_333 = %and3A_331, %while3A_334 = %scan3A_317) : (vector<16xi1>, vector<16xi32>) -> (vector<16xi1>, vector<16xi32>) {
          %all_reduce_population_count3A = tpu.all_reduce %while3A_333 {dim = 0 : i64, kind = #tpu.reduction_kind<sum>} : vector<16xi1> -> vector<16xi32>
          %slice3A = vector.extract_strided_slice %all_reduce_population_count3A {offsets = [0], sizes = [1], strides = [1]} : vector<16xi32> to vector<1xi32>
          %squeeze3A = vector.extract %slice3A[0] : i32 from vector<1xi32>
          %gt3A = arith.constant 0 : i32
          %gt3A_335 = arith.cmpi sgt, %squeeze3A, %gt3A : i32
          scf.condition(%gt3A_335) %while3A_333, %while3A_334 : vector<16xi1>, vector<16xi32>
        } do {
        ^bb0(%while3A_333: vector<16xi1>, %while3A_334: vector<16xi32>):
          %all_reduce_ffs3A = tpu.all_reduce %while3A_333 {dim = 0 : i64, kind = #tpu.reduction_kind<find_first_set>} : vector<16xi1> -> vector<16xi32>
          %broadcast_in_dim3A_335 = vector.shape_cast %all_reduce_ffs3A : vector<16xi32> to vector<16x1xi32>
          %gather3A = vector.shape_cast %broadcast_in_dim3A_335 : vector<16x1xi32> to vector<16xi32>
          %gather3A_336 = tpu.dynamic_gather %get3A_325[%gather3A] in [0] : vector<16xi32>, vector<16xi32> -> vector<16xi32>
          %mul3A_337 = arith.constant 16 : i32
          %mul3A_338 = arith.muli %scan3A_316, %mul3A_337 : i32
          %get3A_339 = arith.index_cast %mul3A_338 : i32 to index
          %get3A_340 = tpu.vector_load %arg8[%get3A_339] {strides = array<i32>} : memref<640xi32, #tpu.memory_space<vmem>>, vector<16xi32>,
          %broadcast_in_dim3A_341 = vector.shape_cast %all_reduce_ffs3A : vector<16xi32> to vector<16x1xi32>
          %gather3A_342 = vector.shape_cast %broadcast_in_dim3A_341 : vector<16x1xi32> to vector<16xi32>
          %gather3A_343 = tpu.dynamic_gather %get3A_340[%gather3A_342] in [0] : vector<16xi32>, vector<16xi32> -> vector<16xi32>
          %sub3A = vector.broadcast %multiple_of3A_251 : i32 to vector<16xi32>
          %sub3A_344 = arith.subi %gather3A_336, %sub3A : vector<16xi32>
          %mul3A_345 = arith.constant 16 : i32
          %mul3A_346 = arith.muli %scan3A_316, %mul3A_345 : i32
          %broadcast_in_dim3A_347 = vector.broadcast %mul3A_346 : i32 to vector<16xi32>
          %add3A_348 = arith.addi %broadcast_in_dim3A_347, %all_reduce_ffs3A : vector<16xi32>
          %slice3A = vector.extract_strided_slice %while3A_334 {offsets = [0], sizes = [1], strides = [1]} : vector<16xi32> to vector<1xi32>
          %squeeze3A = vector.extract %slice3A[0] : i32 from vector<1xi32>
          %eq3A_349 = arith.constant 16 : i32
          %eq3A_350 = arith.cmpi eq, %squeeze3A, %eq3A_349 : i32
          %convert_element_type3A_351 = arith.extui %eq3A_350 : i1 to i32
          %cond3A_352 = arith.constant 0 : i32
          %cond3A_353 = arith.cmpi ne, %convert_element_type3A_351, %cond3A_352 : i32
          scf.if %cond3A_353 {
            "tpu.region"() ({
              %run_scoped3A = tpu.sem_alloc : memref<!tpu.dma_semaphore, #tpu.memory_space<semaphore_mem>>
              %dma_start3A_412 = arith.constant 0 : i32
              %dma_start3A_413 = arith.constant 0 : i32
              %dma_start3A_414 = tpu.memref_slice %arg6[%dma_start3A_412, %dma_start3A_413] : memref<16400x128xf32, #tpu.memory_space<hbm>> -> memref<16400x128xf32, #tpu.memory_space<hbm>>
              tpu.enqueue_indirect_dma source(%arg17 : memref<16x128xf32, #tpu.memory_space<vmem>>) target(%dma_start3A_414 : memref<16400x128xf32, #tpu.memory_space<hbm>>) offsets(%arg18 : memref<16xi32, #tpu.memory_space<vmem>>) semaphore(%run_scoped3A : memref<!tpu.dma_semaphore, #tpu.memory_space<semaphore_mem>>)
              %dma_wait3A_415 = arith.constant 0 : i32
              %dma_wait3A_416 = arith.constant 0 : i32
              %dma_wait3A_417 = tpu.memref_slice %arg6[%dma_wait3A_415, %dma_wait3A_416] : memref<16400x128xf32, #tpu.memory_space<hbm>> -> memref<16400x128xf32, #tpu.memory_space<hbm>>
              tpu.wait_indirect_dma semaphore(%run_scoped3A : memref<!tpu.dma_semaphore, #tpu.memory_space<semaphore_mem>>) src(%arg17 : memref<16x128xf32, #tpu.memory_space<vmem>>) dst(%dma_wait3A_417 : memref<16400x128xf32, #tpu.memory_space<hbm>>)
              tpu.yield
            }) : () -> ()
            %add3A_407 = arith.constant 16384 : i32
            %add3A_408 = vector.broadcast %add3A_407 : i32 to vector<16xi32>
            %add3A_409 = arith.addi %add3A_408, %iota3A : vector<16xi32>
            %swap3A_410 = arith.constant 0 : index
            %swap3A_411 = tpu.vector_load %arg18[%swap3A_410] {strides = array<i32>} : memref<16xi32, #tpu.memory_space<vmem>>, vector<16xi32>,
            tpu.vector_store %arg18[%swap3A_410], %add3A_409 {strides = array<i32>} : memref<16xi32, #tpu.memory_space<vmem>>, vector<16xi32>,
          } else {
          }
          %eq3A_354 = arith.constant 16 : i32
          %eq3A_355 = vector.broadcast %eq3A_354 : i32 to vector<16xi32>
          %eq3A_356 = arith.cmpi eq, %while3A_334, %eq3A_355 : vector<16xi32>
          %jit3A_357 = arith.constant 0 : i32
          %broadcast_in_dim3A_358 = vector.broadcast %jit3A_357 : i32 to vector<16xi32>
          %select_n3A_359 = arith.select %eq3A_356, %broadcast_in_dim3A_358, %while3A_334 : vector<16xi1>, vector<16xi32>
          %broadcast_in_dim3A_360 = arith.constant 0 : i32
          %broadcast_in_dim3A_361 = vector.broadcast %broadcast_in_dim3A_360 : i32 to vector<16xi32>
          %add3A_362 = arith.addi %broadcast_in_dim3A_361, %select_n3A_359 : vector<16xi32>
          %add3A_363 = arith.constant 0 : i32
          %add3A_364 = vector.broadcast %add3A_363 : i32 to vector<16xi32>
          %add3A_365 = arith.addi %iota3A, %add3A_364 : vector<16xi32>
          %gather3A_366 = tpu.vector_load_idx %arg14[%add3A_365, %sub3A_344] : memref<64x256xf32, #tpu.memory_space<vmem>>[vector<16xi32>, vector<16xi32>], vector<16xf32>,
          %mul3A_367 = arith.constant 64 : i32
          %mul3A_368 = vector.broadcast %mul3A_367 : i32 to vector<16xi32>
          %mul3A_369 = arith.muli %add3A_348, %mul3A_368 : vector<16xi32>
          %add3A_370 = arith.addi %mul3A_369, %add3A_365 : vector<16xi32>
          %gather3A_371 = tpu.vector_load_idx %arg13[%add3A_370] : memref<40960xf32, #tpu.memory_space<vmem>>[vector<16xi32>], vector<16xf32>,
          %add3A_372 = arith.addf %gather3A_366, %gather3A_371 : vector<16xf32>
          tpu.vector_store_idx %arg17[%add3A_362, %add3A_365], %add3A_372 : memref<16x128xf32, #tpu.memory_space<vmem>>[vector<16xi32>, vector<16xi32>], vector<16xf32>,
          %add3A_373 = arith.constant 16 : i32
          %add3A_374 = vector.broadcast %add3A_373 : i32 to vector<16xi32>
          %add3A_375 = arith.addi %iota3A, %add3A_374 : vector<16xi32>
          %gather3A_376 = tpu.vector_load_idx %arg14[%add3A_375, %sub3A_344] : memref<64x256xf32, #tpu.memory_space<vmem>>[vector<16xi32>, vector<16xi32>], vector<16xf32>,
          %mul3A_377 = arith.constant 64 : i32
          %mul3A_378 = vector.broadcast %mul3A_377 : i32 to vector<16xi32>
          %mul3A_379 = arith.muli %add3A_348, %mul3A_378 : vector<16xi32>
          %add3A_380 = arith.addi %mul3A_379, %add3A_375 : vector<16xi32>
          %gather3A_381 = tpu.vector_load_idx %arg13[%add3A_380] : memref<40960xf32, #tpu.memory_space<vmem>>[vector<16xi32>], vector<16xf32>,
          %add3A_382 = arith.addf %gather3A_376, %gather3A_381 : vector<16xf32>
          tpu.vector_store_idx %arg17[%add3A_362, %add3A_375], %add3A_382 : memref<16x128xf32, #tpu.memory_space<vmem>>[vector<16xi32>, vector<16xi32>], vector<16xf32>,
          %add3A_383 = arith.constant 32 : i32
          %add3A_384 = vector.broadcast %add3A_383 : i32 to vector<16xi32>
          %add3A_385 = arith.addi %iota3A, %add3A_384 : vector<16xi32>
          %gather3A_386 = tpu.vector_load_idx %arg14[%add3A_385, %sub3A_344] : memref<64x256xf32, #tpu.memory_space<vmem>>[vector<16xi32>, vector<16xi32>], vector<16xf32>,
          %mul3A_387 = arith.constant 64 : i32
          %mul3A_388 = vector.broadcast %mul3A_387 : i32 to vector<16xi32>
          %mul3A_389 = arith.muli %add3A_348, %mul3A_388 : vector<16xi32>
          %add3A_390 = arith.addi %mul3A_389, %add3A_385 : vector<16xi32>
          %gather3A_391 = tpu.vector_load_idx %arg13[%add3A_390] : memref<40960xf32, #tpu.memory_space<vmem>>[vector<16xi32>], vector<16xf32>,
          %add3A_392 = arith.addf %gather3A_386, %gather3A_391 : vector<16xf32>
          tpu.vector_store_idx %arg17[%add3A_362, %add3A_385], %add3A_392 : memref<16x128xf32, #tpu.memory_space<vmem>>[vector<16xi32>, vector<16xi32>], vector<16xf32>,
          %add3A_393 = arith.constant 48 : i32
          %add3A_394 = vector.broadcast %add3A_393 : i32 to vector<16xi32>
          %add3A_395 = arith.addi %iota3A, %add3A_394 : vector<16xi32>
          %gather3A_396 = tpu.vector_load_idx %arg14[%add3A_395, %sub3A_344] : memref<64x256xf32, #tpu.memory_space<vmem>>[vector<16xi32>, vector<16xi32>], vector<16xf32>,
          %mul3A_397 = arith.constant 64 : i32
          %mul3A_398 = vector.broadcast %mul3A_397 : i32 to vector<16xi32>
          %mul3A_399 = arith.muli %add3A_348, %mul3A_398 : vector<16xi32>
          %add3A_400 = arith.addi %mul3A_399, %add3A_395 : vector<16xi32>
          %gather3A_401 = tpu.vector_load_idx %arg13[%add3A_400] : memref<40960xf32, #tpu.memory_space<vmem>>[vector<16xi32>], vector<16xf32>,
          %add3A_402 = arith.addf %gather3A_396, %gather3A_401 : vector<16xf32>
          tpu.vector_store_idx %arg17[%add3A_362, %add3A_395], %add3A_402 : memref<16x128xf32, #tpu.memory_space<vmem>>[vector<16xi32>, vector<16xi32>], vector<16xf32>,
          tpu.vector_store_idx %arg18[%add3A_362], %gather3A_343 masked %eq3A_8 : memref<16xi32, #tpu.memory_space<vmem>>[vector<16xi32>], vector<16xi32>, vector<16xi1>
          %ne3A = arith.cmpi ne, %iota3A, %all_reduce_ffs3A : vector<16xi32>
          %and3A_403 = arith.andi %while3A_333, %ne3A : vector<16xi1>
          %add3A_404 = arith.constant 1 : i32
          %add3A_405 = vector.broadcast %add3A_404 : i32 to vector<16xi32>
          %add3A_406 = arith.addi %select_n3A_359, %add3A_405 : vector<16xi32>
          scf.yield %and3A_403, %add3A_406 : vector<16xi1>, vector<16xi32>
        }
        scf.yield %while3A_332#1 : vector<16xi32>
      }
      %scan3A_267 = arith.constant 40 : i32
      %add3A_268 = arith.constant 2 : i32
      %add3A_269 = arith.addi %add3A_247, %add3A_268 : i32
      %mul3A_270 = arith.constant 256 : i32
      %mul3A_271 = arith.muli %add3A_269, %mul3A_270 : i32
      %add3A_272 = arith.addi %mul3A_2, %mul3A_271 : i32
      %min3A_273 = arith.constant 999680 : i32
      %min3A_274 = arith.minsi %add3A_272, %min3A_273 : i32
      %multiple_of3A_275 = tpu.assume_multiple %min3A_274, 256 : i32
      %dma_start3A_276 = arith.constant 0 : i32
      %dma_start3A_277 = tpu.memref_slice %arg2[%dma_start3A_276, %multiple_of3A_275] : memref<64x1000000xf32, #tpu.memory_space<hbm>> -> memref<64x256xf32, #tpu.memory_space<hbm>>
      %dma_start3A_278 = arith.constant 0 : i32
      %dma_start3A_279 = tpu.memref_slice %arg2[%dma_start3A_278, %multiple_of3A_275] : memref<64x1000000xf32, #tpu.memory_space<hbm>> -> memref<64x256xf32, #tpu.memory_space<hbm>>
      tpu.enqueue_dma source(%dma_start3A_279 : memref<64x256xf32, #tpu.memory_space<hbm>>) target(%arg14 : memref<64x256xf32, #tpu.memory_space<vmem>>) target_semaphore(%arg19 : memref<!tpu.dma_semaphore, #tpu.memory_space<semaphore_mem>>)
      %mul3A_280 = arith.constant 2 : i32
      %mul3A_281 = arith.muli %while3A_242, %mul3A_280 : i32
      %add3A_282 = arith.constant 1 : i32
      %add3A_283 = arith.addi %mul3A_281, %add3A_282 : i32
      %mul3A_284 = arith.constant 256 : i32
      %mul3A_285 = arith.muli %add3A_283, %mul3A_284 : i32
      %add3A_286 = arith.addi %mul3A_2, %mul3A_285 : i32
      %multiple_of3A_287 = tpu.assume_multiple %add3A_286, 256 : i32
      %mul3A_288 = arith.constant 256 : i32
      %mul3A_289 = arith.muli %add3A_283, %mul3A_288 : i32
      %add3A_290 = arith.addi %mul3A_2, %mul3A_289 : i32
      %min3A_291 = arith.constant 999680 : i32
      %min3A_292 = arith.minsi %add3A_290, %min3A_291 : i32
      %multiple_of3A_293 = tpu.assume_multiple %min3A_292, 256 : i32
      %dma_wait3A_294 = arith.constant 0 : i32
      %dma_wait3A_295 = tpu.memref_slice %arg2[%dma_wait3A_294, %multiple_of3A_293] : memref<64x1000000xf32, #tpu.memory_space<hbm>> -> memref<64x256xf32, #tpu.memory_space<hbm>>
      %dma_wait3A_296 = arith.constant 0 : i32
      %dma_wait3A_297 = tpu.memref_slice %arg2[%dma_wait3A_296, %multiple_of3A_293] : memref<64x1000000xf32, #tpu.memory_space<hbm>> -> memref<64x256xf32, #tpu.memory_space<hbm>>
      tpu.wait_dma2 semaphore(%arg20 : memref<!tpu.dma_semaphore, #tpu.memory_space<semaphore_mem>>) src(%dma_wait3A_297 : memref<64x256xf32, #tpu.memory_space<hbm>>) dst(%arg15 : memref<64x256xf32, #tpu.memory_space<vmem>>)
      %scan3A_298 = arith.constant 0 : i32
      %scan3A_299 = arith.constant 40 : i32
      %scan3A_300 = arith.addi %scan3A_298, %scan3A_299 : i32
      %scan3A_301 = arith.constant 1 : i32
      %scan3A_302 = scf.for %scan3A_316 = %scan3A_298 to %scan3A_300 step %scan3A_301 iter_args(%scan3A_317 = %scan3A_266) -> (vector<16xi32>)  : i32 {
        %mul3A_318 = arith.constant 16 : i32
        %mul3A_319 = arith.muli %scan3A_316, %mul3A_318 : i32
        %add3A_320 = vector.broadcast %mul3A_319 : i32 to vector<16xi32>
        %add3A_321 = arith.addi %add3A_320, %iota3A : vector<16xi32>
        %lt3A = vector.broadcast %scan3A_13 : i32 to vector<16xi32>
        %lt3A_322 = arith.cmpi slt, %add3A_321, %lt3A : vector<16xi32>
        %mul3A_323 = arith.constant 16 : i32
        %mul3A_324 = arith.muli %scan3A_316, %mul3A_323 : i32
        %get3A = arith.index_cast %mul3A_324 : i32 to index
        %get3A_325 = tpu.vector_load %arg9[%get3A] {strides = array<i32>} : memref<640xi32, #tpu.memory_space<vmem>>, vector<16xi32>,
        %ge3A = vector.broadcast %multiple_of3A_287 : i32 to vector<16xi32>
        %ge3A_326 = arith.cmpi sge, %get3A_325, %ge3A : vector<16xi32>
        %and3A = arith.andi %lt3A_322, %ge3A_326 : vector<16xi1>
        %add3A_327 = arith.constant 256 : i32
        %add3A_328 = arith.addi %multiple_of3A_287, %add3A_327 : i32
        %lt3A_329 = vector.broadcast %add3A_328 : i32 to vector<16xi32>
        %lt3A_330 = arith.cmpi slt, %get3A_325, %lt3A_329 : vector<16xi32>
        %and3A_331 = arith.andi %and3A, %lt3A_330 : vector<16xi1>
        %while3A_332:2 = scf.while (%while3A_333 = %and3A_331, %while3A_334 = %scan3A_317) : (vector<16xi1>, vector<16xi32>) -> (vector<16xi1>, vector<16xi32>) {
          %all_reduce_population_count3A = tpu.all_reduce %while3A_333 {dim = 0 : i64, kind = #tpu.reduction_kind<sum>} : vector<16xi1> -> vector<16xi32>
          %slice3A = vector.extract_strided_slice %all_reduce_population_count3A {offsets = [0], sizes = [1], strides = [1]} : vector<16xi32> to vector<1xi32>
          %squeeze3A = vector.extract %slice3A[0] : i32 from vector<1xi32>
          %gt3A = arith.constant 0 : i32
          %gt3A_335 = arith.cmpi sgt, %squeeze3A, %gt3A : i32
          scf.condition(%gt3A_335) %while3A_333, %while3A_334 : vector<16xi1>, vector<16xi32>
        } do {
        ^bb0(%while3A_333: vector<16xi1>, %while3A_334: vector<16xi32>):
          %all_reduce_ffs3A = tpu.all_reduce %while3A_333 {dim = 0 : i64, kind = #tpu.reduction_kind<find_first_set>} : vector<16xi1> -> vector<16xi32>
          %broadcast_in_dim3A_335 = vector.shape_cast %all_reduce_ffs3A : vector<16xi32> to vector<16x1xi32>
          %gather3A = vector.shape_cast %broadcast_in_dim3A_335 : vector<16x1xi32> to vector<16xi32>
          %gather3A_336 = tpu.dynamic_gather %get3A_325[%gather3A] in [0] : vector<16xi32>, vector<16xi32> -> vector<16xi32>
          %mul3A_337 = arith.constant 16 : i32
          %mul3A_338 = arith.muli %scan3A_316, %mul3A_337 : i32
          %get3A_339 = arith.index_cast %mul3A_338 : i32 to index
          %get3A_340 = tpu.vector_load %arg8[%get3A_339] {strides = array<i32>} : memref<640xi32, #tpu.memory_space<vmem>>, vector<16xi32>,
          %broadcast_in_dim3A_341 = vector.shape_cast %all_reduce_ffs3A : vector<16xi32> to vector<16x1xi32>
          %gather3A_342 = vector.shape_cast %broadcast_in_dim3A_341 : vector<16x1xi32> to vector<16xi32>
          %gather3A_343 = tpu.dynamic_gather %get3A_340[%gather3A_342] in [0] : vector<16xi32>, vector<16xi32> -> vector<16xi32>
          %sub3A = vector.broadcast %multiple_of3A_287 : i32 to vector<16xi32>
          %sub3A_344 = arith.subi %gather3A_336, %sub3A : vector<16xi32>
          %mul3A_345 = arith.constant 16 : i32
          %mul3A_346 = arith.muli %scan3A_316, %mul3A_345 : i32
          %broadcast_in_dim3A_347 = vector.broadcast %mul3A_346 : i32 to vector<16xi32>
          %add3A_348 = arith.addi %broadcast_in_dim3A_347, %all_reduce_ffs3A : vector<16xi32>
          %slice3A = vector.extract_strided_slice %while3A_334 {offsets = [0], sizes = [1], strides = [1]} : vector<16xi32> to vector<1xi32>
          %squeeze3A = vector.extract %slice3A[0] : i32 from vector<1xi32>
          %eq3A_349 = arith.constant 16 : i32
          %eq3A_350 = arith.cmpi eq, %squeeze3A, %eq3A_349 : i32
          %convert_element_type3A_351 = arith.extui %eq3A_350 : i1 to i32
          %cond3A_352 = arith.constant 0 : i32
          %cond3A_353 = arith.cmpi ne, %convert_element_type3A_351, %cond3A_352 : i32
          scf.if %cond3A_353 {
            "tpu.region"() ({
              %run_scoped3A = tpu.sem_alloc : memref<!tpu.dma_semaphore, #tpu.memory_space<semaphore_mem>>
              %dma_start3A_412 = arith.constant 0 : i32
              %dma_start3A_413 = arith.constant 0 : i32
              %dma_start3A_414 = tpu.memref_slice %arg6[%dma_start3A_412, %dma_start3A_413] : memref<16400x128xf32, #tpu.memory_space<hbm>> -> memref<16400x128xf32, #tpu.memory_space<hbm>>
              tpu.enqueue_indirect_dma source(%arg17 : memref<16x128xf32, #tpu.memory_space<vmem>>) target(%dma_start3A_414 : memref<16400x128xf32, #tpu.memory_space<hbm>>) offsets(%arg18 : memref<16xi32, #tpu.memory_space<vmem>>) semaphore(%run_scoped3A : memref<!tpu.dma_semaphore, #tpu.memory_space<semaphore_mem>>)
              %dma_wait3A_415 = arith.constant 0 : i32
              %dma_wait3A_416 = arith.constant 0 : i32
              %dma_wait3A_417 = tpu.memref_slice %arg6[%dma_wait3A_415, %dma_wait3A_416] : memref<16400x128xf32, #tpu.memory_space<hbm>> -> memref<16400x128xf32, #tpu.memory_space<hbm>>
              tpu.wait_indirect_dma semaphore(%run_scoped3A : memref<!tpu.dma_semaphore, #tpu.memory_space<semaphore_mem>>) src(%arg17 : memref<16x128xf32, #tpu.memory_space<vmem>>) dst(%dma_wait3A_417 : memref<16400x128xf32, #tpu.memory_space<hbm>>)
              tpu.yield
            }) : () -> ()
            %add3A_407 = arith.constant 16384 : i32
            %add3A_408 = vector.broadcast %add3A_407 : i32 to vector<16xi32>
            %add3A_409 = arith.addi %add3A_408, %iota3A : vector<16xi32>
            %swap3A_410 = arith.constant 0 : index
            %swap3A_411 = tpu.vector_load %arg18[%swap3A_410] {strides = array<i32>} : memref<16xi32, #tpu.memory_space<vmem>>, vector<16xi32>,
            tpu.vector_store %arg18[%swap3A_410], %add3A_409 {strides = array<i32>} : memref<16xi32, #tpu.memory_space<vmem>>, vector<16xi32>,
          } else {
          }
          %eq3A_354 = arith.constant 16 : i32
          %eq3A_355 = vector.broadcast %eq3A_354 : i32 to vector<16xi32>
          %eq3A_356 = arith.cmpi eq, %while3A_334, %eq3A_355 : vector<16xi32>
          %jit3A_357 = arith.constant 0 : i32
          %broadcast_in_dim3A_358 = vector.broadcast %jit3A_357 : i32 to vector<16xi32>
          %select_n3A_359 = arith.select %eq3A_356, %broadcast_in_dim3A_358, %while3A_334 : vector<16xi1>, vector<16xi32>
          %broadcast_in_dim3A_360 = arith.constant 0 : i32
          %broadcast_in_dim3A_361 = vector.broadcast %broadcast_in_dim3A_360 : i32 to vector<16xi32>
          %add3A_362 = arith.addi %broadcast_in_dim3A_361, %select_n3A_359 : vector<16xi32>
          %add3A_363 = arith.constant 0 : i32
          %add3A_364 = vector.broadcast %add3A_363 : i32 to vector<16xi32>
          %add3A_365 = arith.addi %iota3A, %add3A_364 : vector<16xi32>
          %gather3A_366 = tpu.vector_load_idx %arg15[%add3A_365, %sub3A_344] : memref<64x256xf32, #tpu.memory_space<vmem>>[vector<16xi32>, vector<16xi32>], vector<16xf32>,
          %mul3A_367 = arith.constant 64 : i32
          %mul3A_368 = vector.broadcast %mul3A_367 : i32 to vector<16xi32>
          %mul3A_369 = arith.muli %add3A_348, %mul3A_368 : vector<16xi32>
          %add3A_370 = arith.addi %mul3A_369, %add3A_365 : vector<16xi32>
          %gather3A_371 = tpu.vector_load_idx %arg13[%add3A_370] : memref<40960xf32, #tpu.memory_space<vmem>>[vector<16xi32>], vector<16xf32>,
          %add3A_372 = arith.addf %gather3A_366, %gather3A_371 : vector<16xf32>
          tpu.vector_store_idx %arg17[%add3A_362, %add3A_365], %add3A_372 : memref<16x128xf32, #tpu.memory_space<vmem>>[vector<16xi32>, vector<16xi32>], vector<16xf32>,
          %add3A_373 = arith.constant 16 : i32
          %add3A_374 = vector.broadcast %add3A_373 : i32 to vector<16xi32>
          %add3A_375 = arith.addi %iota3A, %add3A_374 : vector<16xi32>
          %gather3A_376 = tpu.vector_load_idx %arg15[%add3A_375, %sub3A_344] : memref<64x256xf32, #tpu.memory_space<vmem>>[vector<16xi32>, vector<16xi32>], vector<16xf32>,
          %mul3A_377 = arith.constant 64 : i32
          %mul3A_378 = vector.broadcast %mul3A_377 : i32 to vector<16xi32>
          %mul3A_379 = arith.muli %add3A_348, %mul3A_378 : vector<16xi32>
          %add3A_380 = arith.addi %mul3A_379, %add3A_375 : vector<16xi32>
          %gather3A_381 = tpu.vector_load_idx %arg13[%add3A_380] : memref<40960xf32, #tpu.memory_space<vmem>>[vector<16xi32>], vector<16xf32>,
          %add3A_382 = arith.addf %gather3A_376, %gather3A_381 : vector<16xf32>
          tpu.vector_store_idx %arg17[%add3A_362, %add3A_375], %add3A_382 : memref<16x128xf32, #tpu.memory_space<vmem>>[vector<16xi32>, vector<16xi32>], vector<16xf32>,
          %add3A_383 = arith.constant 32 : i32
          %add3A_384 = vector.broadcast %add3A_383 : i32 to vector<16xi32>
          %add3A_385 = arith.addi %iota3A, %add3A_384 : vector<16xi32>
          %gather3A_386 = tpu.vector_load_idx %arg15[%add3A_385, %sub3A_344] : memref<64x256xf32, #tpu.memory_space<vmem>>[vector<16xi32>, vector<16xi32>], vector<16xf32>,
          %mul3A_387 = arith.constant 64 : i32
          %mul3A_388 = vector.broadcast %mul3A_387 : i32 to vector<16xi32>
          %mul3A_389 = arith.muli %add3A_348, %mul3A_388 : vector<16xi32>
          %add3A_390 = arith.addi %mul3A_389, %add3A_385 : vector<16xi32>
          %gather3A_391 = tpu.vector_load_idx %arg13[%add3A_390] : memref<40960xf32, #tpu.memory_space<vmem>>[vector<16xi32>], vector<16xf32>,
          %add3A_392 = arith.addf %gather3A_386, %gather3A_391 : vector<16xf32>
          tpu.vector_store_idx %arg17[%add3A_362, %add3A_385], %add3A_392 : memref<16x128xf32, #tpu.memory_space<vmem>>[vector<16xi32>, vector<16xi32>], vector<16xf32>,
          %add3A_393 = arith.constant 48 : i32
          %add3A_394 = vector.broadcast %add3A_393 : i32 to vector<16xi32>
          %add3A_395 = arith.addi %iota3A, %add3A_394 : vector<16xi32>
          %gather3A_396 = tpu.vector_load_idx %arg15[%add3A_395, %sub3A_344] : memref<64x256xf32, #tpu.memory_space<vmem>>[vector<16xi32>, vector<16xi32>], vector<16xf32>,
          %mul3A_397 = arith.constant 64 : i32
          %mul3A_398 = vector.broadcast %mul3A_397 : i32 to vector<16xi32>
          %mul3A_399 = arith.muli %add3A_348, %mul3A_398 : vector<16xi32>
          %add3A_400 = arith.addi %mul3A_399, %add3A_395 : vector<16xi32>
          %gather3A_401 = tpu.vector_load_idx %arg13[%add3A_400] : memref<40960xf32, #tpu.memory_space<vmem>>[vector<16xi32>], vector<16xf32>,
          %add3A_402 = arith.addf %gather3A_396, %gather3A_401 : vector<16xf32>
          tpu.vector_store_idx %arg17[%add3A_362, %add3A_395], %add3A_402 : memref<16x128xf32, #tpu.memory_space<vmem>>[vector<16xi32>, vector<16xi32>], vector<16xf32>,
          tpu.vector_store_idx %arg18[%add3A_362], %gather3A_343 masked %eq3A_8 : memref<16xi32, #tpu.memory_space<vmem>>[vector<16xi32>], vector<16xi32>, vector<16xi1>
          %ne3A = arith.cmpi ne, %iota3A, %all_reduce_ffs3A : vector<16xi32>
          %and3A_403 = arith.andi %while3A_333, %ne3A : vector<16xi1>
          %add3A_404 = arith.constant 1 : i32
          %add3A_405 = vector.broadcast %add3A_404 : i32 to vector<16xi32>
          %add3A_406 = arith.addi %select_n3A_359, %add3A_405 : vector<16xi32>
          scf.yield %and3A_403, %add3A_406 : vector<16xi1>, vector<16xi32>
        }
        scf.yield %while3A_332#1 : vector<16xi32>
      }
      %scan3A_303 = arith.constant 40 : i32
      %add3A_304 = arith.constant 2 : i32
      %add3A_305 = arith.addi %add3A_283, %add3A_304 : i32
      %mul3A_306 = arith.constant 256 : i32
      %mul3A_307 = arith.muli %add3A_305, %mul3A_306 : i32
      %add3A_308 = arith.addi %mul3A_2, %mul3A_307 : i32
      %min3A_309 = arith.constant 999680 : i32
      %min3A_310 = arith.minsi %add3A_308, %min3A_309 : i32
      %multiple_of3A_311 = tpu.assume_multiple %min3A_310, 256 : i32
      %dma_start3A_312 = arith.constant 0 : i32
      %dma_start3A_313 = tpu.memref_slice %arg2[%dma_start3A_312, %multiple_of3A_311] : memref<64x1000000xf32, #tpu.memory_space<hbm>> -> memref<64x256xf32, #tpu.memory_space<hbm>>
      %dma_start3A_314 = arith.constant 0 : i32
      %dma_start3A_315 = tpu.memref_slice %arg2[%dma_start3A_314, %multiple_of3A_311] : memref<64x1000000xf32, #tpu.memory_space<hbm>> -> memref<64x256xf32, #tpu.memory_space<hbm>>
      tpu.enqueue_dma source(%dma_start3A_315 : memref<64x256xf32, #tpu.memory_space<hbm>>) target(%arg15 : memref<64x256xf32, #tpu.memory_space<vmem>>) target_semaphore(%arg20 : memref<!tpu.dma_semaphore, #tpu.memory_space<semaphore_mem>>)
      scf.yield %scan3A_302 : vector<16xi32>
    }
    %add3A_215 = arith.constant 0 : i32
    %add3A_216 = arith.addi %mul3A_2, %add3A_215 : i32
    %min3A_217 = arith.constant 999680 : i32
    %min3A_218 = arith.minsi %add3A_216, %min3A_217 : i32
    %multiple_of3A_219 = tpu.assume_multiple %min3A_218, 256 : i32
    %dma_wait3A_220 = arith.constant 0 : i32
    %dma_wait3A_221 = tpu.memref_slice %arg2[%dma_wait3A_220, %multiple_of3A_219] : memref<64x1000000xf32, #tpu.memory_space<hbm>> -> memref<64x256xf32, #tpu.memory_space<hbm>>
    %dma_wait3A_222 = arith.constant 0 : i32
    %dma_wait3A_223 = tpu.memref_slice %arg2[%dma_wait3A_222, %multiple_of3A_219] : memref<64x1000000xf32, #tpu.memory_space<hbm>> -> memref<64x256xf32, #tpu.memory_space<hbm>>
    tpu.wait_dma2 semaphore(%arg19 : memref<!tpu.dma_semaphore, #tpu.memory_space<semaphore_mem>>) src(%dma_wait3A_223 : memref<64x256xf32, #tpu.memory_space<hbm>>) dst(%arg14 : memref<64x256xf32, #tpu.memory_space<vmem>>)
    %add3A_224 = arith.constant 0 : i32
    %add3A_225 = arith.addi %mul3A_2, %add3A_224 : i32
    %min3A_226 = arith.constant 999680 : i32
    %min3A_227 = arith.minsi %add3A_225, %min3A_226 : i32
    %multiple_of3A_228 = tpu.assume_multiple %min3A_227, 256 : i32
    %dma_wait3A_229 = arith.constant 0 : i32
    %dma_wait3A_230 = tpu.memref_slice %arg2[%dma_wait3A_229, %multiple_of3A_228] : memref<64x1000000xf32, #tpu.memory_space<hbm>> -> memref<64x256xf32, #tpu.memory_space<hbm>>
    %dma_wait3A_231 = arith.constant 0 : i32
    %dma_wait3A_232 = tpu.memref_slice %arg2[%dma_wait3A_231, %multiple_of3A_228] : memref<64x1000000xf32, #tpu.memory_space<hbm>> -> memref<64x256xf32, #tpu.memory_space<hbm>>
    tpu.wait_dma2 semaphore(%arg20 : memref<!tpu.dma_semaphore, #tpu.memory_space<semaphore_mem>>) src(%dma_wait3A_232 : memref<64x256xf32, #tpu.memory_space<hbm>>) dst(%arg15 : memref<64x256xf32, #tpu.memory_space<vmem>>)
    %eq3A_233 = arith.constant 31 : i32
    %eq3A_234 = arith.cmpi eq, %add3A, %eq3A_233 : i32
    %convert_element_type3A = arith.extui %eq3A_234 : i1 to i32
    %cond3A = arith.constant 0 : i32
    %cond3A_235 = arith.cmpi ne, %convert_element_type3A, %cond3A : i32
    scf.if %cond3A_235 {
      "tpu.region"() ({
        %run_scoped3A = tpu.sem_alloc : memref<!tpu.dma_semaphore, #tpu.memory_space<semaphore_mem>>
        tpu.enqueue_dma source(%arg5 : memref<64x64xf32, #tpu.memory_space<hbm>>) target(%arg16 : memref<64x64xf32, #tpu.memory_space<vmem>>) target_semaphore(%run_scoped3A : memref<!tpu.dma_semaphore, #tpu.memory_space<semaphore_mem>>)
        tpu.wait_dma2 semaphore(%run_scoped3A : memref<!tpu.dma_semaphore, #tpu.memory_space<semaphore_mem>>) src(%arg5 : memref<64x64xf32, #tpu.memory_space<hbm>>) dst(%arg16 : memref<64x64xf32, #tpu.memory_space<vmem>>)
        tpu.yield
      }) : () -> ()
    } else {
    }
    %eq3A_236 = arith.constant 31 : i32
    %eq3A_237 = arith.cmpi eq, %add3A, %eq3A_236 : i32
    %convert_element_type3A_238 = arith.extui %eq3A_237 : i1 to i32
    %cond3A_239 = arith.constant 0 : i32
    %cond3A_240 = arith.cmpi ne, %convert_element_type3A_238, %cond3A_239 : i32
    %cond3A_241 = scf.if %cond3A_240 -> (vector<16xi32>) {
      %scan3A_242 = arith.constant 0 : i32
      %scan3A_243 = arith.constant 40 : i32
      %scan3A_244 = arith.addi %scan3A_242, %scan3A_243 : i32
      %scan3A_245 = arith.constant 1 : i32
      %scan3A_246 = scf.for %scan3A_248 = %scan3A_242 to %scan3A_244 step %scan3A_245 iter_args(%scan3A_249 = %while3A_214) -> (vector<16xi32>)  : i32 {
        %mul3A_250 = arith.constant 16 : i32
        %mul3A_251 = arith.muli %scan3A_248, %mul3A_250 : i32
        %add3A_252 = vector.broadcast %mul3A_251 : i32 to vector<16xi32>
        %add3A_253 = arith.addi %add3A_252, %iota3A : vector<16xi32>
        %lt3A = vector.broadcast %scan3A_13 : i32 to vector<16xi32>
        %lt3A_254 = arith.cmpi slt, %add3A_253, %lt3A : vector<16xi32>
        %mul3A_255 = arith.constant 16 : i32
        %mul3A_256 = arith.muli %scan3A_248, %mul3A_255 : i32
        %get3A = arith.index_cast %mul3A_256 : i32 to index
        %get3A_257 = tpu.vector_load %arg9[%get3A] {strides = array<i32>} : memref<640xi32, #tpu.memory_space<vmem>>, vector<16xi32>,
        %ge3A = arith.constant 999936 : i32
        %ge3A_258 = vector.broadcast %ge3A : i32 to vector<16xi32>
        %ge3A_259 = arith.cmpi sge, %get3A_257, %ge3A_258 : vector<16xi32>
        %and3A = arith.andi %lt3A_254, %ge3A_259 : vector<16xi1>
        %lt3A_260 = arith.constant 1000000 : i32
        %lt3A_261 = vector.broadcast %lt3A_260 : i32 to vector<16xi32>
        %lt3A_262 = arith.cmpi slt, %get3A_257, %lt3A_261 : vector<16xi32>
        %and3A_263 = arith.andi %and3A, %lt3A_262 : vector<16xi1>
        %while3A_264:2 = scf.while (%while3A_265 = %and3A_263, %while3A_266 = %scan3A_249) : (vector<16xi1>, vector<16xi32>) -> (vector<16xi1>, vector<16xi32>) {
          %all_reduce_population_count3A = tpu.all_reduce %while3A_265 {dim = 0 : i64, kind = #tpu.reduction_kind<sum>} : vector<16xi1> -> vector<16xi32>
          %slice3A = vector.extract_strided_slice %all_reduce_population_count3A {offsets = [0], sizes = [1], strides = [1]} : vector<16xi32> to vector<1xi32>
          %squeeze3A = vector.extract %slice3A[0] : i32 from vector<1xi32>
          %gt3A = arith.constant 0 : i32
          %gt3A_267 = arith.cmpi sgt, %squeeze3A, %gt3A : i32
          scf.condition(%gt3A_267) %while3A_265, %while3A_266 : vector<16xi1>, vector<16xi32>
        } do {
        ^bb0(%while3A_265: vector<16xi1>, %while3A_266: vector<16xi32>):
          %all_reduce_ffs3A = tpu.all_reduce %while3A_265 {dim = 0 : i64, kind = #tpu.reduction_kind<find_first_set>} : vector<16xi1> -> vector<16xi32>
          %broadcast_in_dim3A_267 = vector.shape_cast %all_reduce_ffs3A : vector<16xi32> to vector<16x1xi32>
          %gather3A = vector.shape_cast %broadcast_in_dim3A_267 : vector<16x1xi32> to vector<16xi32>
          %gather3A_268 = tpu.dynamic_gather %get3A_257[%gather3A] in [0] : vector<16xi32>, vector<16xi32> -> vector<16xi32>
          %mul3A_269 = arith.constant 16 : i32
          %mul3A_270 = arith.muli %scan3A_248, %mul3A_269 : i32
          %get3A_271 = arith.index_cast %mul3A_270 : i32 to index
          %get3A_272 = tpu.vector_load %arg8[%get3A_271] {strides = array<i32>} : memref<640xi32, #tpu.memory_space<vmem>>, vector<16xi32>,
          %broadcast_in_dim3A_273 = vector.shape_cast %all_reduce_ffs3A : vector<16xi32> to vector<16x1xi32>
          %gather3A_274 = vector.shape_cast %broadcast_in_dim3A_273 : vector<16x1xi32> to vector<16xi32>
          %gather3A_275 = tpu.dynamic_gather %get3A_272[%gather3A_274] in [0] : vector<16xi32>, vector<16xi32> -> vector<16xi32>
          %sub3A = arith.constant 999936 : i32
          %sub3A_276 = vector.broadcast %sub3A : i32 to vector<16xi32>
          %sub3A_277 = arith.subi %gather3A_268, %sub3A_276 : vector<16xi32>
          %mul3A_278 = arith.constant 16 : i32
          %mul3A_279 = arith.muli %scan3A_248, %mul3A_278 : i32
          %broadcast_in_dim3A_280 = vector.broadcast %mul3A_279 : i32 to vector<16xi32>
          %add3A_281 = arith.addi %broadcast_in_dim3A_280, %all_reduce_ffs3A : vector<16xi32>
          %slice3A = vector.extract_strided_slice %while3A_266 {offsets = [0], sizes = [1], strides = [1]} : vector<16xi32> to vector<1xi32>
          %squeeze3A = vector.extract %slice3A[0] : i32 from vector<1xi32>
          %eq3A_282 = arith.constant 16 : i32
          %eq3A_283 = arith.cmpi eq, %squeeze3A, %eq3A_282 : i32
          %convert_element_type3A_284 = arith.extui %eq3A_283 : i1 to i32
          %cond3A_285 = arith.constant 0 : i32
          %cond3A_286 = arith.cmpi ne, %convert_element_type3A_284, %cond3A_285 : i32
          scf.if %cond3A_286 {
            "tpu.region"() ({
              %run_scoped3A = tpu.sem_alloc : memref<!tpu.dma_semaphore, #tpu.memory_space<semaphore_mem>>
              %dma_start3A_345 = arith.constant 0 : i32
              %dma_start3A_346 = arith.constant 0 : i32
              %dma_start3A_347 = tpu.memref_slice %arg6[%dma_start3A_345, %dma_start3A_346] : memref<16400x128xf32, #tpu.memory_space<hbm>> -> memref<16400x128xf32, #tpu.memory_space<hbm>>
              tpu.enqueue_indirect_dma source(%arg17 : memref<16x128xf32, #tpu.memory_space<vmem>>) target(%dma_start3A_347 : memref<16400x128xf32, #tpu.memory_space<hbm>>) offsets(%arg18 : memref<16xi32, #tpu.memory_space<vmem>>) semaphore(%run_scoped3A : memref<!tpu.dma_semaphore, #tpu.memory_space<semaphore_mem>>)
              %dma_wait3A_348 = arith.constant 0 : i32
              %dma_wait3A_349 = arith.constant 0 : i32
              %dma_wait3A_350 = tpu.memref_slice %arg6[%dma_wait3A_348, %dma_wait3A_349] : memref<16400x128xf32, #tpu.memory_space<hbm>> -> memref<16400x128xf32, #tpu.memory_space<hbm>>
              tpu.wait_indirect_dma semaphore(%run_scoped3A : memref<!tpu.dma_semaphore, #tpu.memory_space<semaphore_mem>>) src(%arg17 : memref<16x128xf32, #tpu.memory_space<vmem>>) dst(%dma_wait3A_350 : memref<16400x128xf32, #tpu.memory_space<hbm>>)
              tpu.yield
            }) : () -> ()
            %add3A_340 = arith.constant 16384 : i32
            %add3A_341 = vector.broadcast %add3A_340 : i32 to vector<16xi32>
            %add3A_342 = arith.addi %add3A_341, %iota3A : vector<16xi32>
            %swap3A_343 = arith.constant 0 : index
            %swap3A_344 = tpu.vector_load %arg18[%swap3A_343] {strides = array<i32>} : memref<16xi32, #tpu.memory_space<vmem>>, vector<16xi32>,
            tpu.vector_store %arg18[%swap3A_343], %add3A_342 {strides = array<i32>} : memref<16xi32, #tpu.memory_space<vmem>>, vector<16xi32>,
          } else {
          }
          %eq3A_287 = arith.constant 16 : i32
          %eq3A_288 = vector.broadcast %eq3A_287 : i32 to vector<16xi32>
          %eq3A_289 = arith.cmpi eq, %while3A_266, %eq3A_288 : vector<16xi32>
          %jit3A_290 = arith.constant 0 : i32
          %broadcast_in_dim3A_291 = vector.broadcast %jit3A_290 : i32 to vector<16xi32>
          %select_n3A_292 = arith.select %eq3A_289, %broadcast_in_dim3A_291, %while3A_266 : vector<16xi1>, vector<16xi32>
          %broadcast_in_dim3A_293 = arith.constant 0 : i32
          %broadcast_in_dim3A_294 = vector.broadcast %broadcast_in_dim3A_293 : i32 to vector<16xi32>
          %add3A_295 = arith.addi %broadcast_in_dim3A_294, %select_n3A_292 : vector<16xi32>
          %add3A_296 = arith.constant 0 : i32
          %add3A_297 = vector.broadcast %add3A_296 : i32 to vector<16xi32>
          %add3A_298 = arith.addi %iota3A, %add3A_297 : vector<16xi32>
          %gather3A_299 = tpu.vector_load_idx %arg16[%add3A_298, %sub3A_277] : memref<64x64xf32, #tpu.memory_space<vmem>>[vector<16xi32>, vector<16xi32>], vector<16xf32>,
          %mul3A_300 = arith.constant 64 : i32
          %mul3A_301 = vector.broadcast %mul3A_300 : i32 to vector<16xi32>
          %mul3A_302 = arith.muli %add3A_281, %mul3A_301 : vector<16xi32>
          %add3A_303 = arith.addi %mul3A_302, %add3A_298 : vector<16xi32>
          %gather3A_304 = tpu.vector_load_idx %arg13[%add3A_303] : memref<40960xf32, #tpu.memory_space<vmem>>[vector<16xi32>], vector<16xf32>,
          %add3A_305 = arith.addf %gather3A_299, %gather3A_304 : vector<16xf32>
          tpu.vector_store_idx %arg17[%add3A_295, %add3A_298], %add3A_305 : memref<16x128xf32, #tpu.memory_space<vmem>>[vector<16xi32>, vector<16xi32>], vector<16xf32>,
          %add3A_306 = arith.constant 16 : i32
          %add3A_307 = vector.broadcast %add3A_306 : i32 to vector<16xi32>
          %add3A_308 = arith.addi %iota3A, %add3A_307 : vector<16xi32>
          %gather3A_309 = tpu.vector_load_idx %arg16[%add3A_308, %sub3A_277] : memref<64x64xf32, #tpu.memory_space<vmem>>[vector<16xi32>, vector<16xi32>], vector<16xf32>,
          %mul3A_310 = arith.constant 64 : i32
          %mul3A_311 = vector.broadcast %mul3A_310 : i32 to vector<16xi32>
          %mul3A_312 = arith.muli %add3A_281, %mul3A_311 : vector<16xi32>
          %add3A_313 = arith.addi %mul3A_312, %add3A_308 : vector<16xi32>
          %gather3A_314 = tpu.vector_load_idx %arg13[%add3A_313] : memref<40960xf32, #tpu.memory_space<vmem>>[vector<16xi32>], vector<16xf32>,
          %add3A_315 = arith.addf %gather3A_309, %gather3A_314 : vector<16xf32>
          tpu.vector_store_idx %arg17[%add3A_295, %add3A_308], %add3A_315 : memref<16x128xf32, #tpu.memory_space<vmem>>[vector<16xi32>, vector<16xi32>], vector<16xf32>,
          %add3A_316 = arith.constant 32 : i32
          %add3A_317 = vector.broadcast %add3A_316 : i32 to vector<16xi32>
          %add3A_318 = arith.addi %iota3A, %add3A_317 : vector<16xi32>
          %gather3A_319 = tpu.vector_load_idx %arg16[%add3A_318, %sub3A_277] : memref<64x64xf32, #tpu.memory_space<vmem>>[vector<16xi32>, vector<16xi32>], vector<16xf32>,
          %mul3A_320 = arith.constant 64 : i32
          %mul3A_321 = vector.broadcast %mul3A_320 : i32 to vector<16xi32>
          %mul3A_322 = arith.muli %add3A_281, %mul3A_321 : vector<16xi32>
          %add3A_323 = arith.addi %mul3A_322, %add3A_318 : vector<16xi32>
          %gather3A_324 = tpu.vector_load_idx %arg13[%add3A_323] : memref<40960xf32, #tpu.memory_space<vmem>>[vector<16xi32>], vector<16xf32>,
          %add3A_325 = arith.addf %gather3A_319, %gather3A_324 : vector<16xf32>
          tpu.vector_store_idx %arg17[%add3A_295, %add3A_318], %add3A_325 : memref<16x128xf32, #tpu.memory_space<vmem>>[vector<16xi32>, vector<16xi32>], vector<16xf32>,
          %add3A_326 = arith.constant 48 : i32
          %add3A_327 = vector.broadcast %add3A_326 : i32 to vector<16xi32>
          %add3A_328 = arith.addi %iota3A, %add3A_327 : vector<16xi32>
          %gather3A_329 = tpu.vector_load_idx %arg16[%add3A_328, %sub3A_277] : memref<64x64xf32, #tpu.memory_space<vmem>>[vector<16xi32>, vector<16xi32>], vector<16xf32>,
          %mul3A_330 = arith.constant 64 : i32
          %mul3A_331 = vector.broadcast %mul3A_330 : i32 to vector<16xi32>
          %mul3A_332 = arith.muli %add3A_281, %mul3A_331 : vector<16xi32>
          %add3A_333 = arith.addi %mul3A_332, %add3A_328 : vector<16xi32>
          %gather3A_334 = tpu.vector_load_idx %arg13[%add3A_333] : memref<40960xf32, #tpu.memory_space<vmem>>[vector<16xi32>], vector<16xf32>,
          %add3A_335 = arith.addf %gather3A_329, %gather3A_334 : vector<16xf32>
          tpu.vector_store_idx %arg17[%add3A_295, %add3A_328], %add3A_335 : memref<16x128xf32, #tpu.memory_space<vmem>>[vector<16xi32>, vector<16xi32>], vector<16xf32>,
          tpu.vector_store_idx %arg18[%add3A_295], %gather3A_275 masked %eq3A_8 : memref<16xi32, #tpu.memory_space<vmem>>[vector<16xi32>], vector<16xi32>, vector<16xi1>
          %ne3A = arith.cmpi ne, %iota3A, %all_reduce_ffs3A : vector<16xi32>
          %and3A_336 = arith.andi %while3A_265, %ne3A : vector<16xi1>
          %add3A_337 = arith.constant 1 : i32
          %add3A_338 = vector.broadcast %add3A_337 : i32 to vector<16xi32>
          %add3A_339 = arith.addi %select_n3A_292, %add3A_338 : vector<16xi32>
          scf.yield %and3A_336, %add3A_339 : vector<16xi1>, vector<16xi32>
        }
        scf.yield %while3A_264#1 : vector<16xi32>
      }
      %scan3A_247 = arith.constant 40 : i32
      scf.yield %scan3A_246 : vector<16xi32>
    } else {
      scf.yield %while3A_214 : vector<16xi32>
    }
    "tpu.region"() ({
      %run_scoped3A = tpu.sem_alloc : memref<!tpu.dma_semaphore, #tpu.memory_space<semaphore_mem>>
      %dma_start3A_242 = arith.constant 0 : i32
      %dma_start3A_243 = arith.constant 0 : i32
      %dma_start3A_244 = tpu.memref_slice %arg6[%dma_start3A_242, %dma_start3A_243] : memref<16400x128xf32, #tpu.memory_space<hbm>> -> memref<16400x128xf32, #tpu.memory_space<hbm>>
      tpu.enqueue_indirect_dma source(%arg17 : memref<16x128xf32, #tpu.memory_space<vmem>>) target(%dma_start3A_244 : memref<16400x128xf32, #tpu.memory_space<hbm>>) offsets(%arg18 : memref<16xi32, #tpu.memory_space<vmem>>) semaphore(%run_scoped3A : memref<!tpu.dma_semaphore, #tpu.memory_space<semaphore_mem>>)
      %dma_wait3A_245 = arith.constant 0 : i32
      %dma_wait3A_246 = arith.constant 0 : i32
      %dma_wait3A_247 = tpu.memref_slice %arg6[%dma_wait3A_245, %dma_wait3A_246] : memref<16400x128xf32, #tpu.memory_space<hbm>> -> memref<16400x128xf32, #tpu.memory_space<hbm>>
      tpu.wait_indirect_dma semaphore(%run_scoped3A : memref<!tpu.dma_semaphore, #tpu.memory_space<semaphore_mem>>) src(%arg17 : memref<16x128xf32, #tpu.memory_space<vmem>>) dst(%dma_wait3A_247 : memref<16400x128xf32, #tpu.memory_space<hbm>>)
      tpu.yield
    }) : () -> ()
    return
  }
}

module attributes {stable_mosaic.version = 14 : i64} {
  func.func @_rate_body(%arg0: i32, %arg1: memref<64x2048xf32, #tpu.memory_space<vmem>>, %arg2: memref<2048x128xf32, #tpu.memory_space<vmem>>) attributes {dimension_semantics = [#tpu.dimension_semantics<arbitrary>], iteration_bounds = array<i64: 8>, scalar_prefetch = 0 : i64, scratch_operands = 0 : i64, tpu.core_type = #tpu.core_type<tc>, window_params = [{transform_indices = @transform_0, window_bounds = array<i64: 64, 2048>}, {transform_indices = @transform_1, window_bounds = array<i64: 2048, 128>}]} {
    %get3A = arith.constant 0 : index
    %get3A_0 = arith.constant 0 : index
    %get3A_1 = vector.load %arg1[%get3A, %get3A_0] : memref<64x2048xf32, #tpu.memory_space<vmem>>, vector<64x2048xf32>
    %mul3A = arith.constant 8.000000e+00 : f32
    %mul3A_2 = vector.broadcast %mul3A : f32 to vector<64x2048xf32>
    %mul3A_3 = arith.mulf %get3A_1, %mul3A_2 : vector<64x2048xf32>
    %round3A = math.roundeven %mul3A_3 : vector<64x2048xf32>
    %convert_element_type3A = arith.fptosi %round3A : vector<64x2048xf32> to vector<64x2048xi32>
    %ne3A = arith.constant 0 : i32
    %ne3A_4 = vector.broadcast %ne3A : i32 to vector<64x2048xi32>
    %ne3A_5 = arith.cmpi ne, %convert_element_type3A, %ne3A_4 : vector<64x2048xi32>
    %ne3A_6 = arith.constant 8 : i32
    %ne3A_7 = vector.broadcast %ne3A_6 : i32 to vector<64x2048xi32>
    %ne3A_8 = arith.cmpi ne, %convert_element_type3A, %ne3A_7 : vector<64x2048xi32>
    %and3A = arith.andi %ne3A_5, %ne3A_8 : vector<64x2048xi1>
    %jit3A = arith.constant 1 : i32
    %max3A = vector.broadcast %jit3A : i32 to vector<64x2048xi32>
    %max3A_9 = arith.maxsi %max3A, %convert_element_type3A : vector<64x2048xi32>
    %convert_element_type3A_10 = arith.sitofp %max3A_9 : vector<64x2048xi32> to vector<64x2048xf32>
    %div3A = arith.constant 8.000000e+00 : f32
    %div3A_11 = vector.broadcast %div3A : f32 to vector<64x2048xf32>
    %div3A_12 = arith.divf %div3A_11, %convert_element_type3A_10 : vector<64x2048xf32>
    %broadcast_in_dim3A = arith.constant 0.000000e+00 : f32
    %broadcast_in_dim3A_13 = vector.broadcast %broadcast_in_dim3A : f32 to vector<64x2048xf32>
    %div3A_14 = arith.constant 0.000000e+00 : f32
    %div3A_15 = vector.broadcast %div3A_14 : f32 to vector<64x2048xf32>
    %div3A_16 = arith.divf %div3A_15, %div3A_12 : vector<64x2048xf32>
    %floor3A = math.floor %div3A_16 : vector<64x2048xf32>
    %lt3A = arith.cmpf olt, %floor3A, %convert_element_type3A_10 : vector<64x2048xf32>
    %and3A_17 = arith.andi %and3A, %lt3A : vector<64x2048xi1>
    %jit3A_18 = arith.constant 0.000000e+00 : f32
    %rem3A = vector.broadcast %jit3A_18 : f32 to vector<64x2048xf32>
    %rem3A_19 = arith.remf %rem3A, %div3A_12 : vector<64x2048xf32>
    %ne3A_20 = arith.constant 0.000000e+00 : f32
    %ne3A_21 = vector.broadcast %ne3A_20 : f32 to vector<64x2048xf32>
    %ne3A_22 = arith.cmpf one, %rem3A_19, %ne3A_21 : vector<64x2048xf32>
    %lt3A_23 = arith.constant 0.000000e+00 : f32
    %lt3A_24 = vector.broadcast %lt3A_23 : f32 to vector<64x2048xf32>
    %lt3A_25 = arith.cmpf olt, %rem3A_19, %lt3A_24 : vector<64x2048xf32>
    %lt3A_26 = arith.constant 0.000000e+00 : f32
    %lt3A_27 = vector.broadcast %lt3A_26 : f32 to vector<64x2048xf32>
    %lt3A_28 = arith.cmpf olt, %div3A_12, %lt3A_27 : vector<64x2048xf32>
    %ne3A_29 = arith.xori %lt3A_25, %lt3A_28 : vector<64x2048xi1>
    %and3A_30 = arith.andi %ne3A_29, %ne3A_22 : vector<64x2048xi1>
    %add3A = arith.addf %rem3A_19, %div3A_12 : vector<64x2048xf32>
    %select_n3A = arith.select %and3A_30, %add3A, %rem3A_19 : vector<64x2048xi1>, vector<64x2048xf32>
    %floor3A_31 = math.floor %select_n3A : vector<64x2048xf32>
    %eq3A = arith.constant 0.000000e+00 : f32
    %eq3A_32 = vector.broadcast %eq3A : f32 to vector<64x2048xf32>
    %eq3A_33 = arith.cmpf oeq, %floor3A_31, %eq3A_32 : vector<64x2048xf32>
    %and3A_34 = arith.andi %and3A_17, %eq3A_33 : vector<64x2048xi1>
    %eq3A_35 = arith.constant 8 : i32
    %eq3A_36 = vector.broadcast %eq3A_35 : i32 to vector<64x2048xi32>
    %eq3A_37 = arith.cmpi eq, %convert_element_type3A, %eq3A_36 : vector<64x2048xi32>
    %convert_element_type3A_38 = arith.extui %and3A_34 : vector<64x2048xi1> to vector<64x2048xi32>
    %convert_element_type3A_39 = arith.sitofp %convert_element_type3A_38 : vector<64x2048xi32> to vector<64x2048xf32>
    %jit3A_40 = arith.constant 1.000000e+00 : f32
    %broadcast_in_dim3A_41 = vector.broadcast %jit3A_40 : f32 to vector<64x2048xf32>
    %select_n3A_42 = arith.select %eq3A_37, %broadcast_in_dim3A_41, %convert_element_type3A_39 : vector<64x2048xi1>, vector<64x2048xf32>
    %add3A_43 = arith.addf %broadcast_in_dim3A_13, %select_n3A_42 : vector<64x2048xf32>
    %div3A_44 = arith.constant 1.000000e+00 : f32
    %div3A_45 = vector.broadcast %div3A_44 : f32 to vector<64x2048xf32>
    %div3A_46 = arith.divf %div3A_45, %div3A_12 : vector<64x2048xf32>
    %floor3A_47 = math.floor %div3A_46 : vector<64x2048xf32>
    %lt3A_48 = arith.cmpf olt, %floor3A_47, %convert_element_type3A_10 : vector<64x2048xf32>
    %and3A_49 = arith.andi %and3A, %lt3A_48 : vector<64x2048xi1>
    %jit3A_50 = arith.constant 1.000000e+00 : f32
    %rem3A_51 = vector.broadcast %jit3A_50 : f32 to vector<64x2048xf32>
    %rem3A_52 = arith.remf %rem3A_51, %div3A_12 : vector<64x2048xf32>
    %ne3A_53 = arith.constant 0.000000e+00 : f32
    %ne3A_54 = vector.broadcast %ne3A_53 : f32 to vector<64x2048xf32>
    %ne3A_55 = arith.cmpf one, %rem3A_52, %ne3A_54 : vector<64x2048xf32>
    %lt3A_56 = arith.constant 0.000000e+00 : f32
    %lt3A_57 = vector.broadcast %lt3A_56 : f32 to vector<64x2048xf32>
    %lt3A_58 = arith.cmpf olt, %rem3A_52, %lt3A_57 : vector<64x2048xf32>
    %lt3A_59 = arith.constant 0.000000e+00 : f32
    %lt3A_60 = vector.broadcast %lt3A_59 : f32 to vector<64x2048xf32>
    %lt3A_61 = arith.cmpf olt, %div3A_12, %lt3A_60 : vector<64x2048xf32>
    %ne3A_62 = arith.xori %lt3A_58, %lt3A_61 : vector<64x2048xi1>
    %and3A_63 = arith.andi %ne3A_62, %ne3A_55 : vector<64x2048xi1>
    %add3A_64 = arith.addf %rem3A_52, %div3A_12 : vector<64x2048xf32>
    %select_n3A_65 = arith.select %and3A_63, %add3A_64, %rem3A_52 : vector<64x2048xi1>, vector<64x2048xf32>
    %floor3A_66 = math.floor %select_n3A_65 : vector<64x2048xf32>
    %eq3A_67 = arith.constant 0.000000e+00 : f32
    %eq3A_68 = vector.broadcast %eq3A_67 : f32 to vector<64x2048xf32>
    %eq3A_69 = arith.cmpf oeq, %floor3A_66, %eq3A_68 : vector<64x2048xf32>
    %and3A_70 = arith.andi %and3A_49, %eq3A_69 : vector<64x2048xi1>
    %eq3A_71 = arith.constant 8 : i32
    %eq3A_72 = vector.broadcast %eq3A_71 : i32 to vector<64x2048xi32>
    %eq3A_73 = arith.cmpi eq, %convert_element_type3A, %eq3A_72 : vector<64x2048xi32>
    %convert_element_type3A_74 = arith.extui %and3A_70 : vector<64x2048xi1> to vector<64x2048xi32>
    %convert_element_type3A_75 = arith.sitofp %convert_element_type3A_74 : vector<64x2048xi32> to vector<64x2048xf32>
    %jit3A_76 = arith.constant 1.000000e+00 : f32
    %broadcast_in_dim3A_77 = vector.broadcast %jit3A_76 : f32 to vector<64x2048xf32>
    %select_n3A_78 = arith.select %eq3A_73, %broadcast_in_dim3A_77, %convert_element_type3A_75 : vector<64x2048xi1>, vector<64x2048xf32>
    %add3A_79 = arith.addf %add3A_43, %select_n3A_78 : vector<64x2048xf32>
    %div3A_80 = arith.constant 2.000000e+00 : f32
    %div3A_81 = vector.broadcast %div3A_80 : f32 to vector<64x2048xf32>
    %div3A_82 = arith.divf %div3A_81, %div3A_12 : vector<64x2048xf32>
    %floor3A_83 = math.floor %div3A_82 : vector<64x2048xf32>
    %lt3A_84 = arith.cmpf olt, %floor3A_83, %convert_element_type3A_10 : vector<64x2048xf32>
    %and3A_85 = arith.andi %and3A, %lt3A_84 : vector<64x2048xi1>
    %jit3A_86 = arith.constant 2.000000e+00 : f32
    %rem3A_87 = vector.broadcast %jit3A_86 : f32 to vector<64x2048xf32>
    %rem3A_88 = arith.remf %rem3A_87, %div3A_12 : vector<64x2048xf32>
    %ne3A_89 = arith.constant 0.000000e+00 : f32
    %ne3A_90 = vector.broadcast %ne3A_89 : f32 to vector<64x2048xf32>
    %ne3A_91 = arith.cmpf one, %rem3A_88, %ne3A_90 : vector<64x2048xf32>
    %lt3A_92 = arith.constant 0.000000e+00 : f32
    %lt3A_93 = vector.broadcast %lt3A_92 : f32 to vector<64x2048xf32>
    %lt3A_94 = arith.cmpf olt, %rem3A_88, %lt3A_93 : vector<64x2048xf32>
    %lt3A_95 = arith.constant 0.000000e+00 : f32
    %lt3A_96 = vector.broadcast %lt3A_95 : f32 to vector<64x2048xf32>
    %lt3A_97 = arith.cmpf olt, %div3A_12, %lt3A_96 : vector<64x2048xf32>
    %ne3A_98 = arith.xori %lt3A_94, %lt3A_97 : vector<64x2048xi1>
    %and3A_99 = arith.andi %ne3A_98, %ne3A_91 : vector<64x2048xi1>
    %add3A_100 = arith.addf %rem3A_88, %div3A_12 : vector<64x2048xf32>
    %select_n3A_101 = arith.select %and3A_99, %add3A_100, %rem3A_88 : vector<64x2048xi1>, vector<64x2048xf32>
    %floor3A_102 = math.floor %select_n3A_101 : vector<64x2048xf32>
    %eq3A_103 = arith.constant 0.000000e+00 : f32
    %eq3A_104 = vector.broadcast %eq3A_103 : f32 to vector<64x2048xf32>
    %eq3A_105 = arith.cmpf oeq, %floor3A_102, %eq3A_104 : vector<64x2048xf32>
    %and3A_106 = arith.andi %and3A_85, %eq3A_105 : vector<64x2048xi1>
    %eq3A_107 = arith.constant 8 : i32
    %eq3A_108 = vector.broadcast %eq3A_107 : i32 to vector<64x2048xi32>
    %eq3A_109 = arith.cmpi eq, %convert_element_type3A, %eq3A_108 : vector<64x2048xi32>
    %convert_element_type3A_110 = arith.extui %and3A_106 : vector<64x2048xi1> to vector<64x2048xi32>
    %convert_element_type3A_111 = arith.sitofp %convert_element_type3A_110 : vector<64x2048xi32> to vector<64x2048xf32>
    %jit3A_112 = arith.constant 1.000000e+00 : f32
    %broadcast_in_dim3A_113 = vector.broadcast %jit3A_112 : f32 to vector<64x2048xf32>
    %select_n3A_114 = arith.select %eq3A_109, %broadcast_in_dim3A_113, %convert_element_type3A_111 : vector<64x2048xi1>, vector<64x2048xf32>
    %add3A_115 = arith.addf %add3A_79, %select_n3A_114 : vector<64x2048xf32>
    %div3A_116 = arith.constant 3.000000e+00 : f32
    %div3A_117 = vector.broadcast %div3A_116 : f32 to vector<64x2048xf32>
    %div3A_118 = arith.divf %div3A_117, %div3A_12 : vector<64x2048xf32>
    %floor3A_119 = math.floor %div3A_118 : vector<64x2048xf32>
    %lt3A_120 = arith.cmpf olt, %floor3A_119, %convert_element_type3A_10 : vector<64x2048xf32>
    %and3A_121 = arith.andi %and3A, %lt3A_120 : vector<64x2048xi1>
    %jit3A_122 = arith.constant 3.000000e+00 : f32
    %rem3A_123 = vector.broadcast %jit3A_122 : f32 to vector<64x2048xf32>
    %rem3A_124 = arith.remf %rem3A_123, %div3A_12 : vector<64x2048xf32>
    %ne3A_125 = arith.constant 0.000000e+00 : f32
    %ne3A_126 = vector.broadcast %ne3A_125 : f32 to vector<64x2048xf32>
    %ne3A_127 = arith.cmpf one, %rem3A_124, %ne3A_126 : vector<64x2048xf32>
    %lt3A_128 = arith.constant 0.000000e+00 : f32
    %lt3A_129 = vector.broadcast %lt3A_128 : f32 to vector<64x2048xf32>
    %lt3A_130 = arith.cmpf olt, %rem3A_124, %lt3A_129 : vector<64x2048xf32>
    %lt3A_131 = arith.constant 0.000000e+00 : f32
    %lt3A_132 = vector.broadcast %lt3A_131 : f32 to vector<64x2048xf32>
    %lt3A_133 = arith.cmpf olt, %div3A_12, %lt3A_132 : vector<64x2048xf32>
    %ne3A_134 = arith.xori %lt3A_130, %lt3A_133 : vector<64x2048xi1>
    %and3A_135 = arith.andi %ne3A_134, %ne3A_127 : vector<64x2048xi1>
    %add3A_136 = arith.addf %rem3A_124, %div3A_12 : vector<64x2048xf32>
    %select_n3A_137 = arith.select %and3A_135, %add3A_136, %rem3A_124 : vector<64x2048xi1>, vector<64x2048xf32>
    %floor3A_138 = math.floor %select_n3A_137 : vector<64x2048xf32>
    %eq3A_139 = arith.constant 0.000000e+00 : f32
    %eq3A_140 = vector.broadcast %eq3A_139 : f32 to vector<64x2048xf32>
    %eq3A_141 = arith.cmpf oeq, %floor3A_138, %eq3A_140 : vector<64x2048xf32>
    %and3A_142 = arith.andi %and3A_121, %eq3A_141 : vector<64x2048xi1>
    %eq3A_143 = arith.constant 8 : i32
    %eq3A_144 = vector.broadcast %eq3A_143 : i32 to vector<64x2048xi32>
    %eq3A_145 = arith.cmpi eq, %convert_element_type3A, %eq3A_144 : vector<64x2048xi32>
    %convert_element_type3A_146 = arith.extui %and3A_142 : vector<64x2048xi1> to vector<64x2048xi32>
    %convert_element_type3A_147 = arith.sitofp %convert_element_type3A_146 : vector<64x2048xi32> to vector<64x2048xf32>
    %jit3A_148 = arith.constant 1.000000e+00 : f32
    %broadcast_in_dim3A_149 = vector.broadcast %jit3A_148 : f32 to vector<64x2048xf32>
    %select_n3A_150 = arith.select %eq3A_145, %broadcast_in_dim3A_149, %convert_element_type3A_147 : vector<64x2048xi1>, vector<64x2048xf32>
    %add3A_151 = arith.addf %add3A_115, %select_n3A_150 : vector<64x2048xf32>
    %div3A_152 = arith.constant 4.000000e+00 : f32
    %div3A_153 = vector.broadcast %div3A_152 : f32 to vector<64x2048xf32>
    %div3A_154 = arith.divf %div3A_153, %div3A_12 : vector<64x2048xf32>
    %floor3A_155 = math.floor %div3A_154 : vector<64x2048xf32>
    %lt3A_156 = arith.cmpf olt, %floor3A_155, %convert_element_type3A_10 : vector<64x2048xf32>
    %and3A_157 = arith.andi %and3A, %lt3A_156 : vector<64x2048xi1>
    %jit3A_158 = arith.constant 4.000000e+00 : f32
    %rem3A_159 = vector.broadcast %jit3A_158 : f32 to vector<64x2048xf32>
    %rem3A_160 = arith.remf %rem3A_159, %div3A_12 : vector<64x2048xf32>
    %ne3A_161 = arith.constant 0.000000e+00 : f32
    %ne3A_162 = vector.broadcast %ne3A_161 : f32 to vector<64x2048xf32>
    %ne3A_163 = arith.cmpf one, %rem3A_160, %ne3A_162 : vector<64x2048xf32>
    %lt3A_164 = arith.constant 0.000000e+00 : f32
    %lt3A_165 = vector.broadcast %lt3A_164 : f32 to vector<64x2048xf32>
    %lt3A_166 = arith.cmpf olt, %rem3A_160, %lt3A_165 : vector<64x2048xf32>
    %lt3A_167 = arith.constant 0.000000e+00 : f32
    %lt3A_168 = vector.broadcast %lt3A_167 : f32 to vector<64x2048xf32>
    %lt3A_169 = arith.cmpf olt, %div3A_12, %lt3A_168 : vector<64x2048xf32>
    %ne3A_170 = arith.xori %lt3A_166, %lt3A_169 : vector<64x2048xi1>
    %and3A_171 = arith.andi %ne3A_170, %ne3A_163 : vector<64x2048xi1>
    %add3A_172 = arith.addf %rem3A_160, %div3A_12 : vector<64x2048xf32>
    %select_n3A_173 = arith.select %and3A_171, %add3A_172, %rem3A_160 : vector<64x2048xi1>, vector<64x2048xf32>
    %floor3A_174 = math.floor %select_n3A_173 : vector<64x2048xf32>
    %eq3A_175 = arith.constant 0.000000e+00 : f32
    %eq3A_176 = vector.broadcast %eq3A_175 : f32 to vector<64x2048xf32>
    %eq3A_177 = arith.cmpf oeq, %floor3A_174, %eq3A_176 : vector<64x2048xf32>
    %and3A_178 = arith.andi %and3A_157, %eq3A_177 : vector<64x2048xi1>
    %eq3A_179 = arith.constant 8 : i32
    %eq3A_180 = vector.broadcast %eq3A_179 : i32 to vector<64x2048xi32>
    %eq3A_181 = arith.cmpi eq, %convert_element_type3A, %eq3A_180 : vector<64x2048xi32>
    %convert_element_type3A_182 = arith.extui %and3A_178 : vector<64x2048xi1> to vector<64x2048xi32>
    %convert_element_type3A_183 = arith.sitofp %convert_element_type3A_182 : vector<64x2048xi32> to vector<64x2048xf32>
    %jit3A_184 = arith.constant 1.000000e+00 : f32
    %broadcast_in_dim3A_185 = vector.broadcast %jit3A_184 : f32 to vector<64x2048xf32>
    %select_n3A_186 = arith.select %eq3A_181, %broadcast_in_dim3A_185, %convert_element_type3A_183 : vector<64x2048xi1>, vector<64x2048xf32>
    %add3A_187 = arith.addf %add3A_151, %select_n3A_186 : vector<64x2048xf32>
    %div3A_188 = arith.constant 5.000000e+00 : f32
    %div3A_189 = vector.broadcast %div3A_188 : f32 to vector<64x2048xf32>
    %div3A_190 = arith.divf %div3A_189, %div3A_12 : vector<64x2048xf32>
    %floor3A_191 = math.floor %div3A_190 : vector<64x2048xf32>
    %lt3A_192 = arith.cmpf olt, %floor3A_191, %convert_element_type3A_10 : vector<64x2048xf32>
    %and3A_193 = arith.andi %and3A, %lt3A_192 : vector<64x2048xi1>
    %jit3A_194 = arith.constant 5.000000e+00 : f32
    %rem3A_195 = vector.broadcast %jit3A_194 : f32 to vector<64x2048xf32>
    %rem3A_196 = arith.remf %rem3A_195, %div3A_12 : vector<64x2048xf32>
    %ne3A_197 = arith.constant 0.000000e+00 : f32
    %ne3A_198 = vector.broadcast %ne3A_197 : f32 to vector<64x2048xf32>
    %ne3A_199 = arith.cmpf one, %rem3A_196, %ne3A_198 : vector<64x2048xf32>
    %lt3A_200 = arith.constant 0.000000e+00 : f32
    %lt3A_201 = vector.broadcast %lt3A_200 : f32 to vector<64x2048xf32>
    %lt3A_202 = arith.cmpf olt, %rem3A_196, %lt3A_201 : vector<64x2048xf32>
    %lt3A_203 = arith.constant 0.000000e+00 : f32
    %lt3A_204 = vector.broadcast %lt3A_203 : f32 to vector<64x2048xf32>
    %lt3A_205 = arith.cmpf olt, %div3A_12, %lt3A_204 : vector<64x2048xf32>
    %ne3A_206 = arith.xori %lt3A_202, %lt3A_205 : vector<64x2048xi1>
    %and3A_207 = arith.andi %ne3A_206, %ne3A_199 : vector<64x2048xi1>
    %add3A_208 = arith.addf %rem3A_196, %div3A_12 : vector<64x2048xf32>
    %select_n3A_209 = arith.select %and3A_207, %add3A_208, %rem3A_196 : vector<64x2048xi1>, vector<64x2048xf32>
    %floor3A_210 = math.floor %select_n3A_209 : vector<64x2048xf32>
    %eq3A_211 = arith.constant 0.000000e+00 : f32
    %eq3A_212 = vector.broadcast %eq3A_211 : f32 to vector<64x2048xf32>
    %eq3A_213 = arith.cmpf oeq, %floor3A_210, %eq3A_212 : vector<64x2048xf32>
    %and3A_214 = arith.andi %and3A_193, %eq3A_213 : vector<64x2048xi1>
    %eq3A_215 = arith.constant 8 : i32
    %eq3A_216 = vector.broadcast %eq3A_215 : i32 to vector<64x2048xi32>
    %eq3A_217 = arith.cmpi eq, %convert_element_type3A, %eq3A_216 : vector<64x2048xi32>
    %convert_element_type3A_218 = arith.extui %and3A_214 : vector<64x2048xi1> to vector<64x2048xi32>
    %convert_element_type3A_219 = arith.sitofp %convert_element_type3A_218 : vector<64x2048xi32> to vector<64x2048xf32>
    %jit3A_220 = arith.constant 1.000000e+00 : f32
    %broadcast_in_dim3A_221 = vector.broadcast %jit3A_220 : f32 to vector<64x2048xf32>
    %select_n3A_222 = arith.select %eq3A_217, %broadcast_in_dim3A_221, %convert_element_type3A_219 : vector<64x2048xi1>, vector<64x2048xf32>
    %add3A_223 = arith.addf %add3A_187, %select_n3A_222 : vector<64x2048xf32>
    %div3A_224 = arith.constant 6.000000e+00 : f32
    %div3A_225 = vector.broadcast %div3A_224 : f32 to vector<64x2048xf32>
    %div3A_226 = arith.divf %div3A_225, %div3A_12 : vector<64x2048xf32>
    %floor3A_227 = math.floor %div3A_226 : vector<64x2048xf32>
    %lt3A_228 = arith.cmpf olt, %floor3A_227, %convert_element_type3A_10 : vector<64x2048xf32>
    %and3A_229 = arith.andi %and3A, %lt3A_228 : vector<64x2048xi1>
    %jit3A_230 = arith.constant 6.000000e+00 : f32
    %rem3A_231 = vector.broadcast %jit3A_230 : f32 to vector<64x2048xf32>
    %rem3A_232 = arith.remf %rem3A_231, %div3A_12 : vector<64x2048xf32>
    %ne3A_233 = arith.constant 0.000000e+00 : f32
    %ne3A_234 = vector.broadcast %ne3A_233 : f32 to vector<64x2048xf32>
    %ne3A_235 = arith.cmpf one, %rem3A_232, %ne3A_234 : vector<64x2048xf32>
    %lt3A_236 = arith.constant 0.000000e+00 : f32
    %lt3A_237 = vector.broadcast %lt3A_236 : f32 to vector<64x2048xf32>
    %lt3A_238 = arith.cmpf olt, %rem3A_232, %lt3A_237 : vector<64x2048xf32>
    %lt3A_239 = arith.constant 0.000000e+00 : f32
    %lt3A_240 = vector.broadcast %lt3A_239 : f32 to vector<64x2048xf32>
    %lt3A_241 = arith.cmpf olt, %div3A_12, %lt3A_240 : vector<64x2048xf32>
    %ne3A_242 = arith.xori %lt3A_238, %lt3A_241 : vector<64x2048xi1>
    %and3A_243 = arith.andi %ne3A_242, %ne3A_235 : vector<64x2048xi1>
    %add3A_244 = arith.addf %rem3A_232, %div3A_12 : vector<64x2048xf32>
    %select_n3A_245 = arith.select %and3A_243, %add3A_244, %rem3A_232 : vector<64x2048xi1>, vector<64x2048xf32>
    %floor3A_246 = math.floor %select_n3A_245 : vector<64x2048xf32>
    %eq3A_247 = arith.constant 0.000000e+00 : f32
    %eq3A_248 = vector.broadcast %eq3A_247 : f32 to vector<64x2048xf32>
    %eq3A_249 = arith.cmpf oeq, %floor3A_246, %eq3A_248 : vector<64x2048xf32>
    %and3A_250 = arith.andi %and3A_229, %eq3A_249 : vector<64x2048xi1>
    %eq3A_251 = arith.constant 8 : i32
    %eq3A_252 = vector.broadcast %eq3A_251 : i32 to vector<64x2048xi32>
    %eq3A_253 = arith.cmpi eq, %convert_element_type3A, %eq3A_252 : vector<64x2048xi32>
    %convert_element_type3A_254 = arith.extui %and3A_250 : vector<64x2048xi1> to vector<64x2048xi32>
    %convert_element_type3A_255 = arith.sitofp %convert_element_type3A_254 : vector<64x2048xi32> to vector<64x2048xf32>
    %jit3A_256 = arith.constant 1.000000e+00 : f32
    %broadcast_in_dim3A_257 = vector.broadcast %jit3A_256 : f32 to vector<64x2048xf32>
    %select_n3A_258 = arith.select %eq3A_253, %broadcast_in_dim3A_257, %convert_element_type3A_255 : vector<64x2048xi1>, vector<64x2048xf32>
    %add3A_259 = arith.addf %add3A_223, %select_n3A_258 : vector<64x2048xf32>
    %div3A_260 = arith.constant 7.000000e+00 : f32
    %div3A_261 = vector.broadcast %div3A_260 : f32 to vector<64x2048xf32>
    %div3A_262 = arith.divf %div3A_261, %div3A_12 : vector<64x2048xf32>
    %floor3A_263 = math.floor %div3A_262 : vector<64x2048xf32>
    %lt3A_264 = arith.cmpf olt, %floor3A_263, %convert_element_type3A_10 : vector<64x2048xf32>
    %and3A_265 = arith.andi %and3A, %lt3A_264 : vector<64x2048xi1>
    %jit3A_266 = arith.constant 7.000000e+00 : f32
    %rem3A_267 = vector.broadcast %jit3A_266 : f32 to vector<64x2048xf32>
    %rem3A_268 = arith.remf %rem3A_267, %div3A_12 : vector<64x2048xf32>
    %ne3A_269 = arith.constant 0.000000e+00 : f32
    %ne3A_270 = vector.broadcast %ne3A_269 : f32 to vector<64x2048xf32>
    %ne3A_271 = arith.cmpf one, %rem3A_268, %ne3A_270 : vector<64x2048xf32>
    %lt3A_272 = arith.constant 0.000000e+00 : f32
    %lt3A_273 = vector.broadcast %lt3A_272 : f32 to vector<64x2048xf32>
    %lt3A_274 = arith.cmpf olt, %rem3A_268, %lt3A_273 : vector<64x2048xf32>
    %lt3A_275 = arith.constant 0.000000e+00 : f32
    %lt3A_276 = vector.broadcast %lt3A_275 : f32 to vector<64x2048xf32>
    %lt3A_277 = arith.cmpf olt, %div3A_12, %lt3A_276 : vector<64x2048xf32>
    %ne3A_278 = arith.xori %lt3A_274, %lt3A_277 : vector<64x2048xi1>
    %and3A_279 = arith.andi %ne3A_278, %ne3A_271 : vector<64x2048xi1>
    %add3A_280 = arith.addf %rem3A_268, %div3A_12 : vector<64x2048xf32>
    %select_n3A_281 = arith.select %and3A_279, %add3A_280, %rem3A_268 : vector<64x2048xi1>, vector<64x2048xf32>
    %floor3A_282 = math.floor %select_n3A_281 : vector<64x2048xf32>
    %eq3A_283 = arith.constant 0.000000e+00 : f32
    %eq3A_284 = vector.broadcast %eq3A_283 : f32 to vector<64x2048xf32>
    %eq3A_285 = arith.cmpf oeq, %floor3A_282, %eq3A_284 : vector<64x2048xf32>
    %and3A_286 = arith.andi %and3A_265, %eq3A_285 : vector<64x2048xi1>
    %eq3A_287 = arith.constant 8 : i32
    %eq3A_288 = vector.broadcast %eq3A_287 : i32 to vector<64x2048xi32>
    %eq3A_289 = arith.cmpi eq, %convert_element_type3A, %eq3A_288 : vector<64x2048xi32>
    %convert_element_type3A_290 = arith.extui %and3A_286 : vector<64x2048xi1> to vector<64x2048xi32>
    %convert_element_type3A_291 = arith.sitofp %convert_element_type3A_290 : vector<64x2048xi32> to vector<64x2048xf32>
    %jit3A_292 = arith.constant 1.000000e+00 : f32
    %broadcast_in_dim3A_293 = vector.broadcast %jit3A_292 : f32 to vector<64x2048xf32>
    %select_n3A_294 = arith.select %eq3A_289, %broadcast_in_dim3A_293, %convert_element_type3A_291 : vector<64x2048xi1>, vector<64x2048xf32>
    %add3A_295 = arith.addf %add3A_259, %select_n3A_294 : vector<64x2048xf32>
    %transpose3A = tpu.transpose %add3A_295, [1, 0] : vector<64x2048xf32> -> vector<2048x64xf32>
    %mul3A_296 = arith.constant 1.250000e-01 : f32
    %mul3A_297 = vector.broadcast %mul3A_296 : f32 to vector<2048x64xf32>
    %mul3A_298 = arith.mulf %transpose3A, %mul3A_297 : vector<2048x64xf32>
    %swap3A = arith.constant 0 : index
    %swap3A_299 = arith.constant 0 : index
    %swap3A_300 = vector.load %arg2[%swap3A, %swap3A_299] : memref<2048x128xf32, #tpu.memory_space<vmem>>, vector<2048x64xf32>
    tpu.vector_store %arg2[%swap3A, %swap3A_299], %mul3A_298 {strides = array<i32>} : memref<2048x128xf32, #tpu.memory_space<vmem>>, vector<2048x64xf32>,
    return
  }
  func.func @transform_0(%arg0: i32) -> (i32, i32) {
    %c0_i32 = arith.constant 0 : i32
    %c0_i32_0 = arith.constant 0 : i32
    return %c0_i32, %arg0 : i32, i32
  }
  func.func @transform_1(%arg0: i32) -> (i32, i32) {
    %c0_i32 = arith.constant 0 : i32
    %c0_i32_0 = arith.constant 0 : i32
    return %arg0, %c0_i32 : i32, i32
  }
}

module attributes {stable_mosaic.version = 14 : i64} {
  func.func @_untranspose_body(%arg0: i32, %arg1: memref<2048x128xf32, #tpu.memory_space<vmem>>, %arg2: memref<64x2048xf32, #tpu.memory_space<vmem>>) attributes {dimension_semantics = [#tpu.dimension_semantics<arbitrary>], iteration_bounds = array<i64: 8>, scalar_prefetch = 0 : i64, scratch_operands = 0 : i64, tpu.core_type = #tpu.core_type<tc>, window_params = [{transform_indices = @transform_0, window_bounds = array<i64: 2048, 128>}, {transform_indices = @transform_1, window_bounds = array<i64: 64, 2048>}]} {
    %get3A = arith.constant 0 : index
    %get3A_0 = arith.constant 0 : index
    %get3A_1 = vector.load %arg1[%get3A, %get3A_0] : memref<2048x128xf32, #tpu.memory_space<vmem>>, vector<2048x128xf32>
    %slice3A = vector.extract_strided_slice %get3A_1 {offsets = [0, 0], sizes = [2048, 64], strides = [1, 1]} : vector<2048x128xf32> to vector<2048x64xf32>
    %transpose3A = tpu.transpose %slice3A, [1, 0] : vector<2048x64xf32> -> vector<64x2048xf32>
    %swap3A = arith.constant 0 : index
    %swap3A_2 = arith.constant 0 : index
    %swap3A_3 = vector.load %arg2[%swap3A, %swap3A_2] : memref<64x2048xf32, #tpu.memory_space<vmem>>, vector<64x2048xf32>
    tpu.vector_store %arg2[%swap3A, %swap3A_2], %transpose3A {strides = array<i32>} : memref<64x2048xf32, #tpu.memory_space<vmem>>, vector<64x2048xf32>,
    return
  }
  func.func @transform_0(%arg0: i32) -> (i32, i32) {
    %c0_i32 = arith.constant 0 : i32
    %c0_i32_0 = arith.constant 0 : i32
    return %arg0, %c0_i32 : i32, i32
  }
  func.func @transform_1(%arg0: i32) -> (i32, i32) {
    %c0_i32 = arith.constant 0 : i32
    %c0_i32_0 = arith.constant 0 : i32
    return %c0_i32, %arg0 : i32, i32
  }
}

</mosaic_0001>

<sc_bundles>
// kernel: kernel.5.cloned.1.call-start
scs
__scs_entry_jumppad:
0x0: {  	(pc) =	sbr.rel $0x88, $3  }
0x1: {  	(tag) =	ssettag $0x0;
	lr =	simm.s32 $0x1  }
0x2: {  	[smem:$0x3F9E] =	sst lr;
	_ =	strace $0xD0000000  }
0x3: {  	_ = 	snop  }
0x4: {  	_ = 	snop  }
0x5: {  	_ = 	snop  }
0x6: {  	_ = 	snop  }
0x7: {  	_ = 	snop  }
__scs_overlays_trampoline_lowered:
0x8: {  	[smem:$0x3FAD] =	sst s0  }
0x9: {  	[smem:$0x3FAE] =	sst s1  }
0xa: {  	[smem:$0x3FAF] =	sst s2  }
0xb: {  	[smem:$0x3FB0] =	sst s3  }
0xc: {  	[smem:$0x3FB1] =	sst s4  }
0xd: {  	[smem:$0x3FB2] =	sst s5  }
0xe: {  	[smem:$0x3FB3] =	sst s6  }
0xf: {  	[smem:$0x3FB4] =	sst s7  }
0x10: {  	[smem:$0x3FB5] =	sst s8  }
0x11: {  	[smem:$0x3FB6] =	sst s9;
	s0 =	simm.s32 @!p0 $0x0  }
0x12: {  	s1 =	sld [smem:$0x3F9C];
	s0 =	simm.s32 @p0 $0x1  }
0x13: {  	[smem:$0x3FB7] =	sst s0;
	s0 =	simm.s32 @!p1 $0x0  }
0x14: {  	s2 =	sld [smem:$0x3F9B];
	s0 =	simm.s32 @p1 $0x1  }
0x15: {  	[smem:$0x3FB8] =	sst s0;
	s0 =	simm.s32 @!p2 $0x0  }
0x16: {  	s3 =	sld [smem:$0x3FDB];
	s0 =	simm.s32 @p2 $0x1  }
0x17: {  	s4 =	simm.s32 $0x1BF5;
	[smem:$0x3FBA] =	sst s0  }
0x18: {  	s0 =	sld [smem:$0x3F9D];
	_ =	swait.ge [sflag:s4], $0x0  }
0x19: {  	s7 =	sld [smem:$0x3F9E]  }
0x1a: {  	s8 =	sadd.s32 $0xFFFFE003, lr  }
0x1b: {  	s9 =	sadd.s32 $0xFFFFFEF7, lr;
	s5 =	simm.s32 $0xFFFFFFFF;
	p2 =	slt.u32 s8, $0xFFFFF086  }
0x1c: {  	p1 =	slt.u32 s9, $0xF7A;
	s5 =	simm.s32 @!p2 $0x0  }
0x1d: {  	s5 =	simm.s32 @p1 $0x1;
	p0 =	seq.s32 s7, s2  }
0x1e: {  	s7 =	smul.u32 @!p0 $0xF7A, s2;
	p2 =	seq.s32 @!p0 s5, $0x0  }
0x1f: {  	s9 =	smul.u32 $0xF7A, s1;
	s8 =	simm.s32 @!p0 $0x1BF5;
	p2 =	por !p2, p0  }
0x20: {  	[sflag:s8] =	ssyncset.s32 @!p0 $0xFFFFF086;
	s6 =	sadd.s32 @!p0 s3, s7;
	s7 =	simm.s32 @!p0 $0x108  }
0x21: {  	s3 =	sadd.s32 s3, s9;
	s6 =	sadd.s32 @!p0 $0x88, s6;
	s7 =	simm.s32 @p2 $0x1082  }
0x22: {  	[simem:s7], [sflag:s8] =	dma.local @!p0 [hbm:s6], $0xF7A  }
0x23: {  	s9 =	sor.u32 $0xD0000000, s2;
	s6 =	simm.s32 $0x108;
	_ =	swait.ge @!p0 [sflag:s8], $0x0  }
0x24: {  	s3 =	sadd.s32 $0x88, s3;
	s6 =	simm.s32 @!p1 $0x1082;
	[sflag:s4] =	ssyncset.s32 $0xFFFFF086  }
0x25: {  	[simem:s6], [sflag:s4] =	dma.local [hbm:s3], $0xF7A  }
0x26: {  	[smem:$0x3F9E] =	sst s1;
	(tag) =	ssettag s2;
	_ =	strace s9  }
0x27: {  	s1 =	sld [smem:$0x3FAE]  }
0x28: {  	s2 =	sld [smem:$0x3FAF]  }
0x29: {  	s4 =	sld [smem:$0x3FB1]  }
0x2a: {  	p0 =	seq.s32 s5, $0x0;
	s5 =	sld [smem:$0x3FB2]  }
0x2b: {  	s6 =	sld [smem:$0x3FB3]  }
0x2c: {  	s7 =	sld [smem:$0x3FB4]  }
0x2d: {  	s3 =	simm.s32 $0x108;
	s8 =	sld [smem:$0x3FB5]  }
0x2e: {  	s3 =	simm.s32 @!p0 $0x1082;
	s9 =	sld [smem:$0x3FB6]  }
0x2f: {  	lr =	sadd.s32 s0, s3;
	s0 =	sld [smem:$0x3FAD]  }
0x30: {  	s3 =	sld [smem:$0x3FB0]  }
0x31: {  	[smem:$0x3FB9] =	sst s10  }
0x32: {  	s10 =	sld [smem:$0x3FB7];
	_ =	sdelay $0x3  }
0x33: {  	p0 =	seq.s32 s10, $0x1;
	s10 =	sld [smem:$0x3FB9];
	_ =	sdelay $0x3  }
0x34: {  	[smem:$0x3FB9] =	sst s10  }
0x35: {  	s10 =	sld [smem:$0x3FB8];
	_ =	sdelay $0x3  }
0x36: {  	p1 =	seq.s32 s10, $0x1;
	s10 =	sld [smem:$0x3FB9];
	_ =	sdelay $0x3  }
0x37: {  	[smem:$0x3FB9] =	sst s10  }
0x38: {  	s10 =	sld [smem:$0x3FBA]  }
0x39: {  	_ = 	snop;
	(pc) =	sbr.ind lr, $3  }
0x3a: {  	_ = 	snop  }
0x3b: {  	_ = 	snop  }
0x3c: {  	p2 =	seq.s32 s10, $0x1;
	s10 =	sld [smem:$0x3FB9]  }
0x3d: {  	_ =	shalt  }
0x3e: {  	_ =	shalt  }
0x3f: {  	_ =	shalt  }
0x40: {  	_ =	shalt  }
0x41: {  	_ =	shalt  }
0x42: {  	_ =	shalt  }
0x43: {  	_ =	shalt  }
0x44: {  	_ =	shalt  }
0x45: {  	_ =	shalt  }
0x46: {  	_ =	shalt  }
0x47: {  	_ =	shalt  }
0x48: {  	_ =	shalt  }
0x49: {  	_ =	shalt  }
0x4a: {  	_ =	shalt  }
0x4b: {  	_ =	shalt  }
0x4c: {  	_ =	shalt  }
0x4d: {  	_ =	shalt  }
0x4e: {  	_ =	shalt  }
0x4f: {  	_ =	shalt  }
0x50: {  	_ =	shalt  }
0x51: {  	_ =	shalt  }
0x52: {  	_ =	shalt  }
0x53: {  	_ =	shalt  }
0x54: {  	_ =	shalt  }
0x55: {  	_ =	shalt  }
0x56: {  	_ =	shalt  }
0x57: {  	_ =	shalt  }
0x58: {  	_ =	shalt  }
0x59: {  	_ =	shalt  }
0x5a: {  	_ =	shalt  }
0x5b: {  	_ =	shalt  }
0x5c: {  	_ =	shalt  }
0x5d: {  	_ =	shalt  }
0x5e: {  	_ =	shalt  }
0x5f: {  	_ =	shalt  }
0x60: {  	_ =	shalt  }
0x61: {  	_ =	shalt  }
0x62: {  	_ =	shalt  }
0x63: {  	_ =	shalt  }
0x64: {  	_ =	shalt  }
0x65: {  	_ =	shalt  }
0x66: {  	_ =	shalt  }
0x67: {  	_ =	shalt  }
0x68: {  	_ =	shalt  }
0x69: {  	_ =	shalt  }
0x6a: {  	_ =	shalt  }
0x6b: {  	_ =	shalt  }
0x6c: {  	_ =	shalt  }
0x6d: {  	_ =	shalt  }
0x6e: {  	_ =	shalt  }
0x6f: {  	_ =	shalt  }
0x70: {  	_ =	shalt  }
0x71: {  	_ =	shalt  }
0x72: {  	_ =	shalt  }
0x73: {  	_ =	shalt  }
0x74: {  	_ =	shalt  }
0x75: {  	_ =	shalt  }
0x76: {  	_ =	shalt  }
0x77: {  	_ =	shalt  }
0x78: {  	_ =	shalt  }
0x79: {  	_ =	shalt  }
0x7a: {  	_ =	shalt  }
0x7b: {  	_ =	shalt  }
0x7c: {  	_ =	shalt  }
0x7d: {  	_ =	shalt  }
0x7e: {  	_ =	shalt  }
0x7f: {  	_ =	shalt  }
0x80: {  	_ =	shalt  }
0x81: {  	_ =	shalt  }
0x82: {  	_ =	shalt  }
0x83: {  	_ =	shalt  }
0x84: {  	_ =	shalt  }
0x85: {  	_ =	shalt  }
0x86: {  	_ =	shalt  }
0x87: {  	_ =	shalt  }
.Lfunc_end0:
.L_simem_size_0:
called_computation_lowered:
.L_overlay_start_0:
0x88: {  	s2 =	sld [smem:$0x3FD9]  }
0x89: {  	s3 =	sld [smem:$0x3FFE];
	_ =	sdelay $0x1  }
0x8a: {  	s1 =	srdreg.scid  }
0x8b: {  	s0 =	sand.u32 $0x1, s1  }
0x8c: {  	s17 =	sshll.u32 s0, $0xA;
	s2 =	sadd.s32 s3, s2  }
0x8d: {  	s2 =	sadd.s32 s2, s17  }
0x8e: {  	[smem:$0x3FC5] =	sst s2  }
0x8f: {  	_ = 	snop  }
0x90: {  	s2 =	sld [smem:$0x3FC9]  }
0x91: {  	s18 =	sld [smem:$0x3FC7]  }
0x92: {  	s4 =	sld [smem:$0x3FD0];
	(tm) =	ssettm $0x1  }
0x93: {  	s5 =	sld [smem:$0x3FFB];
	_ =	sdelay $0x3  }
0x94: {  	_ =	strace s5  }
0x95: {  	s5 =	sld [smem:$0x3FFC];
	_ =	sdelay $0x3  }
0x96: {  	_ =	strace s5  }
0x97: {  	s5 =	sld [smem:$0x3FFD];
	_ =	sdelay $0x3  }
0x98: {  	_ =	strace s5  }
0x99: {  	_ =	strace $0x8FFFFFFF  }
0x9a: {  	s19 =	sld [smem:$0x3FDB];
	_ =	sdelay $0x1  }
0x9b: {  	s6 =	simm.s32 $_scs_section_size  }
0x9c: {  	s7 =	simm.s32 $_size__tile_overlayer_lowered;
	s8 =	simm.s32 $_tile_overlayer_lowered  }
0x9d: {  	s22 =	simm.s32 $0x1BFF;
	s21 =	sshll.u32 s8, $0x1;
	s5 =	sadd.s32 s6, s19  }
0x9e: {  	s9 =	simm.s32 $0x0;
	s20 =	sshll.u32 s7, $0x1;
	s7 =	sadd.s32 s21, s5  }
0x9f: {  	[timem:s9], [sflag:s22] =	dma.local [hbm:s7], s20  }
0xa0: {  	_ =	swait.ge [sflag:s22], s20  }
0xa1: {  	s6 =	ssub.s32 $0x0, s20;
	[sflag:s22] =	ssyncset.done $0x0  }
0xa2: {  	[sflag:s22] =	ssyncadd.s32 s6;
	_ =	sdelay $0x1  }
0xa3: {  	s23 =	simm.s32 $0x1B8B  }
0xa4: {  	_ =	swait.ge [sflag:s23], $0x1  }
0xa5: {  	[sflag:s23] =	ssyncset.done $0x0  }
0xa6: {  	s25 =	simm.s32 $0x1B8E;
	s24 =	sld [smem:$0x3FFE];
	[sflag:s23] =	ssyncadd.s32 $0xFFFFFFFF  }
0xa7: {  	s26 =	simm.s32 $execute0_lowered;
	[smem:$0x3FD2] =	sst s25  }
0xa8: {  	s7 =	sshll.u32 s26, $0x1;
	_ =	strace $0x80000046;
	[dreg:$0x1] =	wrdreg $0xFFFFFFFF  }
0xa9: {  	s28 =	simm.s32 $_size_execute0_lowered;
	s5 =	sadd.s32 s5, s7;
	[dreg:$0x0] =	wrdreg $0x0  }
0xaa: {  	s7 =	sshll.u32 s28, $0x1;
	[dreg:$0x2] =	wrdreg s5  }
0xab: {  	[dreg:$0x3] =	wrdreg s7  }
0xac: {  	[dreg:$0x4] =	wrdreg $0xC0  }
0xad: {  	_ =	task [dreg:s9], $0x5FFFF  }
0xae: {  	[dreg:$0x1] =	wrdreg $0xFFFFFFFF  }
0xaf: {  	[dreg:$0x0] =	wrdreg $0x60  }
0xb0: {  	[dreg:$0x2] =	wrdreg s2  }
0xb1: {  	[dreg:$0x3] =	wrdreg s24  }
0xb2: {  	[dreg:$0x4] =	wrdreg s18  }
0xb3: {  	[dreg:$0x5] =	wrdreg s4  }
0xb4: {  	[dreg:$0x6] =	wrdreg $0x9  }
0xb5: {  	_ =	task.clear_ibuf [dreg:s9], $0x7FFFF;
	_ =	strace $0x90000046  }
0xb6: {  	s29 =	simm.s32 $0x9;
	_ =	strace $0x80000048  }
0xb7: {  	_ =	swait.ge [sflag:s29], $0x1  }
0xb8: {  	[sflag:s29] =	ssyncadd.s32 $0xFFFFFFFF  }
0xb9: {  	_ =	strace $0x90000048  }
0xba: {  	_ =	sfence  }
0xbb: {  	s30 =	sld [smem:$0x0];
	_ =	sdelay $0x2  }
0xbc: {  	s31 =	sshll.u32 s1, $0xD;
	s1 =	sshrl.u32 s1, $0x2  }
0xbd: {  	s3 =	sand.u32 $0x4000, s31;
	s1 =	sadd.s32 s1, s30  }
0xbe: {  	s0 =	sor.u32 s3, s0;
	s1 =	sshll.u32 s1, $0x11  }
0xbf: {  	s0 =	sor.u32 s1, s0  }
0xc0: {  	s0 =	sadd.s32 $0x8F2B, s0  }
0xc1: {  	[sflag:s0] =	ssyncadd.remote.s32 $0x1  }
0xc2: {  	_ =	sfence.sel $0xFFFF  }
0xc3: {  	[dreg:$0x0] =	wrdreg $0xFFFFFFFF;
	(pc) =	sbr.abs _section_cstart, $3  }
0xc4: {  	[dreg:$0x1] =	wrdreg $0xFFFFFFFF  }
0xc5: {  	_ =	task.clear_ibuf [dreg:s9], $0x2FFFF;
	_ =	strace $0x9FFFFFFF  }
0xc6: {  	(tm) =	ssettm $0x7FFFFFFF  }
0xc7: {  	_ =	shalt  }
tec
execute0_lowered:
.L_overlay_start_1:
0x0: {  	(tag) =	ssettag $0x1  }
0x1: {  	v0 =	vimm.s32 $0xB80;
	vm12 =	vcmask $0x300  }
0x2: {  	vm13 =	vcmask $0x704;
	v0 =	vsel vm12, $0x0, v0  }
0x3: {  	vm14 =	vcmask $0xB08;
	v0 =	vsel vm13, $0x80, v0  }
0x4: {  	vm11 =	vcmask $0xF0C;
	v0 =	vsel vm14, $0x100, v0  }
0x5: {  	vm10 =	vcmask $0x1310;
	v0 =	vsel vm11, $0x180, v0  }
0x6: {  	vm9 =	vcmask $0x1714;
	vm8 =	vcmask $0x1B18;
	v0 =	vsel vm10, $0x200, v0  }
0x7: {  	vm7 =	vcmask $0x1F1C;
	vm6 =	vcmask $0x2320;
	v0 =	vsel vm9, $0x280, v0  }
0x8: {  	s0 =	srdreg.scid;
	s1 =	stileid.u32;
	vm5 =	vcmask $0x2724;
	vm3 =	vcmask $0x2B28;
	v1 =	vsel vm8, $0x300, v0  }
0x9: {  	vm4 =	vcmask $0x2F2C;
	v9 =	vimm.s32 $0x3B80;
	s4 =	sand.u32 $0x1, s0;
	s26 =	sshll.u32 s1, $0x1;
	v2 =	vsel vm7, $0x380, v1  }
0xa: {  	vm2 =	vcmask $0x3330;
	v9 =	vsel vm12, $0x3000, v9;
	s0 =	sor.u32 s4, s26;
	v3 =	vsel vm6, $0x800, v2  }
0xb: {  	vm1 =	vcmask $0x3734;
	v9 =	vsel vm13, $0x3080, v9;
	s1 =	smul.u32 $0x7A00, s0;
	v4 =	vsel vm5, $0x880, v3  }
0xc: {  	v6 =	vimm.s32 $0x1B80;
	v9 =	vsel vm14, $0x3100, v9;
	v5 =	vsel vm3, $0x900, v4  }
0xd: {  	vm0 =	vcmask $0x3B38;
	p0 =	seq.s32 s0, $0x1F;
	v9 =	vsel vm11, $0x3180, v9;
	s2 =	sadd.s32 $0x7A00, s1;
	v5 =	vsel vm4, $0x980, v5  }
0xe: {  	v8 =	vsel vm12, $0x1000, v6;
	v9 =	vsel vm10, $0x3200, v9;
	s2 =	simm.s32 @p0 $0xF4240;
	v5 =	vsel vm2, $0xA00, v5  }
0xf: {  	v9 =	vsel vm9, $0x3280, v9;
	v0 =	vmov s2;
	v7 =	vsel vm1, $0xA80, v5  }
0x10: {  	v6 =	vsel vm0, $0xB00, v7;
	v7 =	vsel vm13, $0x1080, v8;
	v8 =	vimm.s32 $0x2B80  }
0x11: {  	v9 =	vsel vm8, $0x3300, v9;
	v1 =	vlaneseq.u32;
	v8 =	vsel vm12, $0x2000, v8  }
0x12: {  	v9 =	vsel vm7, $0x3380, v9;
	v2 =	vor.u32 $0x10, v1;
	v8 =	vsel vm13, $0x2080, v8  }
0x13: {  	s5 =	rddreg [dreg:$0x1];
	v9 =	vsel vm6, $0x3800, v9;
	v7 =	vsel vm14, $0x1100, v7;
	v8 =	vsel vm14, $0x2100, v8  }
0x14: {  	s3 =	rddreg [dreg:$0x2];
	v14 =	vmul.u32 $0x80, v1;
	v7 =	vsel vm11, $0x1180, v7;
	v8 =	vsel vm11, $0x2180, v8  }
0x15: {  	s6 =	simm.s32 $0x0;
	s9 =	simm.s32 $0x3E;
	s15 =	simm.s32 $0x3;
	v3 =	vor.u32 $0x20, v1;
	v7 =	vsel vm10, $0x1200, v7;
	v8 =	vsel vm10, $0x2200, v8  }
0x16: {  	s16 =	simm.s32 $0x800;
	s17 =	simm.s32 $0xA80;
	s18 =	simm.s32 $0xF80;
	v9 =	vsel vm5, $0x3880, v9;
	v7 =	vsel vm9, $0x1280, v7;
	v8 =	vsel vm9, $0x2280, v8  }
0x17: {  	s19 =	simm.s32 $0x40;
	s21 =	simm.s32 $0x8C00;
	s22 =	simm.s32 $0x1;
	v4 =	vor.u32 $0x30, v1;
	v7 =	vsel vm8, $0x1300, v7;
	v8 =	vsel vm8, $0x2300, v8  }
0x18: {  	s23 =	simm.s32 $0xAC00;
	s20 =	simm.s32 $0x14C00;
	s24 =	simm.s32 $0x18C00;
	v9 =	vsel vm3, $0x3900, v9;
	v7 =	vsel vm7, $0x1380, v7;
	v8 =	vsel vm7, $0x2380, v8  }
0x19: {  	s25 =	simm.s32 $0x1EC00;
	s28 =	simm.s32 $0x2;
	s29 =	simm.s32 $0x1CC00;
	v12 =	vadd.s32 $0xFFF0C600, v14;
	v7 =	vsel vm6, $0x1800, v7;
	v8 =	vsel vm6, $0x2800, v8  }
0x1a: {  	[smem:$0x7FF] =	sst s6;
	s7 =	sadd.s32 $0xA00, s5;
	s4 =	ssub.s32 $0x2, s4;
	v13 =	vadd.s32 $0xFFF0CE00, v14;
	v7 =	vsel vm5, $0x1880, v7;
	v8 =	vsel vm5, $0x2880, v8  }
0x1b: {  	s8 =	sadd.s32 $0x40A00, s5;
	s5 =	simm.s32 $0x7A1400;
	s30 =	sshrl.u32 s4, $0x1;
	v9 =	vsel vm4, $0x3980, v9;
	v7 =	vsel vm3, $0x1900, v7;
	v8 =	vsel vm3, $0x2900, v8  }
.Ltmp0:
0x1c: {  	s26 =	simm.s32 $0x1F400;
	s4 =	ssub.s32 s4, s30;
	v9 =	vsel vm2, $0x3A00, v9;
	v7 =	vsel vm4, $0x1980, v7;
	v8 =	vsel vm4, $0x2980, v8;
	(pc) =	sbr.rel .LBB2_1-.Ltmp0, $4  }
0x1d: {  	s9 =	simm.s32 @!p0 $0x3D;
	s4 =	smax.u32 s4, $0x1;
	s2 =	rddreg [dreg:$0x0];
	v5 =	vor.u32 $0x4000, v1;
	v7 =	vsel vm2, $0x1A00, v7;
	v10 =	vsel vm2, $0x2A00, v8  }
0x1e: {  	_ =	strace $0x80000047;
	[dreg:$0x7] =	wrdreg s4;
	s10 =	sadd.s32 s2, s1;
	v11 =	vsel vm1, $0x3A80, v9;
	v7 =	vsel vm1, $0x1A80, v7;
	v10 =	vsel vm1, $0x2A80, v10  }
0x1f: {  	s12 =	sadd.s32 $0x200, s1;
	[dreg:$0x5] =	wrdreg s10;
	s31 =	sadd.s32 $0x100, s10;
	v7 =	vsel vm0, $0x1B00, v7;
	v8 =	vmov s1;
	v9 =	vsel vm0, $0x2B00, v10  }
0x20: {  	s13 =	sadd.s32 $0x300, s1;
	p0 =	sne.s32 s0, $0x1F;
	[dreg:$0x6] =	wrdreg s31;
	v10 =	vsel vm0, $0x3B00, v11;
	v11 =	vadd.s32 $0xFFF0BE00, v14;
	v14 =	vadd.s32 $0xFFF0D600, v14  }
.LBB2_48:
0x21: {  	s0 =	simm.s32 $0x10  }
0x22: {  	[hbm4b:s8+s0] =	stream.indirect.scatter [tilespmem:s25], [sflag:$0x3], $0x80, s26, s0, $0xb8;
	[tilespmem:$0x1F480] =	vst v63  }
0x23: {  	_ =	swait.ge [sflag:s15], $0x800  }
0x24: {  	s6 =	sadd.s32 $0x1, s6;
	s31 =	rddreg [dreg:$0x7]  }
0x25: {  	p1 =	sne.s32 s6, s31  }
.Ltmp1:
0x26: {  	_ = 	snop;
	(pc) =	sbr.rel @!p1 .LBB2_49-.Ltmp1, $3  }
0x27: {  	_ =	sdelay $0x1  }
0x28: {  	[sflag:s15] =	ssyncset.done $0x0  }
0x29: {  	[sflag:s15] =	ssyncadd.s32 $0xFFFFF800  }
.LBB2_1:
.Ltmp2:
0x2a: {  	(pc) =	sbr.rel .LBB2_2-.Ltmp2, $2  }
0x2b: {  	_ =	sdelay $0x2  }
0x2c: {  	s0 =	simm.s32 $0x0;
	s4 =	simm.s32 $0x0  }
.LBB2_7:
0x2d: {  	s4 =	sadd.s32 $0x1, s4  }
0x2e: {  	p1 =	seq.s32 s4, $0x8  }
.Ltmp3:
0x2f: {  	_ = 	snop;
	(pc) =	sbr.rel @p1 .LBB2_8-.Ltmp3, $1  }
0x30: {  	_ =	sdelay $0x3  }
.LBB2_2:
0x31: {  	s11 =	sshll.u32 s4, $0x8  }
.Ltmp4:
0x32: {  	s30 =	simm.s32 $0x0;
	s11 =	sadd.s32 s3, s11;
	(pc) =	sbr.rel .LBB2_3-.Ltmp4, $4  }
0x33: {  	[tilespmem:s30], [sflag:$0x3] =	stream.linear.gather [hbm4b:s11+s30], $0x800, $0x38;
	[tilespmem:$0x1F480] =	vst v63  }
0x34: {  	_ =	swait.ge [sflag:s15], $0x800  }
0x35: {  	[sflag:s15] =	ssyncset.done $0x0  }
0x36: {  	s31 =	sshll.u32 s4, $0xB;
	[sflag:s15] =	ssyncadd.s32 $0xFFFFF800  }
.LBB2_6:
0x37: {  	s30 =	sadd.s32 $0x1, s30  }
0x38: {  	p1 =	sne.s32 s30, $0x80  }
.Ltmp5:
0x39: {  	_ = 	snop;
	(pc) =	sbr.rel @!p1 .LBB2_7-.Ltmp5, $1  }
0x3a: {  	_ =	sdelay $0x3  }
.LBB2_3:
0x3b: {  	s11 =	sshll.u32 s30, $0x4  }
0x3c: {  	v15 =	vld [tilespmem:s11+$0x0];
	_ =	sdelay $0x4  }
0x3d: {  	vm0 =	vge.s32 v15, v8;
	vm1 =	vlt.s32 v15, v0  }
0x3e: {  	vm0 =	vmand vm0, vm1  }
0x3f: {  	v16 =	vmpcnt.ones.xlane vm0;
	_ =	sdelay $0x1  }
0x40: {  	(v2sf) =	vpush v16, $0x0;
	_ =	sdelay $0xe  }
0x41: {  	s14 =	spop (v2sf)  }
0x42: {  	p1 =	slt.s32 s14, $0x1  }
.Ltmp6:
0x43: {  	_ = 	snop;
	(pc) =	sbr.rel @p1 .LBB2_6-.Ltmp6, $1  }
0x44: {  	_ =	sdelay $0x3  }
0x45: {  	s11 =	sadd.s32 s31, s11  }
0x46: {  	v16 =	vmov s11  }
.LBB2_5:
0x47: {  	v17 =	vmctz.xlane vm0;
	_ =	sdelay $0x1  }
0x48: {  	vm1 =	vne.s32 v17, v1  }
0x49: {  	vm0 =	vmand vm0, vm1  }
0x4a: {  	v18 =	vmpcnt.ones.xlane vm0;
	_ =	sdelay $0x1  }
0x4b: {  	(v2sf) =	vpush v18, $0x0;
	_ =	sdelay $0xb  }
0x4c: {  	v18 =	vperm.xlane v15, v17;
	_ =	sdelay $0x1  }
0x4d: {  	v19 =	vmov s0;
	v20 =	vsub.s32 v18, v8  }
0x4e: {  	v21 =	vand.u32 $0x7F, v18;
	v20 =	vand.u32 $0xFFFFFF80, v20;
	s11 =	spop (v2sf)  }
0x4f: {  	v20 =	vor.u32 v21, v20;
	p1 =	sgt.s32 s11, $0x0  }
.Ltmp7:
0x50: {  	_ = 	snop;
	(pc) =	sbr.rel @p1 .LBB2_5-.Ltmp7, $4  }
0x51: {  	v17 =	vadd.s32 v16, v17  }
0x52: {  	[tilespmem:v19+s16+$0x0] =	vst.idx.msk $0x1, v17  }
0x53: {  	[tilespmem:v19+s17+$0x0] =	vst.idx.msk $0x1, v18  }
0x54: {  	s0 =	sadd.s32 $0x1, s0;
	[tilespmem:v20+s18+$0x0] =	vst.idx.msk $0x1, v17  }
.Ltmp8:
0x55: {  	_ = 	snop;
	(pc) =	sbr.rel .LBB2_6-.Ltmp8, $1  }
0x56: {  	_ =	sdelay $0x3  }
.LBB2_8:
0x57: {  	s11 =	simm.s32 $0xA80  }
0x58: {  	v16 =	vld [tilespmem:s11+$0x0];
	_ =	sdelay $0x3  }
0x59: {  	s4 =	simm.s32 $0x0  }
0x5a: {  	v15 =	vmov s0;
	v17 =	vor.u32 s4, v1;
	v18 =	vsub.s32 v16, v8  }
0x5b: {  	vm0 =	vlt.s32 v17, v15;
	v16 =	vand.u32 $0x7F, v16;
	v17 =	vand.u32 $0xFFFFFF80, v18  }
0x5c: {  	v16 =	vor.u32 v16, v17;
	_ =	sdelay $0x4  }
0x5d: {  	v16 =	vld.idx.msk [tilespmem:v16+s18+$0x0], vm0;
	_ =	sdelay $0x4  }
0x5e: {  	s0 =	simm.s32 $0xD00;
	v16 =	vnsel vm0, $0x0, v16  }
0x5f: {  	s4 =	simm.s32 $0xA90;
	[tilespmem:s0+$0x0] =	vst v16  }
0x60: {  	s30 =	simm.s32 $0x10;
	s31 =	simm.s32 $0x20;
	v16 =	vld [tilespmem:s4+$0x0]  }
.LBB2_9:
0x61: {  	p1 =	sne.s32 s31, $0x270;
	_ =	sdelay $0x3  }
0x62: {  	v17 =	vor.u32 s30, v1;
	s30 =	smov.u32 s31;
	v18 =	vsub.s32 v16, v8  }
0x63: {  	vm0 =	vlt.s32 v17, v15;
	v16 =	vand.u32 $0x7F, v16;
	v17 =	vand.u32 $0xFFFFFF80, v18  }
0x64: {  	v16 =	vor.u32 v16, v17;
	_ =	sdelay $0x4  }
0x65: {  	v16 =	vld.idx.msk [tilespmem:v16+s18+$0x0], vm0;
	_ =	sdelay $0x3  }
.Ltmp9:
0x66: {  	(pc) =	sbr.rel @p1 .LBB2_9-.Ltmp9, $4  }
0x67: {  	_ = 	snop  }
0x68: {  	s0 =	sadd.s32 $0x10, s0;
	v16 =	vnsel vm0, $0x0, v16  }
0x69: {  	s4 =	sadd.s32 $0x10, s4;
	[tilespmem:s0+$0x0] =	vst v16  }
0x6a: {  	s31 =	sadd.s32 $0x10, s31;
	v16 =	vld [tilespmem:s4+$0x0]  }
0x6b: {  	_ =	sdelay $0x3  }
0x6c: {  	v17 =	vor.u32 s30, v1;
	v18 =	vsub.s32 v16, v8  }
0x6d: {  	vm0 =	vlt.s32 v17, v15;
	v16 =	vand.u32 $0x7F, v16;
	v17 =	vand.u32 $0xFFFFFF80, v18  }
0x6e: {  	v16 =	vor.u32 v16, v17;
	_ =	sdelay $0x4  }
0x6f: {  	v16 =	vld.idx.msk [tilespmem:v16+s18+$0x0], vm0;
	_ =	sdelay $0x4  }
0x70: {  	s0 =	sadd.s32 $0x10, s0;
	s4 =	simm.s32 $0x0;
	v16 =	vnsel vm0, $0x0, v16  }
0x71: {  	s31 =	simm.s32 $0xD00;
	[tilespmem:s0+$0x0] =	vst v16;
	v16 =	vor.u32 s4, v1  }
0x72: {  	[tilespmem:s21], [sflag:$0x1] =	stream.indirect.gather [hbm4b:s7+s19], $0x80, s31, s19, $0xb8;
	[tilespmem:$0x1F480] =	vst v63  }
0x73: {  	_ =	swait.ge [sflag:s22], $0x2000  }
0x74: {  	[sflag:s22] =	ssyncset.done $0x0  }
0x75: {  	s0 =	simm.s32 $0x0;
	[sflag:s22] =	ssyncadd.s32 $0xFFFFE000  }
0x76: {  	v17 =	vor.u32 s0, v1;
	v16 =	vld.idx.msk [tilespmem:v16+s21+$0x0], $0xffff  }
0x77: {  	v18 =	vor.u32 s4, v2;
	_ =	sdelay $0x3  }
0x78: {  	[tilespmem:v17+s23+$0x0] =	vst.idx.msk $0xffff, v16  }
0x79: {  	v17 =	vor.u32 s0, v2;
	v16 =	vld.idx.msk [tilespmem:v18+s21+$0x0], $0xffff  }
0x7a: {  	v18 =	vor.u32 s4, v3;
	_ =	sdelay $0x3  }
0x7b: {  	[tilespmem:v17+s23+$0x0] =	vst.idx.msk $0xffff, v16  }
0x7c: {  	v17 =	vor.u32 s0, v3;
	v16 =	vld.idx.msk [tilespmem:v18+s21+$0x0], $0xffff  }
0x7d: {  	v18 =	vor.u32 s4, v4;
	_ =	sdelay $0x3  }
0x7e: {  	[tilespmem:v17+s23+$0x0] =	vst.idx.msk $0xffff, v16  }
0x7f: {  	s30 =	simm.s32 $0x2;
	s4 =	simm.s32 $0x80;
	v17 =	vor.u32 s0, v4;
	v16 =	vld.idx.msk [tilespmem:v18+s21+$0x0], $0xffff  }
.LBB2_11:
0x80: {  	p1 =	sne.s32 s30, $0x3F;
	v18 =	vor.u32 s4, v1;
	_ =	sdelay $0x3  }
0x81: {  	[tilespmem:v17+s23+$0x0] =	vst.idx.msk $0xffff, v16  }
0x82: {  	s0 =	sadd.s32 $0x40, s0;
	v16 =	vld.idx.msk [tilespmem:v18+s21+$0x0], $0xffff  }
0x83: {  	v17 =	vor.u32 s0, v1  }
0x84: {  	v18 =	vor.u32 s4, v2;
	_ =	sdelay $0x3  }
0x85: {  	[tilespmem:v17+s23+$0x0] =	vst.idx.msk $0xffff, v16  }
0x86: {  	v16 =	vld.idx.msk [tilespmem:v18+s21+$0x0], $0xffff  }
0x87: {  	v17 =	vor.u32 s0, v2  }
0x88: {  	v18 =	vor.u32 s4, v3;
	_ =	sdelay $0x3  }
0x89: {  	[tilespmem:v17+s23+$0x0] =	vst.idx.msk $0xffff, v16  }
0x8a: {  	v16 =	vld.idx.msk [tilespmem:v18+s21+$0x0], $0xffff  }
0x8b: {  	v17 =	vor.u32 s0, v3  }
0x8c: {  	v18 =	vor.u32 s4, v4;
	_ =	sdelay $0x1  }
.Ltmp10:
0x8d: {  	(pc) =	sbr.rel @p1 .LBB2_11-.Ltmp10, $4  }
0x8e: {  	_ = 	snop  }
0x8f: {  	[tilespmem:v17+s23+$0x0] =	vst.idx.msk $0xffff, v16  }
0x90: {  	v16 =	vld.idx.msk [tilespmem:v18+s21+$0x0], $0xffff  }
0x91: {  	s4 =	sshll.u32 s30, $0x7;
	s30 =	sadd.s32 $0x1, s30;
	v17 =	vor.u32 s0, v4  }
0x92: {  	v18 =	vor.u32 s4, v1;
	_ =	sdelay $0x3  }
0x93: {  	s0 =	sadd.s32 $0x40, s0;
	[tilespmem:v17+s23+$0x0] =	vst.idx.msk $0xffff, v16  }
0x94: {  	v17 =	vor.u32 s0, v1;
	v16 =	vld.idx.msk [tilespmem:v18+s21+$0x0], $0xffff  }
0x95: {  	v18 =	vor.u32 s4, v2;
	_ =	sdelay $0x3  }
0x96: {  	[tilespmem:v17+s23+$0x0] =	vst.idx.msk $0xffff, v16  }
0x97: {  	v17 =	vor.u32 s0, v2;
	v16 =	vld.idx.msk [tilespmem:v18+s21+$0x0], $0xffff  }
0x98: {  	v18 =	vor.u32 s4, v3;
	_ =	sdelay $0x3  }
0x99: {  	[tilespmem:v17+s23+$0x0] =	vst.idx.msk $0xffff, v16  }
0x9a: {  	v17 =	vor.u32 s0, v3;
	v16 =	vld.idx.msk [tilespmem:v18+s21+$0x0], $0xffff  }
0x9b: {  	v18 =	vor.u32 s4, v4;
	_ =	sdelay $0x3  }
0x9c: {  	[tilespmem:v17+s23+$0x0] =	vst.idx.msk $0xffff, v16  }
0x9d: {  	v17 =	vor.u32 s0, v4;
	v16 =	vld.idx.msk [tilespmem:v18+s21+$0x0], $0xffff;
	_ =	sdelay $0x3  }
0x9e: {  	s10 =	simm.s32 $0x0  }
0x9f: {  	s14 =	simm.s32 $0xD40;
	[tilespmem:v17+s23+$0x0] =	vst.idx.msk $0xffff, v16;
	v16 =	vor.u32 s10, v1  }
0xa0: {  	[tilespmem:s21], [sflag:$0x1] =	stream.indirect.gather [hbm4b:s7+s19], $0x80, s14, s19, $0xb8;
	[tilespmem:$0x1F480] =	vst v63  }
0xa1: {  	_ =	swait.ge [sflag:s22], $0x2000  }
0xa2: {  	[sflag:s22] =	ssyncset.done $0x0  }
0xa3: {  	s11 =	simm.s32 $0x1000;
	[sflag:s22] =	ssyncadd.s32 $0xFFFFE000  }
0xa4: {  	v17 =	vor.u32 s11, v1;
	v16 =	vld.idx.msk [tilespmem:v16+s21+$0x0], $0xffff  }
0xa5: {  	v18 =	vor.u32 s10, v2;
	_ =	sdelay $0x3  }
0xa6: {  	[tilespmem:v17+s23+$0x0] =	vst.idx.msk $0xffff, v16  }
0xa7: {  	v17 =	vor.u32 s11, v2;
	v16 =	vld.idx.msk [tilespmem:v18+s21+$0x0], $0xffff  }
0xa8: {  	v18 =	vor.u32 s10, v3;
	_ =	sdelay $0x3  }
0xa9: {  	[tilespmem:v17+s23+$0x0] =	vst.idx.msk $0xffff, v16  }
0xaa: {  	v17 =	vor.u32 s11, v3;
	v16 =	vld.idx.msk [tilespmem:v18+s21+$0x0], $0xffff  }
0xab: {  	v18 =	vor.u32 s10, v4;
	_ =	sdelay $0x3  }
0xac: {  	s30 =	simm.s32 $0x1;
	[tilespmem:v17+s23+$0x0] =	vst.idx.msk $0xffff, v16  }
0xad: {  	s31 =	simm.s32 $0x1080;
	s4 =	simm.s32 $0x80;
	s0 =	simm.s32 $0x1040;
	v17 =	vor.u32 s11, v4;
	v16 =	vld.idx.msk [tilespmem:v18+s21+$0x0], $0xffff  }
.LBB2_13:
0xae: {  	p1 =	sne.s32 s31, $0x1FC0;
	v18 =	vor.u32 s4, v1;
	_ =	sdelay $0x3  }
0xaf: {  	[tilespmem:v17+s23+$0x0] =	vst.idx.msk $0xffff, v16  }
0xb0: {  	v16 =	vld.idx.msk [tilespmem:v18+s21+$0x0], $0xffff  }
0xb1: {  	v17 =	vor.u32 s0, v1  }
0xb2: {  	v18 =	vor.u32 s4, v2;
	_ =	sdelay $0x3  }
0xb3: {  	[tilespmem:v17+s23+$0x0] =	vst.idx.msk $0xffff, v16  }
0xb4: {  	v16 =	vld.idx.msk [tilespmem:v18+s21+$0x0], $0xffff  }
0xb5: {  	v17 =	vor.u32 s0, v2  }
0xb6: {  	v18 =	vor.u32 s4, v3;
	_ =	sdelay $0x3  }
0xb7: {  	[tilespmem:v17+s23+$0x0] =	vst.idx.msk $0xffff, v16  }
0xb8: {  	v16 =	vld.idx.msk [tilespmem:v18+s21+$0x0], $0xffff  }
0xb9: {  	v17 =	vor.u32 s0, v3  }
0xba: {  	v18 =	vor.u32 s4, v4;
	_ =	sdelay $0x1  }
.Ltmp11:
0xbb: {  	(pc) =	sbr.rel @p1 .LBB2_13-.Ltmp11, $4  }
0xbc: {  	_ = 	snop  }
0xbd: {  	[tilespmem:v17+s23+$0x0] =	vst.idx.msk $0xffff, v16  }
0xbe: {  	s30 =	sadd.s32 $0x1, s30;
	v16 =	vld.idx.msk [tilespmem:v18+s21+$0x0], $0xffff  }
0xbf: {  	s4 =	sshll.u32 s30, $0x7;
	v17 =	vor.u32 s0, v4;
	s0 =	smov.u32 s31;
	s31 =	sadd.s32 $0x40, s31  }
0xc0: {  	v18 =	vor.u32 s4, v1;
	_ =	sdelay $0x3  }
0xc1: {  	[tilespmem:v17+s23+$0x0] =	vst.idx.msk $0xffff, v16  }
0xc2: {  	v17 =	vor.u32 s0, v1;
	v16 =	vld.idx.msk [tilespmem:v18+s21+$0x0], $0xffff  }
0xc3: {  	v18 =	vor.u32 s4, v2;
	_ =	sdelay $0x3  }
0xc4: {  	[tilespmem:v17+s23+$0x0] =	vst.idx.msk $0xffff, v16  }
0xc5: {  	v17 =	vor.u32 s0, v2;
	v16 =	vld.idx.msk [tilespmem:v18+s21+$0x0], $0xffff  }
0xc6: {  	v18 =	vor.u32 s4, v3;
	_ =	sdelay $0x3  }
0xc7: {  	[tilespmem:v17+s23+$0x0] =	vst.idx.msk $0xffff, v16  }
0xc8: {  	v17 =	vor.u32 s0, v3;
	v16 =	vld.idx.msk [tilespmem:v18+s21+$0x0], $0xffff  }
0xc9: {  	v18 =	vor.u32 s4, v4;
	_ =	sdelay $0x3  }
0xca: {  	[tilespmem:v17+s23+$0x0] =	vst.idx.msk $0xffff, v16  }
0xcb: {  	v17 =	vor.u32 s0, v4;
	v16 =	vld.idx.msk [tilespmem:v18+s21+$0x0], $0xffff;
	_ =	sdelay $0x3  }
0xcc: {  	s10 =	simm.s32 $0x0  }
0xcd: {  	s14 =	simm.s32 $0xD80;
	[tilespmem:v17+s23+$0x0] =	vst.idx.msk $0xffff, v16;
	v16 =	vor.u32 s10, v1  }
0xce: {  	[tilespmem:s21], [sflag:$0x1] =	stream.indirect.gather [hbm4b:s7+s19], $0x80, s14, s19, $0xb8;
	[tilespmem:$0x1F480] =	vst v63  }
0xcf: {  	_ =	swait.ge [sflag:s22], $0x2000  }
0xd0: {  	[sflag:s22] =	ssyncset.done $0x0  }
0xd1: {  	s11 =	simm.s32 $0x2000;
	[sflag:s22] =	ssyncadd.s32 $0xFFFFE000  }
0xd2: {  	v17 =	vor.u32 s11, v1;
	v16 =	vld.idx.msk [tilespmem:v16+s21+$0x0], $0xffff  }
0xd3: {  	v18 =	vor.u32 s10, v2;
	_ =	sdelay $0x3  }
0xd4: {  	[tilespmem:v17+s23+$0x0] =	vst.idx.msk $0xffff, v16  }
0xd5: {  	v17 =	vor.u32 s11, v2;
	v16 =	vld.idx.msk [tilespmem:v18+s21+$0x0], $0xffff  }
0xd6: {  	v18 =	vor.u32 s10, v3;
	_ =	sdelay $0x3  }
0xd7: {  	[tilespmem:v17+s23+$0x0] =	vst.idx.msk $0xffff, v16  }
0xd8: {  	v17 =	vor.u32 s11, v3;
	v16 =	vld.idx.msk [tilespmem:v18+s21+$0x0], $0xffff  }
0xd9: {  	v18 =	vor.u32 s10, v4;
	_ =	sdelay $0x3  }
0xda: {  	s30 =	simm.s32 $0x1;
	[tilespmem:v17+s23+$0x0] =	vst.idx.msk $0xffff, v16  }
0xdb: {  	s31 =	simm.s32 $0x2080;
	s4 =	simm.s32 $0x80;
	s0 =	simm.s32 $0x2040;
	v17 =	vor.u32 s11, v4;
	v16 =	vld.idx.msk [tilespmem:v18+s21+$0x0], $0xffff  }
.LBB2_15:
0xdc: {  	p1 =	sne.s32 s31, $0x2FC0;
	v18 =	vor.u32 s4, v1;
	_ =	sdelay $0x3  }
0xdd: {  	[tilespmem:v17+s23+$0x0] =	vst.idx.msk $0xffff, v16  }
0xde: {  	v16 =	vld.idx.msk [tilespmem:v18+s21+$0x0], $0xffff  }
0xdf: {  	v17 =	vor.u32 s0, v1  }
0xe0: {  	v18 =	vor.u32 s4, v2;
	_ =	sdelay $0x3  }
0xe1: {  	[tilespmem:v17+s23+$0x0] =	vst.idx.msk $0xffff, v16  }
0xe2: {  	v16 =	vld.idx.msk [tilespmem:v18+s21+$0x0], $0xffff  }
0xe3: {  	v17 =	vor.u32 s0, v2  }
0xe4: {  	v18 =	vor.u32 s4, v3;
	_ =	sdelay $0x3  }
0xe5: {  	[tilespmem:v17+s23+$0x0] =	vst.idx.msk $0xffff, v16  }
0xe6: {  	v16 =	vld.idx.msk [tilespmem:v18+s21+$0x0], $0xffff  }
0xe7: {  	v17 =	vor.u32 s0, v3  }
0xe8: {  	v18 =	vor.u32 s4, v4;
	_ =	sdelay $0x1  }
.Ltmp12:
0xe9: {  	(pc) =	sbr.rel @p1 .LBB2_15-.Ltmp12, $4  }
0xea: {  	_ = 	snop  }
0xeb: {  	[tilespmem:v17+s23+$0x0] =	vst.idx.msk $0xffff, v16  }
0xec: {  	s30 =	sadd.s32 $0x1, s30;
	v16 =	vld.idx.msk [tilespmem:v18+s21+$0x0], $0xffff  }
0xed: {  	s4 =	sshll.u32 s30, $0x7;
	v17 =	vor.u32 s0, v4;
	s0 =	smov.u32 s31;
	s31 =	sadd.s32 $0x40, s31  }
0xee: {  	v18 =	vor.u32 s4, v1;
	_ =	sdelay $0x3  }
0xef: {  	[tilespmem:v17+s23+$0x0] =	vst.idx.msk $0xffff, v16  }
0xf0: {  	v17 =	vor.u32 s0, v1;
	v16 =	vld.idx.msk [tilespmem:v18+s21+$0x0], $0xffff  }
0xf1: {  	v18 =	vor.u32 s4, v2;
	_ =	sdelay $0x3  }
0xf2: {  	[tilespmem:v17+s23+$0x0] =	vst.idx.msk $0xffff, v16  }
0xf3: {  	v17 =	vor.u32 s0, v2;
	v16 =	vld.idx.msk [tilespmem:v18+s21+$0x0], $0xffff  }
0xf4: {  	v18 =	vor.u32 s4, v3;
	_ =	sdelay $0x3  }
0xf5: {  	[tilespmem:v17+s23+$0x0] =	vst.idx.msk $0xffff, v16  }
0xf6: {  	v17 =	vor.u32 s0, v3;
	v16 =	vld.idx.msk [tilespmem:v18+s21+$0x0], $0xffff  }
0xf7: {  	v18 =	vor.u32 s4, v4;
	_ =	sdelay $0x3  }
0xf8: {  	[tilespmem:v17+s23+$0x0] =	vst.idx.msk $0xffff, v16  }
0xf9: {  	v17 =	vor.u32 s0, v4;
	v16 =	vld.idx.msk [tilespmem:v18+s21+$0x0], $0xffff;
	_ =	sdelay $0x3  }
0xfa: {  	s10 =	simm.s32 $0x0  }
0xfb: {  	s14 =	simm.s32 $0xDC0;
	[tilespmem:v17+s23+$0x0] =	vst.idx.msk $0xffff, v16;
	v16 =	vor.u32 s10, v1  }
0xfc: {  	[tilespmem:s21], [sflag:$0x1] =	stream.indirect.gather [hbm4b:s7+s19], $0x80, s14, s19, $0xb8;
	[tilespmem:$0x1F480] =	vst v63  }
0xfd: {  	_ =	swait.ge [sflag:s22], $0x2000  }
0xfe: {  	[sflag:s22] =	ssyncset.done $0x0  }
0xff: {  	s11 =	simm.s32 $0x3000;
	[sflag:s22] =	ssyncadd.s32 $0xFFFFE000  }
0x100: {  	v17 =	vor.u32 s11, v1;
	v16 =	vld.idx.msk [tilespmem:v16+s21+$0x0], $0xffff  }
0x101: {  	v18 =	vor.u32 s10, v2;
	_ =	sdelay $0x3  }
0x102: {  	[tilespmem:v17+s23+$0x0] =	vst.idx.msk $0xffff, v16  }
0x103: {  	v17 =	vor.u32 s11, v2;
	v16 =	vld.idx.msk [tilespmem:v18+s21+$0x0], $0xffff  }
0x104: {  	v18 =	vor.u32 s10, v3;
	_ =	sdelay $0x3  }
0x105: {  	[tilespmem:v17+s23+$0x0] =	vst.idx.msk $0xffff, v16  }
0x106: {  	v17 =	vor.u32 s11, v3;
	v16 =	vld.idx.msk [tilespmem:v18+s21+$0x0], $0xffff  }
0x107: {  	v18 =	vor.u32 s10, v4;
	_ =	sdelay $0x3  }
0x108: {  	s30 =	simm.s32 $0x1;
	[tilespmem:v17+s23+$0x0] =	vst.idx.msk $0xffff, v16  }
0x109: {  	s31 =	simm.s32 $0x3080;
	s4 =	simm.s32 $0x80;
	s0 =	simm.s32 $0x3040;
	v17 =	vor.u32 s11, v4;
	v16 =	vld.idx.msk [tilespmem:v18+s21+$0x0], $0xffff  }
.LBB2_17:
0x10a: {  	p1 =	sne.s32 s31, $0x3FC0;
	v18 =	vor.u32 s4, v1;
	_ =	sdelay $0x3  }
0x10b: {  	[tilespmem:v17+s23+$0x0] =	vst.idx.msk $0xffff, v16  }
0x10c: {  	v16 =	vld.idx.msk [tilespmem:v18+s21+$0x0], $0xffff  }
0x10d: {  	v17 =	vor.u32 s0, v1  }
0x10e: {  	v18 =	vor.u32 s4, v2;
	_ =	sdelay $0x3  }
0x10f: {  	[tilespmem:v17+s23+$0x0] =	vst.idx.msk $0xffff, v16  }
0x110: {  	v16 =	vld.idx.msk [tilespmem:v18+s21+$0x0], $0xffff  }
0x111: {  	v17 =	vor.u32 s0, v2  }
0x112: {  	v18 =	vor.u32 s4, v3;
	_ =	sdelay $0x3  }
0x113: {  	[tilespmem:v17+s23+$0x0] =	vst.idx.msk $0xffff, v16  }
0x114: {  	v16 =	vld.idx.msk [tilespmem:v18+s21+$0x0], $0xffff  }
0x115: {  	v17 =	vor.u32 s0, v3  }
0x116: {  	v18 =	vor.u32 s4, v4;
	_ =	sdelay $0x1  }
.Ltmp13:
0x117: {  	(pc) =	sbr.rel @p1 .LBB2_17-.Ltmp13, $4  }
0x118: {  	_ = 	snop  }
0x119: {  	[tilespmem:v17+s23+$0x0] =	vst.idx.msk $0xffff, v16  }
0x11a: {  	s30 =	sadd.s32 $0x1, s30;
	v16 =	vld.idx.msk [tilespmem:v18+s21+$0x0], $0xffff  }
0x11b: {  	s4 =	sshll.u32 s30, $0x7;
	v17 =	vor.u32 s0, v4;
	s0 =	smov.u32 s31;
	s31 =	sadd.s32 $0x40, s31  }
0x11c: {  	v18 =	vor.u32 s4, v1;
	_ =	sdelay $0x3  }
0x11d: {  	[tilespmem:v17+s23+$0x0] =	vst.idx.msk $0xffff, v16  }
0x11e: {  	v17 =	vor.u32 s0, v1;
	v16 =	vld.idx.msk [tilespmem:v18+s21+$0x0], $0xffff  }
0x11f: {  	v18 =	vor.u32 s4, v2;
	_ =	sdelay $0x3  }
0x120: {  	[tilespmem:v17+s23+$0x0] =	vst.idx.msk $0xffff, v16  }
0x121: {  	v17 =	vor.u32 s0, v2;
	v16 =	vld.idx.msk [tilespmem:v18+s21+$0x0], $0xffff  }
0x122: {  	v18 =	vor.u32 s4, v3;
	_ =	sdelay $0x3  }
0x123: {  	[tilespmem:v17+s23+$0x0] =	vst.idx.msk $0xffff, v16  }
0x124: {  	v17 =	vor.u32 s0, v3;
	v16 =	vld.idx.msk [tilespmem:v18+s21+$0x0], $0xffff  }
0x125: {  	v18 =	vor.u32 s4, v4;
	_ =	sdelay $0x3  }
0x126: {  	[tilespmem:v17+s23+$0x0] =	vst.idx.msk $0xffff, v16  }
0x127: {  	v17 =	vor.u32 s0, v4;
	v16 =	vld.idx.msk [tilespmem:v18+s21+$0x0], $0xffff;
	_ =	sdelay $0x3  }
0x128: {  	s10 =	simm.s32 $0x0  }
0x129: {  	s14 =	simm.s32 $0xE00;
	[tilespmem:v17+s23+$0x0] =	vst.idx.msk $0xffff, v16;
	v16 =	vor.u32 s10, v1  }
0x12a: {  	[tilespmem:s21], [sflag:$0x1] =	stream.indirect.gather [hbm4b:s7+s19], $0x80, s14, s19, $0xb8;
	[tilespmem:$0x1F480] =	vst v63  }
0x12b: {  	_ =	swait.ge [sflag:s22], $0x2000  }
0x12c: {  	[sflag:s22] =	ssyncset.done $0x0  }
0x12d: {  	s11 =	simm.s32 $0x4000;
	[sflag:s22] =	ssyncadd.s32 $0xFFFFE000  }
0x12e: {  	v17 =	vor.u32 s11, v1;
	v16 =	vld.idx.msk [tilespmem:v16+s21+$0x0], $0xffff  }
0x12f: {  	v18 =	vor.u32 s10, v2;
	_ =	sdelay $0x3  }
0x130: {  	[tilespmem:v17+s23+$0x0] =	vst.idx.msk $0xffff, v16  }
0x131: {  	v17 =	vor.u32 s11, v2;
	v16 =	vld.idx.msk [tilespmem:v18+s21+$0x0], $0xffff  }
0x132: {  	v18 =	vor.u32 s10, v3;
	_ =	sdelay $0x3  }
0x133: {  	[tilespmem:v17+s23+$0x0] =	vst.idx.msk $0xffff, v16  }
0x134: {  	v17 =	vor.u32 s11, v3;
	v16 =	vld.idx.msk [tilespmem:v18+s21+$0x0], $0xffff  }
0x135: {  	v18 =	vor.u32 s10, v4;
	_ =	sdelay $0x3  }
0x136: {  	s30 =	simm.s32 $0x1;
	[tilespmem:v17+s23+$0x0] =	vst.idx.msk $0xffff, v16  }
0x137: {  	s31 =	simm.s32 $0x4080;
	s4 =	simm.s32 $0x80;
	s0 =	simm.s32 $0x4040;
	v17 =	vor.u32 s11, v4;
	v16 =	vld.idx.msk [tilespmem:v18+s21+$0x0], $0xffff  }
.LBB2_19:
0x138: {  	p1 =	sne.s32 s31, $0x4FC0;
	v18 =	vor.u32 s4, v1;
	_ =	sdelay $0x3  }
0x139: {  	[tilespmem:v17+s23+$0x0] =	vst.idx.msk $0xffff, v16  }
0x13a: {  	v16 =	vld.idx.msk [tilespmem:v18+s21+$0x0], $0xffff  }
0x13b: {  	v17 =	vor.u32 s0, v1  }
0x13c: {  	v18 =	vor.u32 s4, v2;
	_ =	sdelay $0x3  }
0x13d: {  	[tilespmem:v17+s23+$0x0] =	vst.idx.msk $0xffff, v16  }
0x13e: {  	v16 =	vld.idx.msk [tilespmem:v18+s21+$0x0], $0xffff  }
0x13f: {  	v17 =	vor.u32 s0, v2  }
0x140: {  	v18 =	vor.u32 s4, v3;
	_ =	sdelay $0x3  }
0x141: {  	[tilespmem:v17+s23+$0x0] =	vst.idx.msk $0xffff, v16  }
0x142: {  	v16 =	vld.idx.msk [tilespmem:v18+s21+$0x0], $0xffff  }
0x143: {  	v17 =	vor.u32 s0, v3  }
0x144: {  	v18 =	vor.u32 s4, v4;
	_ =	sdelay $0x1  }
.Ltmp14:
0x145: {  	(pc) =	sbr.rel @p1 .LBB2_19-.Ltmp14, $4  }
0x146: {  	_ = 	snop  }
0x147: {  	[tilespmem:v17+s23+$0x0] =	vst.idx.msk $0xffff, v16  }
0x148: {  	s30 =	sadd.s32 $0x1, s30;
	v16 =	vld.idx.msk [tilespmem:v18+s21+$0x0], $0xffff  }
0x149: {  	s4 =	sshll.u32 s30, $0x7;
	v17 =	vor.u32 s0, v4;
	s0 =	smov.u32 s31;
	s31 =	sadd.s32 $0x40, s31  }
0x14a: {  	v18 =	vor.u32 s4, v1;
	_ =	sdelay $0x3  }
0x14b: {  	[tilespmem:v17+s23+$0x0] =	vst.idx.msk $0xffff, v16  }
0x14c: {  	v17 =	vor.u32 s0, v1;
	v16 =	vld.idx.msk [tilespmem:v18+s21+$0x0], $0xffff  }
0x14d: {  	v18 =	vor.u32 s4, v2;
	_ =	sdelay $0x3  }
0x14e: {  	[tilespmem:v17+s23+$0x0] =	vst.idx.msk $0xffff, v16  }
0x14f: {  	v17 =	vor.u32 s0, v2;
	v16 =	vld.idx.msk [tilespmem:v18+s21+$0x0], $0xffff  }
0x150: {  	v18 =	vor.u32 s4, v3;
	_ =	sdelay $0x3  }
0x151: {  	[tilespmem:v17+s23+$0x0] =	vst.idx.msk $0xffff, v16  }
0x152: {  	v17 =	vor.u32 s0, v3;
	v16 =	vld.idx.msk [tilespmem:v18+s21+$0x0], $0xffff  }
0x153: {  	v18 =	vor.u32 s4, v4;
	_ =	sdelay $0x3  }
0x154: {  	[tilespmem:v17+s23+$0x0] =	vst.idx.msk $0xffff, v16  }
0x155: {  	v17 =	vor.u32 s0, v4;
	v16 =	vld.idx.msk [tilespmem:v18+s21+$0x0], $0xffff;
	_ =	sdelay $0x3  }
0x156: {  	s10 =	simm.s32 $0x0  }
0x157: {  	s14 =	simm.s32 $0xE40;
	[tilespmem:v17+s23+$0x0] =	vst.idx.msk $0xffff, v16;
	v16 =	vor.u32 s10, v1  }
0x158: {  	[tilespmem:s21], [sflag:$0x1] =	stream.indirect.gather [hbm4b:s7+s19], $0x80, s14, s19, $0xb8;
	[tilespmem:$0x1F480] =	vst v63  }
0x159: {  	_ =	swait.ge [sflag:s22], $0x2000  }
0x15a: {  	[sflag:s22] =	ssyncset.done $0x0  }
0x15b: {  	s11 =	simm.s32 $0x5000;
	[sflag:s22] =	ssyncadd.s32 $0xFFFFE000  }
0x15c: {  	v17 =	vor.u32 s11, v1;
	v16 =	vld.idx.msk [tilespmem:v16+s21+$0x0], $0xffff  }
0x15d: {  	v18 =	vor.u32 s10, v2;
	_ =	sdelay $0x3  }
0x15e: {  	[tilespmem:v17+s23+$0x0] =	vst.idx.msk $0xffff, v16  }
0x15f: {  	v17 =	vor.u32 s11, v2;
	v16 =	vld.idx.msk [tilespmem:v18+s21+$0x0], $0xffff  }
0x160: {  	v18 =	vor.u32 s10, v3;
	_ =	sdelay $0x3  }
0x161: {  	[tilespmem:v17+s23+$0x0] =	vst.idx.msk $0xffff, v16  }
0x162: {  	v17 =	vor.u32 s11, v3;
	v16 =	vld.idx.msk [tilespmem:v18+s21+$0x0], $0xffff  }
0x163: {  	v18 =	vor.u32 s10, v4;
	_ =	sdelay $0x3  }
0x164: {  	s30 =	simm.s32 $0x1;
	[tilespmem:v17+s23+$0x0] =	vst.idx.msk $0xffff, v16  }
0x165: {  	s31 =	simm.s32 $0x5080;
	s4 =	simm.s32 $0x80;
	s0 =	simm.s32 $0x5040;
	v17 =	vor.u32 s11, v4;
	v16 =	vld.idx.msk [tilespmem:v18+s21+$0x0], $0xffff  }
.LBB2_21:
0x166: {  	p1 =	sne.s32 s31, $0x5FC0;
	v18 =	vor.u32 s4, v1;
	_ =	sdelay $0x3  }
0x167: {  	[tilespmem:v17+s23+$0x0] =	vst.idx.msk $0xffff, v16  }
0x168: {  	v16 =	vld.idx.msk [tilespmem:v18+s21+$0x0], $0xffff  }
0x169: {  	v17 =	vor.u32 s0, v1  }
0x16a: {  	v18 =	vor.u32 s4, v2;
	_ =	sdelay $0x3  }
0x16b: {  	[tilespmem:v17+s23+$0x0] =	vst.idx.msk $0xffff, v16  }
0x16c: {  	v16 =	vld.idx.msk [tilespmem:v18+s21+$0x0], $0xffff  }
0x16d: {  	v17 =	vor.u32 s0, v2  }
0x16e: {  	v18 =	vor.u32 s4, v3;
	_ =	sdelay $0x3  }
0x16f: {  	[tilespmem:v17+s23+$0x0] =	vst.idx.msk $0xffff, v16  }
0x170: {  	v16 =	vld.idx.msk [tilespmem:v18+s21+$0x0], $0xffff  }
0x171: {  	v17 =	vor.u32 s0, v3  }
0x172: {  	v18 =	vor.u32 s4, v4;
	_ =	sdelay $0x1  }
.Ltmp15:
0x173: {  	(pc) =	sbr.rel @p1 .LBB2_21-.Ltmp15, $4  }
0x174: {  	_ = 	snop  }
0x175: {  	[tilespmem:v17+s23+$0x0] =	vst.idx.msk $0xffff, v16  }
0x176: {  	s30 =	sadd.s32 $0x1, s30;
	v16 =	vld.idx.msk [tilespmem:v18+s21+$0x0], $0xffff  }
0x177: {  	s4 =	sshll.u32 s30, $0x7;
	v17 =	vor.u32 s0, v4;
	s0 =	smov.u32 s31;
	s31 =	sadd.s32 $0x40, s31  }
0x178: {  	v18 =	vor.u32 s4, v1;
	_ =	sdelay $0x3  }
0x179: {  	[tilespmem:v17+s23+$0x0] =	vst.idx.msk $0xffff, v16  }
0x17a: {  	v17 =	vor.u32 s0, v1;
	v16 =	vld.idx.msk [tilespmem:v18+s21+$0x0], $0xffff  }
0x17b: {  	v18 =	vor.u32 s4, v2;
	_ =	sdelay $0x3  }
0x17c: {  	[tilespmem:v17+s23+$0x0] =	vst.idx.msk $0xffff, v16  }
0x17d: {  	v17 =	vor.u32 s0, v2;
	v16 =	vld.idx.msk [tilespmem:v18+s21+$0x0], $0xffff  }
0x17e: {  	v18 =	vor.u32 s4, v3;
	_ =	sdelay $0x3  }
0x17f: {  	[tilespmem:v17+s23+$0x0] =	vst.idx.msk $0xffff, v16  }
0x180: {  	v17 =	vor.u32 s0, v3;
	v16 =	vld.idx.msk [tilespmem:v18+s21+$0x0], $0xffff  }
0x181: {  	v18 =	vor.u32 s4, v4;
	_ =	sdelay $0x3  }
0x182: {  	[tilespmem:v17+s23+$0x0] =	vst.idx.msk $0xffff, v16  }
0x183: {  	v17 =	vor.u32 s0, v4;
	v16 =	vld.idx.msk [tilespmem:v18+s21+$0x0], $0xffff;
	_ =	sdelay $0x3  }
0x184: {  	s10 =	simm.s32 $0x0  }
0x185: {  	s14 =	simm.s32 $0xE80;
	[tilespmem:v17+s23+$0x0] =	vst.idx.msk $0xffff, v16;
	v16 =	vor.u32 s10, v1  }
0x186: {  	[tilespmem:s21], [sflag:$0x1] =	stream.indirect.gather [hbm4b:s7+s19], $0x80, s14, s19, $0xb8;
	[tilespmem:$0x1F480] =	vst v63  }
0x187: {  	_ =	swait.ge [sflag:s22], $0x2000  }
0x188: {  	[sflag:s22] =	ssyncset.done $0x0  }
0x189: {  	s11 =	simm.s32 $0x6000;
	[sflag:s22] =	ssyncadd.s32 $0xFFFFE000  }
0x18a: {  	v17 =	vor.u32 s11, v1;
	v16 =	vld.idx.msk [tilespmem:v16+s21+$0x0], $0xffff  }
0x18b: {  	v18 =	vor.u32 s10, v2;
	_ =	sdelay $0x3  }
0x18c: {  	[tilespmem:v17+s23+$0x0] =	vst.idx.msk $0xffff, v16  }
0x18d: {  	v17 =	vor.u32 s11, v2;
	v16 =	vld.idx.msk [tilespmem:v18+s21+$0x0], $0xffff  }
0x18e: {  	v18 =	vor.u32 s10, v3;
	_ =	sdelay $0x3  }
0x18f: {  	[tilespmem:v17+s23+$0x0] =	vst.idx.msk $0xffff, v16  }
0x190: {  	v17 =	vor.u32 s11, v3;
	v16 =	vld.idx.msk [tilespmem:v18+s21+$0x0], $0xffff  }
0x191: {  	v18 =	vor.u32 s10, v4;
	_ =	sdelay $0x3  }
0x192: {  	s30 =	simm.s32 $0x1;
	[tilespmem:v17+s23+$0x0] =	vst.idx.msk $0xffff, v16  }
0x193: {  	s31 =	simm.s32 $0x6080;
	s4 =	simm.s32 $0x80;
	s0 =	simm.s32 $0x6040;
	v17 =	vor.u32 s11, v4;
	v16 =	vld.idx.msk [tilespmem:v18+s21+$0x0], $0xffff  }
.LBB2_23:
0x194: {  	p1 =	sne.s32 s31, $0x6FC0;
	v18 =	vor.u32 s4, v1;
	_ =	sdelay $0x3  }
0x195: {  	[tilespmem:v17+s23+$0x0] =	vst.idx.msk $0xffff, v16  }
0x196: {  	v16 =	vld.idx.msk [tilespmem:v18+s21+$0x0], $0xffff  }
0x197: {  	v17 =	vor.u32 s0, v1  }
0x198: {  	v18 =	vor.u32 s4, v2;
	_ =	sdelay $0x3  }
0x199: {  	[tilespmem:v17+s23+$0x0] =	vst.idx.msk $0xffff, v16  }
0x19a: {  	v16 =	vld.idx.msk [tilespmem:v18+s21+$0x0], $0xffff  }
0x19b: {  	v17 =	vor.u32 s0, v2  }
0x19c: {  	v18 =	vor.u32 s4, v3;
	_ =	sdelay $0x3  }
0x19d: {  	[tilespmem:v17+s23+$0x0] =	vst.idx.msk $0xffff, v16  }
0x19e: {  	v16 =	vld.idx.msk [tilespmem:v18+s21+$0x0], $0xffff  }
0x19f: {  	v17 =	vor.u32 s0, v3  }
0x1a0: {  	v18 =	vor.u32 s4, v4;
	_ =	sdelay $0x1  }
.Ltmp16:
0x1a1: {  	(pc) =	sbr.rel @p1 .LBB2_23-.Ltmp16, $4  }
0x1a2: {  	_ = 	snop  }
0x1a3: {  	[tilespmem:v17+s23+$0x0] =	vst.idx.msk $0xffff, v16  }
0x1a4: {  	s30 =	sadd.s32 $0x1, s30;
	v16 =	vld.idx.msk [tilespmem:v18+s21+$0x0], $0xffff  }
0x1a5: {  	s4 =	sshll.u32 s30, $0x7;
	v17 =	vor.u32 s0, v4;
	s0 =	smov.u32 s31;
	s31 =	sadd.s32 $0x40, s31  }
0x1a6: {  	v18 =	vor.u32 s4, v1;
	_ =	sdelay $0x3  }
0x1a7: {  	[tilespmem:v17+s23+$0x0] =	vst.idx.msk $0xffff, v16  }
0x1a8: {  	v17 =	vor.u32 s0, v1;
	v16 =	vld.idx.msk [tilespmem:v18+s21+$0x0], $0xffff  }
0x1a9: {  	v18 =	vor.u32 s4, v2;
	_ =	sdelay $0x3  }
0x1aa: {  	[tilespmem:v17+s23+$0x0] =	vst.idx.msk $0xffff, v16  }
0x1ab: {  	v17 =	vor.u32 s0, v2;
	v16 =	vld.idx.msk [tilespmem:v18+s21+$0x0], $0xffff  }
0x1ac: {  	v18 =	vor.u32 s4, v3;
	_ =	sdelay $0x3  }
0x1ad: {  	[tilespmem:v17+s23+$0x0] =	vst.idx.msk $0xffff, v16  }
0x1ae: {  	v17 =	vor.u32 s0, v3;
	v16 =	vld.idx.msk [tilespmem:v18+s21+$0x0], $0xffff  }
0x1af: {  	v18 =	vor.u32 s4, v4;
	_ =	sdelay $0x3  }
0x1b0: {  	[tilespmem:v17+s23+$0x0] =	vst.idx.msk $0xffff, v16  }
0x1b1: {  	v17 =	vor.u32 s0, v4;
	v16 =	vld.idx.msk [tilespmem:v18+s21+$0x0], $0xffff;
	_ =	sdelay $0x3  }
0x1b2: {  	s10 =	simm.s32 $0x0  }
0x1b3: {  	s14 =	simm.s32 $0xEC0;
	[tilespmem:v17+s23+$0x0] =	vst.idx.msk $0xffff, v16;
	v16 =	vor.u32 s10, v1  }
0x1b4: {  	[tilespmem:s21], [sflag:$0x1] =	stream.indirect.gather [hbm4b:s7+s19], $0x80, s14, s19, $0xb8;
	[tilespmem:$0x1F480] =	vst v63  }
0x1b5: {  	_ =	swait.ge [sflag:s22], $0x2000  }
0x1b6: {  	[sflag:s22] =	ssyncset.done $0x0  }
0x1b7: {  	s11 =	simm.s32 $0x7000;
	[sflag:s22] =	ssyncadd.s32 $0xFFFFE000  }
0x1b8: {  	v17 =	vor.u32 s11, v1;
	v16 =	vld.idx.msk [tilespmem:v16+s21+$0x0], $0xffff  }
0x1b9: {  	v18 =	vor.u32 s10, v2;
	_ =	sdelay $0x3  }
0x1ba: {  	[tilespmem:v17+s23+$0x0] =	vst.idx.msk $0xffff, v16  }
0x1bb: {  	v17 =	vor.u32 s11, v2;
	v16 =	vld.idx.msk [tilespmem:v18+s21+$0x0], $0xffff  }
0x1bc: {  	v18 =	vor.u32 s10, v3;
	_ =	sdelay $0x3  }
0x1bd: {  	[tilespmem:v17+s23+$0x0] =	vst.idx.msk $0xffff, v16  }
0x1be: {  	v17 =	vor.u32 s11, v3;
	v16 =	vld.idx.msk [tilespmem:v18+s21+$0x0], $0xffff  }
0x1bf: {  	v18 =	vor.u32 s10, v4;
	_ =	sdelay $0x3  }
0x1c0: {  	s30 =	simm.s32 $0x1;
	[tilespmem:v17+s23+$0x0] =	vst.idx.msk $0xffff, v16  }
0x1c1: {  	s31 =	simm.s32 $0x7080;
	s4 =	simm.s32 $0x80;
	s0 =	simm.s32 $0x7040;
	v17 =	vor.u32 s11, v4;
	v16 =	vld.idx.msk [tilespmem:v18+s21+$0x0], $0xffff  }
.LBB2_25:
0x1c2: {  	p1 =	sne.s32 s31, $0x7FC0;
	v18 =	vor.u32 s4, v1;
	_ =	sdelay $0x3  }
0x1c3: {  	[tilespmem:v17+s23+$0x0] =	vst.idx.msk $0xffff, v16  }
0x1c4: {  	v16 =	vld.idx.msk [tilespmem:v18+s21+$0x0], $0xffff  }
0x1c5: {  	v17 =	vor.u32 s0, v1  }
0x1c6: {  	v18 =	vor.u32 s4, v2;
	_ =	sdelay $0x3  }
0x1c7: {  	[tilespmem:v17+s23+$0x0] =	vst.idx.msk $0xffff, v16  }
0x1c8: {  	v16 =	vld.idx.msk [tilespmem:v18+s21+$0x0], $0xffff  }
0x1c9: {  	v17 =	vor.u32 s0, v2  }
0x1ca: {  	v18 =	vor.u32 s4, v3;
	_ =	sdelay $0x3  }
0x1cb: {  	[tilespmem:v17+s23+$0x0] =	vst.idx.msk $0xffff, v16  }
0x1cc: {  	v16 =	vld.idx.msk [tilespmem:v18+s21+$0x0], $0xffff  }
0x1cd: {  	v17 =	vor.u32 s0, v3  }
0x1ce: {  	v18 =	vor.u32 s4, v4;
	_ =	sdelay $0x1  }
.Ltmp17:
0x1cf: {  	(pc) =	sbr.rel @p1 .LBB2_25-.Ltmp17, $4  }
0x1d0: {  	_ = 	snop  }
0x1d1: {  	[tilespmem:v17+s23+$0x0] =	vst.idx.msk $0xffff, v16  }
0x1d2: {  	s30 =	sadd.s32 $0x1, s30;
	v16 =	vld.idx.msk [tilespmem:v18+s21+$0x0], $0xffff  }
0x1d3: {  	s4 =	sshll.u32 s30, $0x7;
	v17 =	vor.u32 s0, v4;
	s0 =	smov.u32 s31;
	s31 =	sadd.s32 $0x40, s31  }
0x1d4: {  	v18 =	vor.u32 s4, v1;
	_ =	sdelay $0x3  }
0x1d5: {  	[tilespmem:v17+s23+$0x0] =	vst.idx.msk $0xffff, v16  }
0x1d6: {  	v17 =	vor.u32 s0, v1;
	v16 =	vld.idx.msk [tilespmem:v18+s21+$0x0], $0xffff  }
0x1d7: {  	v18 =	vor.u32 s4, v2;
	_ =	sdelay $0x3  }
0x1d8: {  	[tilespmem:v17+s23+$0x0] =	vst.idx.msk $0xffff, v16  }
0x1d9: {  	v17 =	vor.u32 s0, v2;
	v16 =	vld.idx.msk [tilespmem:v18+s21+$0x0], $0xffff  }
0x1da: {  	v18 =	vor.u32 s4, v3;
	_ =	sdelay $0x3  }
0x1db: {  	[tilespmem:v17+s23+$0x0] =	vst.idx.msk $0xffff, v16  }
0x1dc: {  	v17 =	vor.u32 s0, v3;
	v16 =	vld.idx.msk [tilespmem:v18+s21+$0x0], $0xffff  }
0x1dd: {  	v18 =	vor.u32 s4, v4;
	_ =	sdelay $0x3  }
0x1de: {  	[tilespmem:v17+s23+$0x0] =	vst.idx.msk $0xffff, v16  }
0x1df: {  	v17 =	vor.u32 s0, v4;
	v16 =	vld.idx.msk [tilespmem:v18+s21+$0x0], $0xffff;
	_ =	sdelay $0x3  }
0x1e0: {  	s10 =	simm.s32 $0x0  }
0x1e1: {  	s14 =	simm.s32 $0xF00;
	[tilespmem:v17+s23+$0x0] =	vst.idx.msk $0xffff, v16;
	v16 =	vor.u32 s10, v1  }
0x1e2: {  	[tilespmem:s21], [sflag:$0x1] =	stream.indirect.gather [hbm4b:s7+s19], $0x80, s14, s19, $0xb8;
	[tilespmem:$0x1F480] =	vst v63  }
0x1e3: {  	_ =	swait.ge [sflag:s22], $0x2000  }
0x1e4: {  	[sflag:s22] =	ssyncset.done $0x0  }
0x1e5: {  	s11 =	simm.s32 $0x8000;
	[sflag:s22] =	ssyncadd.s32 $0xFFFFE000  }
0x1e6: {  	v17 =	vor.u32 s11, v1;
	v16 =	vld.idx.msk [tilespmem:v16+s21+$0x0], $0xffff  }
0x1e7: {  	v18 =	vor.u32 s10, v2;
	_ =	sdelay $0x3  }
0x1e8: {  	[tilespmem:v17+s23+$0x0] =	vst.idx.msk $0xffff, v16  }
0x1e9: {  	v17 =	vor.u32 s11, v2;
	v16 =	vld.idx.msk [tilespmem:v18+s21+$0x0], $0xffff  }
0x1ea: {  	v18 =	vor.u32 s10, v3;
	_ =	sdelay $0x3  }
0x1eb: {  	[tilespmem:v17+s23+$0x0] =	vst.idx.msk $0xffff, v16  }
0x1ec: {  	v17 =	vor.u32 s11, v3;
	v16 =	vld.idx.msk [tilespmem:v18+s21+$0x0], $0xffff  }
0x1ed: {  	v18 =	vor.u32 s10, v4;
	_ =	sdelay $0x3  }
0x1ee: {  	s30 =	simm.s32 $0x1;
	[tilespmem:v17+s23+$0x0] =	vst.idx.msk $0xffff, v16  }
0x1ef: {  	s31 =	simm.s32 $0x8080;
	s4 =	simm.s32 $0x80;
	s0 =	simm.s32 $0x8040;
	v17 =	vor.u32 s11, v4;
	v16 =	vld.idx.msk [tilespmem:v18+s21+$0x0], $0xffff  }
.LBB2_27:
0x1f0: {  	p1 =	sne.s32 s31, $0x8FC0;
	v18 =	vor.u32 s4, v1;
	_ =	sdelay $0x3  }
0x1f1: {  	[tilespmem:v17+s23+$0x0] =	vst.idx.msk $0xffff, v16  }
0x1f2: {  	v16 =	vld.idx.msk [tilespmem:v18+s21+$0x0], $0xffff  }
0x1f3: {  	v17 =	vor.u32 s0, v1  }
0x1f4: {  	v18 =	vor.u32 s4, v2;
	_ =	sdelay $0x3  }
0x1f5: {  	[tilespmem:v17+s23+$0x0] =	vst.idx.msk $0xffff, v16  }
0x1f6: {  	v16 =	vld.idx.msk [tilespmem:v18+s21+$0x0], $0xffff  }
0x1f7: {  	v17 =	vor.u32 s0, v2  }
0x1f8: {  	v18 =	vor.u32 s4, v3;
	_ =	sdelay $0x3  }
0x1f9: {  	[tilespmem:v17+s23+$0x0] =	vst.idx.msk $0xffff, v16  }
0x1fa: {  	v16 =	vld.idx.msk [tilespmem:v18+s21+$0x0], $0xffff  }
0x1fb: {  	v17 =	vor.u32 s0, v3  }
0x1fc: {  	v18 =	vor.u32 s4, v4;
	_ =	sdelay $0x1  }
.Ltmp18:
0x1fd: {  	(pc) =	sbr.rel @p1 .LBB2_27-.Ltmp18, $4  }
0x1fe: {  	_ = 	snop  }
0x1ff: {  	[tilespmem:v17+s23+$0x0] =	vst.idx.msk $0xffff, v16  }
0x200: {  	s30 =	sadd.s32 $0x1, s30;
	v16 =	vld.idx.msk [tilespmem:v18+s21+$0x0], $0xffff  }
0x201: {  	s4 =	sshll.u32 s30, $0x7;
	v17 =	vor.u32 s0, v4;
	s0 =	smov.u32 s31;
	s31 =	sadd.s32 $0x40, s31  }
0x202: {  	v18 =	vor.u32 s4, v1;
	_ =	sdelay $0x3  }
0x203: {  	[tilespmem:v17+s23+$0x0] =	vst.idx.msk $0xffff, v16  }
0x204: {  	v17 =	vor.u32 s0, v1;
	v16 =	vld.idx.msk [tilespmem:v18+s21+$0x0], $0xffff  }
0x205: {  	v18 =	vor.u32 s4, v2;
	_ =	sdelay $0x3  }
0x206: {  	[tilespmem:v17+s23+$0x0] =	vst.idx.msk $0xffff, v16  }
0x207: {  	v17 =	vor.u32 s0, v2;
	v16 =	vld.idx.msk [tilespmem:v18+s21+$0x0], $0xffff  }
0x208: {  	v18 =	vor.u32 s4, v3;
	_ =	sdelay $0x3  }
0x209: {  	[tilespmem:v17+s23+$0x0] =	vst.idx.msk $0xffff, v16  }
0x20a: {  	v17 =	vor.u32 s0, v3;
	v16 =	vld.idx.msk [tilespmem:v18+s21+$0x0], $0xffff  }
0x20b: {  	v18 =	vor.u32 s4, v4;
	_ =	sdelay $0x3  }
0x20c: {  	[tilespmem:v17+s23+$0x0] =	vst.idx.msk $0xffff, v16  }
0x20d: {  	v17 =	vor.u32 s0, v4;
	v16 =	vld.idx.msk [tilespmem:v18+s21+$0x0], $0xffff;
	_ =	sdelay $0x3  }
0x20e: {  	s10 =	simm.s32 $0x0  }
0x20f: {  	s14 =	simm.s32 $0xF40;
	[tilespmem:v17+s23+$0x0] =	vst.idx.msk $0xffff, v16;
	v16 =	vor.u32 s10, v1  }
0x210: {  	[tilespmem:s21], [sflag:$0x1] =	stream.indirect.gather [hbm4b:s7+s19], $0x80, s14, s19, $0xb8;
	[tilespmem:$0x1F480] =	vst v63  }
0x211: {  	_ =	swait.ge [sflag:s22], $0x2000  }
0x212: {  	[sflag:s22] =	ssyncset.done $0x0  }
0x213: {  	s11 =	simm.s32 $0x9000;
	[sflag:s22] =	ssyncadd.s32 $0xFFFFE000  }
0x214: {  	v17 =	vor.u32 s11, v1;
	v16 =	vld.idx.msk [tilespmem:v16+s21+$0x0], $0xffff  }
0x215: {  	v18 =	vor.u32 s10, v2;
	_ =	sdelay $0x3  }
0x216: {  	[tilespmem:v17+s23+$0x0] =	vst.idx.msk $0xffff, v16  }
0x217: {  	v17 =	vor.u32 s11, v2;
	v16 =	vld.idx.msk [tilespmem:v18+s21+$0x0], $0xffff  }
0x218: {  	v18 =	vor.u32 s10, v3;
	_ =	sdelay $0x3  }
0x219: {  	[tilespmem:v17+s23+$0x0] =	vst.idx.msk $0xffff, v16  }
0x21a: {  	v17 =	vor.u32 s11, v3;
	v16 =	vld.idx.msk [tilespmem:v18+s21+$0x0], $0xffff  }
0x21b: {  	v18 =	vor.u32 s10, v4;
	_ =	sdelay $0x3  }
0x21c: {  	s30 =	simm.s32 $0x1;
	[tilespmem:v17+s23+$0x0] =	vst.idx.msk $0xffff, v16  }
0x21d: {  	s31 =	simm.s32 $0x9080;
	s4 =	simm.s32 $0x80;
	s0 =	simm.s32 $0x9040;
	v17 =	vor.u32 s11, v4;
	v16 =	vld.idx.msk [tilespmem:v18+s21+$0x0], $0xffff  }
.LBB2_29:
0x21e: {  	p1 =	sne.s32 s31, $0x9FC0;
	v18 =	vor.u32 s4, v1;
	_ =	sdelay $0x3  }
0x21f: {  	[tilespmem:v17+s23+$0x0] =	vst.idx.msk $0xffff, v16  }
0x220: {  	v16 =	vld.idx.msk [tilespmem:v18+s21+$0x0], $0xffff  }
0x221: {  	v17 =	vor.u32 s0, v1  }
0x222: {  	v18 =	vor.u32 s4, v2;
	_ =	sdelay $0x3  }
0x223: {  	[tilespmem:v17+s23+$0x0] =	vst.idx.msk $0xffff, v16  }
0x224: {  	v16 =	vld.idx.msk [tilespmem:v18+s21+$0x0], $0xffff  }
0x225: {  	v17 =	vor.u32 s0, v2  }
0x226: {  	v18 =	vor.u32 s4, v3;
	_ =	sdelay $0x3  }
0x227: {  	[tilespmem:v17+s23+$0x0] =	vst.idx.msk $0xffff, v16  }
0x228: {  	v16 =	vld.idx.msk [tilespmem:v18+s21+$0x0], $0xffff  }
0x229: {  	v17 =	vor.u32 s0, v3  }
0x22a: {  	v18 =	vor.u32 s4, v4;
	_ =	sdelay $0x1  }
.Ltmp19:
0x22b: {  	(pc) =	sbr.rel @p1 .LBB2_29-.Ltmp19, $4  }
0x22c: {  	_ = 	snop  }
0x22d: {  	[tilespmem:v17+s23+$0x0] =	vst.idx.msk $0xffff, v16  }
0x22e: {  	s30 =	sadd.s32 $0x1, s30;
	v16 =	vld.idx.msk [tilespmem:v18+s21+$0x0], $0xffff  }
0x22f: {  	s4 =	sshll.u32 s30, $0x7;
	v17 =	vor.u32 s0, v4;
	s0 =	smov.u32 s31;
	s31 =	sadd.s32 $0x40, s31  }
0x230: {  	v18 =	vor.u32 s4, v1;
	_ =	sdelay $0x3  }
0x231: {  	[tilespmem:v17+s23+$0x0] =	vst.idx.msk $0xffff, v16  }
0x232: {  	v17 =	vor.u32 s0, v1;
	v16 =	vld.idx.msk [tilespmem:v18+s21+$0x0], $0xffff  }
0x233: {  	v18 =	vor.u32 s4, v2;
	_ =	sdelay $0x3  }
0x234: {  	[tilespmem:v17+s23+$0x0] =	vst.idx.msk $0xffff, v16  }
0x235: {  	v17 =	vor.u32 s0, v2;
	v16 =	vld.idx.msk [tilespmem:v18+s21+$0x0], $0xffff  }
0x236: {  	v18 =	vor.u32 s4, v3;
	_ =	sdelay $0x3  }
0x237: {  	[tilespmem:v17+s23+$0x0] =	vst.idx.msk $0xffff, v16  }
0x238: {  	v17 =	vor.u32 s0, v3;
	v16 =	vld.idx.msk [tilespmem:v18+s21+$0x0], $0xffff  }
0x239: {  	v18 =	vor.u32 s4, v4;
	_ =	sdelay $0x3  }
0x23a: {  	[tilespmem:v17+s23+$0x0] =	vst.idx.msk $0xffff, v16  }
0x23b: {  	v17 =	vor.u32 s0, v4;
	v16 =	vld.idx.msk [tilespmem:v18+s21+$0x0], $0xffff;
	_ =	sdelay $0x4  }
.Ltmp20:
0x23c: {  	[tilespmem:v17+s23+$0x0] =	vst.idx.msk $0xffff, v16;
	(pc) =	sbr.rel .LBB2_31-.Ltmp20, $4  }
0x23d: {  	s14 =	rddreg [dreg:$0x5];
	[tilespmem:$0x1F400] =	vst v5  }
0x23e: {  	[tilespmem:s20], [sflag:$0x1] =	stream.strided.gather [hbm4b:s14+s16], $0x4000, s5, s16, $0x38;
	[tilespmem:$0x1F480] =	vst v63  }
0x23f: {  	s30 =	rddreg [dreg:$0x6];
	s31 =	simm.s32 $0x0  }
0x240: {  	v16 =	vimm.s32 $0x0;
	[tilespmem:s24], [sflag:$0x2] =	stream.strided.gather [hbm4b:s30+s16], $0x4000, s5, s16, $0x38;
	[tilespmem:$0x1F480] =	vst v63  }
.LBB2_41:
0x241: {  	s0 =	sadd.s32 s4, s13  }
0x242: {  	s31 =	sadd.s32 $0x1, s31;
	p1 =	slt.s32 s0, $0xF4100  }
0x243: {  	s0 =	simm.s32 @!p1 $0xF4100;
	p1 =	sne.s32 s31, s9  }
.Ltmp21:
0x244: {  	_ = 	snop;
	(pc) =	sbr.rel @!p1 .LBB2_42-.Ltmp21, $3  }
0x245: {  	_ =	sdelay $0x1  }
0x246: {  	s0 =	sadd.s32 s2, s0  }
0x247: {  	[tilespmem:s24], [sflag:$0x2] =	stream.strided.gather [hbm4b:s0+s16], $0x4000, s5, s16, $0x38;
	[tilespmem:$0x1F480] =	vst v63  }
.LBB2_31:
.Ltmp22:
0x248: {  	(pc) =	sbr.rel .LBB2_32-.Ltmp22, $4  }
0x249: {  	s4 =	sshll.u32 s31, $0x9  }
0x24a: {  	_ =	swait.ge [sflag:s22], $0x4000;
	s0 =	sadd.s32 s1, s4  }
0x24b: {  	[sflag:s22] =	ssyncset.done $0x0;
	s11 =	sor.u32 $0x100, s0  }
0x24c: {  	[sflag:s22] =	ssyncadd.s32 $0xFFFFC000;
	v17 =	vmov s0;
	s0 =	simm.s32 $0x0;
	v18 =	vmov s11  }
.LBB2_35:
0x24d: {  	s0 =	sadd.s32 $0x1, s0  }
0x24e: {  	p1 =	sne.s32 s0, $0x28  }
.Ltmp23:
0x24f: {  	_ = 	snop;
	(pc) =	sbr.rel @!p1 .LBB2_36-.Ltmp23, $1  }
0x250: {  	_ =	sdelay $0x3  }
.LBB2_32:
0x251: {  	s30 =	sshll.u32 s0, $0x4  }
0x252: {  	v19 =	vld [tilespmem:s30+$0xA80];
	_ =	sdelay $0x3  }
0x253: {  	v20 =	vor.u32 s30, v1  }
0x254: {  	vm0 =	vlt.s32 v20, v15;
	vm1 =	vlt.s32 v19, v18  }
0x255: {  	vm2 =	vge.s32 v19, v17;
	vm0 =	vmand vm0, vm1  }
0x256: {  	vm0 =	vmand vm0, vm2  }
0x257: {  	v20 =	vmpcnt.ones.xlane vm0;
	_ =	sdelay $0x1  }
0x258: {  	(v2sf) =	vpush v20, $0x0;
	_ =	sdelay $0xe  }
0x259: {  	s11 =	spop (v2sf)  }
0x25a: {  	p1 =	slt.s32 s11, $0x1  }
.Ltmp24:
0x25b: {  	_ = 	snop;
	(pc) =	sbr.rel @p1 .LBB2_35-.Ltmp24, $1  }
0x25c: {  	_ =	sdelay $0x3  }
0x25d: {  	v20 =	vmov s30  }
.LBB2_34:
0x25e: {  	(v2sf) =	vpush v16, $0x0;
	_ =	sdelay $0xa  }
0x25f: {  	v21 =	vmctz.xlane vm0;
	_ =	sdelay $0x1  }
0x260: {  	v22 =	vperm.xlane v19, v21;
	_ =	sdelay $0x1  }
0x261: {  	v23 =	vsub.s32 v22, v17;
	s11 =	spop (v2sf)  }
0x262: {  	v23 =	vshll.u32 v23, $0x3;
	p1 =	sne.s32 s11, $0x10  }
0x263: {  	v22 =	vand.u32 $0x7F, v22;
	v23 =	vand.u32 $0xFFFFFC00, v23;
	s11 =	simm.s32 @!p1 $0x10;
	s14 =	simm.s32 @!p1 $0x1F400;
	s10 =	simm.s32 @!p1 $0x1EC00  }
0x264: {  	v24 =	vld [tilespmem:s30+$0x800];
	v25 =	vadd.s32 v20, v21;
	v22 =	vor.u32 v22, v23;
	[hbm4b:s8+s11] =	stream.indirect.scatter @!p1 [tilespmem:s10], [sflag:$0x3], $0x80, s14, s11, $0xb8  }
0x265: {  	v25 =	vshll.u32 v25, $0x6;
	v23 =	vadd.s32 v6, v22;
	s10 =	simm.s32 @!p1 $0x3  }
0x266: {  	v26 =	vor.u32 v1, v25;
	_ =	swait.ge @!p1 [sflag:s10], $0x800  }
0x267: {  	v27 =	vlaneseq.u32 @!p1;
	[sflag:s10] =	ssyncset.done @!p1 $0x0  }
0x268: {  	v27 =	vor.u32 @!p1 $0x4000, v27;
	[sflag:s10] =	ssyncadd.s32 @!p1 $0xFFFFF800  }
0x269: {  	[tilespmem:$0x1F400] =	vst @!p1 v27  }
0x26a: {  	vm1 =	veq.s32 v16, $0x10;
	v23 =	vld.idx.msk [tilespmem:v23+s20+$0x0], $0xffff  }
0x26b: {  	v16 =	vsel vm1, $0x0, v16;
	v26 =	vld.idx.msk [tilespmem:v26+s23+$0x0], $0xffff  }
0x26c: {  	v57 =	vshll.u32 v16, $0x7  }
0x26d: {  	v28 =	vor.u32 v1, v57  }
0x26e: {  	v29 =	vadd.s32 v7, v22  }
0x26f: {  	v30 =	vor.u32 v2, v25  }
0x270: {  	v23 =	vadd.f32 v26, v23;
	_ =	sdelay $0x1  }
0x271: {  	[tilespmem:v28+s25+$0x0] =	vst.idx.msk $0xffff, v23  }
0x272: {  	v23 =	vld.idx.msk [tilespmem:v29+s20+$0x0], $0xffff  }
0x273: {  	v58 =	vld.idx.msk [tilespmem:v30+s23+$0x0], $0xffff;
	_ =	sdelay $0x1  }
0x274: {  	v59 =	vor.u32 v2, v57;
	_ =	sdelay $0x2  }
0x275: {  	vm1 =	vne.s32 v21, v1;
	v23 =	vadd.f32 v58, v23  }
0x276: {  	vm0 =	vmand vm0, vm1  }
0x277: {  	v60 =	vadd.s32 v9, v22;
	[tilespmem:v59+s25+$0x0] =	vst.idx.msk $0xffff, v23;
	v23 =	vmpcnt.ones.xlane vm0  }
0x278: {  	v61 =	vor.u32 v3, v25  }
0x279: {  	(v2sf) =	vpush v23, $0x0;
	_ =	sdelay $0x2  }
0x27a: {  	v62 =	vld.idx.msk [tilespmem:v60+s20+$0x0], $0xffff  }
0x27b: {  	v28 =	vld.idx.msk [tilespmem:v61+s23+$0x0], $0xffff;
	_ =	sdelay $0x1  }
0x27c: {  	v23 =	vor.u32 v3, v57  }
0x27d: {  	v22 =	vadd.s32 v10, v22  }
0x27e: {  	v25 =	vor.u32 v4, v25  }
0x27f: {  	v26 =	vadd.f32 v28, v62;
	_ =	sdelay $0x1  }
0x280: {  	[tilespmem:v23+s25+$0x0] =	vst.idx.msk $0xffff, v26  }
0x281: {  	v22 =	vld.idx.msk [tilespmem:v22+s20+$0x0], $0xffff  }
0x282: {  	v23 =	vld.idx.msk [tilespmem:v25+s23+$0x0], $0xffff;
	_ =	sdelay $0x1  }
0x283: {  	v63 =	vor.u32 v4, v57;
	s14 =	spop (v2sf)  }
0x284: {  	p1 =	sgt.s32 s14, $0x0  }
.Ltmp25:
0x285: {  	_ = 	snop;
	(pc) =	sbr.rel @p1 .LBB2_34-.Ltmp25, $4  }
0x286: {  	v22 =	vadd.f32 v23, v22  }
0x287: {  	v21 =	vperm.xlane v24, v21  }
0x288: {  	[tilespmem:v63+s25+$0x0] =	vst.idx.msk $0xffff, v22  }
0x289: {  	[tilespmem:v16+s26+$0x0] =	vst.idx.msk $0x1, v21;
	v16 =	vadd.s32 $0x1, v16  }
.Ltmp26:
0x28a: {  	_ = 	snop;
	(pc) =	sbr.rel .LBB2_35-.Ltmp26, $1  }
0x28b: {  	_ =	sdelay $0x3  }
.LBB2_36:
0x28c: {  	s0 =	sadd.s32 s4, s12  }
0x28d: {  	p1 =	slt.s32 s0, $0xF4100  }
0x28e: {  	s0 =	simm.s32 @!p1 $0xF4100  }
.Ltmp27:
0x28f: {  	s0 =	sadd.s32 s2, s0;
	(pc) =	sbr.rel .LBB2_37-.Ltmp27, $4  }
0x290: {  	[tilespmem:s20], [sflag:$0x1] =	stream.strided.gather [hbm4b:s0+s16], $0x4000, s5, s16, $0x38;
	[tilespmem:$0x1F480] =	vst v63  }
0x291: {  	s30 =	sadd.s32 s4, s1;
	_ =	swait.ge [sflag:s28], $0x4000  }
0x292: {  	s10 =	sadd.s32 $0x100, s30;
	s0 =	sadd.s32 $0x200, s30;
	[sflag:s28] =	ssyncset.done $0x0  }
0x293: {  	v17 =	vmov s10;
	v18 =	vmov s0;
	s0 =	simm.s32 $0x0;
	[sflag:s28] =	ssyncadd.s32 $0xFFFFC000  }
.LBB2_40:
0x294: {  	s0 =	sadd.s32 $0x1, s0  }
0x295: {  	p1 =	sne.s32 s0, $0x28  }
.Ltmp28:
0x296: {  	_ = 	snop;
	(pc) =	sbr.rel @!p1 .LBB2_41-.Ltmp28, $1  }
0x297: {  	_ =	sdelay $0x3  }
.LBB2_37:
0x298: {  	s30 =	sshll.u32 s0, $0x4  }
0x299: {  	v19 =	vld [tilespmem:s30+$0xA80];
	_ =	sdelay $0x3  }
0x29a: {  	v20 =	vor.u32 s30, v1  }
0x29b: {  	vm0 =	vlt.s32 v20, v15;
	vm1 =	vlt.s32 v19, v18  }
0x29c: {  	vm2 =	vge.s32 v19, v17;
	vm0 =	vmand vm0, vm1  }
0x29d: {  	vm0 =	vmand vm0, vm2  }
0x29e: {  	v20 =	vmpcnt.ones.xlane vm0;
	_ =	sdelay $0x1  }
0x29f: {  	(v2sf) =	vpush v20, $0x0;
	_ =	sdelay $0xe  }
0x2a0: {  	s10 =	spop (v2sf)  }
0x2a1: {  	p1 =	slt.s32 s10, $0x1  }
.Ltmp29:
0x2a2: {  	_ = 	snop;
	(pc) =	sbr.rel @p1 .LBB2_40-.Ltmp29, $1  }
0x2a3: {  	_ =	sdelay $0x3  }
0x2a4: {  	v20 =	vmov s30  }
.LBB2_39:
0x2a5: {  	(v2sf) =	vpush v16, $0x0;
	_ =	sdelay $0xa  }
0x2a6: {  	v21 =	vmctz.xlane vm0;
	_ =	sdelay $0x1  }
0x2a7: {  	v22 =	vperm.xlane v19, v21;
	_ =	sdelay $0x1  }
0x2a8: {  	v23 =	vsub.s32 v22, v17;
	s10 =	spop (v2sf)  }
0x2a9: {  	v23 =	vshll.u32 v23, $0x3;
	p1 =	sne.s32 s10, $0x10  }
0x2aa: {  	v22 =	vand.u32 $0x7F, v22;
	v23 =	vand.u32 $0xFFFFFC00, v23;
	s10 =	simm.s32 @!p1 $0x10;
	s11 =	simm.s32 @!p1 $0x1F400;
	s14 =	simm.s32 @!p1 $0x1EC00  }
0x2ab: {  	v24 =	vld [tilespmem:s30+$0x800];
	v25 =	vadd.s32 v20, v21;
	v22 =	vor.u32 v22, v23;
	[hbm4b:s8+s10] =	stream.indirect.scatter @!p1 [tilespmem:s14], [sflag:$0x3], $0x80, s11, s10, $0xb8  }
0x2ac: {  	v25 =	vshll.u32 v25, $0x6;
	v23 =	vadd.s32 v6, v22;
	s10 =	simm.s32 @!p1 $0x3  }
0x2ad: {  	v26 =	vor.u32 v1, v25;
	_ =	swait.ge @!p1 [sflag:s10], $0x800  }
0x2ae: {  	v27 =	vlaneseq.u32 @!p1;
	[sflag:s10] =	ssyncset.done @!p1 $0x0  }
0x2af: {  	v27 =	vor.u32 @!p1 $0x4000, v27;
	[sflag:s10] =	ssyncadd.s32 @!p1 $0xFFFFF800  }
0x2b0: {  	[tilespmem:$0x1F400] =	vst @!p1 v27  }
0x2b1: {  	vm1 =	veq.s32 v16, $0x10;
	v23 =	vld.idx.msk [tilespmem:v23+s24+$0x0], $0xffff  }
0x2b2: {  	v16 =	vsel vm1, $0x0, v16;
	v26 =	vld.idx.msk [tilespmem:v26+s23+$0x0], $0xffff  }
0x2b3: {  	v57 =	vshll.u32 v16, $0x7  }
0x2b4: {  	v28 =	vor.u32 v1, v57  }
0x2b5: {  	v29 =	vadd.s32 v7, v22  }
0x2b6: {  	v30 =	vor.u32 v2, v25  }
0x2b7: {  	v23 =	vadd.f32 v26, v23;
	_ =	sdelay $0x1  }
0x2b8: {  	[tilespmem:v28+s25+$0x0] =	vst.idx.msk $0xffff, v23  }
0x2b9: {  	v23 =	vld.idx.msk [tilespmem:v29+s24+$0x0], $0xffff  }
0x2ba: {  	v58 =	vld.idx.msk [tilespmem:v30+s23+$0x0], $0xffff;
	_ =	sdelay $0x1  }
0x2bb: {  	v59 =	vor.u32 v2, v57;
	_ =	sdelay $0x2  }
0x2bc: {  	vm1 =	vne.s32 v21, v1;
	v23 =	vadd.f32 v58, v23  }
0x2bd: {  	vm0 =	vmand vm0, vm1  }
0x2be: {  	v60 =	vadd.s32 v9, v22;
	[tilespmem:v59+s25+$0x0] =	vst.idx.msk $0xffff, v23;
	v23 =	vmpcnt.ones.xlane vm0  }
0x2bf: {  	v61 =	vor.u32 v3, v25  }
0x2c0: {  	(v2sf) =	vpush v23, $0x0;
	_ =	sdelay $0x2  }
0x2c1: {  	v62 =	vld.idx.msk [tilespmem:v60+s24+$0x0], $0xffff  }
0x2c2: {  	v28 =	vld.idx.msk [tilespmem:v61+s23+$0x0], $0xffff;
	_ =	sdelay $0x1  }
0x2c3: {  	v23 =	vor.u32 v3, v57  }
0x2c4: {  	v22 =	vadd.s32 v10, v22  }
0x2c5: {  	v25 =	vor.u32 v4, v25  }
0x2c6: {  	v26 =	vadd.f32 v28, v62;
	_ =	sdelay $0x1  }
0x2c7: {  	[tilespmem:v23+s25+$0x0] =	vst.idx.msk $0xffff, v26  }
0x2c8: {  	v22 =	vld.idx.msk [tilespmem:v22+s24+$0x0], $0xffff  }
0x2c9: {  	v23 =	vld.idx.msk [tilespmem:v25+s23+$0x0], $0xffff;
	_ =	sdelay $0x1  }
0x2ca: {  	v63 =	vor.u32 v4, v57;
	s14 =	spop (v2sf)  }
0x2cb: {  	p1 =	sgt.s32 s14, $0x0  }
.Ltmp30:
0x2cc: {  	_ = 	snop;
	(pc) =	sbr.rel @p1 .LBB2_39-.Ltmp30, $4  }
0x2cd: {  	v22 =	vadd.f32 v23, v22  }
0x2ce: {  	v21 =	vperm.xlane v24, v21  }
0x2cf: {  	[tilespmem:v63+s25+$0x0] =	vst.idx.msk $0xffff, v22  }
0x2d0: {  	[tilespmem:v16+s26+$0x0] =	vst.idx.msk $0x1, v21;
	v16 =	vadd.s32 $0x1, v16  }
.Ltmp31:
0x2d1: {  	_ = 	snop;
	(pc) =	sbr.rel .LBB2_40-.Ltmp31, $1  }
0x2d2: {  	_ =	sdelay $0x3  }
.LBB2_42:
0x2d3: {  	_ =	swait.ge [sflag:s22], $0x4000  }
.Ltmp32:
0x2d4: {  	[sflag:s22] =	ssyncset.done $0x0;
	(pc) =	sbr.rel @p0 .LBB2_48-.Ltmp32, $4  }
0x2d5: {  	[sflag:s22] =	ssyncadd.s32 $0xFFFFC000  }
0x2d6: {  	_ =	swait.ge [sflag:s28], $0x4000  }
0x2d7: {  	[sflag:s28] =	ssyncset.done $0x0  }
0x2d8: {  	[sflag:s28] =	ssyncadd.s32 $0xFFFFC000  }
.Ltmp33:
0x2d9: {  	s0 =	simm.s32 $0x0;
	s4 =	rddreg [dreg:$0x3];
	(pc) =	sbr.rel .LBB2_44-.Ltmp33, $4  }
0x2da: {  	[tilespmem:s29], [sflag:$0x3] =	stream.linear.gather [hbm4b:s4+s0], $0x2000, $0x38;
	[tilespmem:$0x1F480] =	vst v63  }
0x2db: {  	_ =	swait.ge [sflag:s15], $0x2000  }
0x2dc: {  	[sflag:s15] =	ssyncset.done $0x0  }
0x2dd: {  	[sflag:s15] =	ssyncadd.s32 $0xFFFFE000  }
.LBB2_47:
0x2de: {  	s0 =	sadd.s32 $0x1, s0  }
0x2df: {  	p1 =	sne.s32 s0, $0x28  }
.Ltmp34:
0x2e0: {  	_ = 	snop;
	(pc) =	sbr.rel @!p1 .LBB2_48-.Ltmp34, $1  }
0x2e1: {  	_ =	sdelay $0x3  }
.LBB2_44:
0x2e2: {  	s4 =	sshll.u32 s0, $0x4  }
0x2e3: {  	v17 =	vld [tilespmem:s4+$0xA80];
	_ =	sdelay $0x4  }
0x2e4: {  	v18 =	vor.u32 s4, v1;
	v19 =	vand.u32 $0xFFFFFFC0, v17  }
0x2e5: {  	vm0 =	vlt.s32 v18, v15;
	vm1 =	veq.s32 v19, $0xF4200  }
0x2e6: {  	vm0 =	vmand vm0, vm1  }
0x2e7: {  	v18 =	vmpcnt.ones.xlane vm0;
	_ =	sdelay $0x1  }
0x2e8: {  	(v2sf) =	vpush v18, $0x0;
	_ =	sdelay $0xe  }
0x2e9: {  	s10 =	spop (v2sf)  }
0x2ea: {  	p1 =	slt.s32 s10, $0x1  }
.Ltmp35:
0x2eb: {  	_ = 	snop;
	(pc) =	sbr.rel @p1 .LBB2_47-.Ltmp35, $1  }
0x2ec: {  	_ =	sdelay $0x3  }
0x2ed: {  	v18 =	vmov s4  }
.LBB2_46:
0x2ee: {  	(v2sf) =	vpush v16, $0x0;
	_ =	sdelay $0xe  }
0x2ef: {  	v19 =	vmctz.xlane vm0;
	s10 =	spop (v2sf)  }
0x2f0: {  	p1 =	sne.s32 s10, $0x10  }
0x2f1: {  	v20 =	vperm.xlane v17, v19;
	s10 =	simm.s32 @!p1 $0x10;
	s11 =	simm.s32 @!p1 $0x1F400;
	s14 =	simm.s32 @!p1 $0x1EC00  }
0x2f2: {  	v21 =	vld [tilespmem:s4+$0x800];
	v22 =	vadd.s32 v18, v19;
	[hbm4b:s8+s10] =	stream.indirect.scatter @!p1 [tilespmem:s14], [sflag:$0x3], $0x80, s11, s10, $0xb8  }
0x2f3: {  	v22 =	vshll.u32 v22, $0x6;
	v23 =	vadd.s32 v11, v20;
	s10 =	simm.s32 @!p1 $0x3  }
0x2f4: {  	v24 =	vor.u32 v1, v22;
	_ =	swait.ge @!p1 [sflag:s10], $0x800  }
0x2f5: {  	v25 =	vlaneseq.u32 @!p1;
	[sflag:s10] =	ssyncset.done @!p1 $0x0  }
0x2f6: {  	v25 =	vor.u32 @!p1 $0x4000, v25;
	[sflag:s10] =	ssyncadd.s32 @!p1 $0xFFFFF800  }
0x2f7: {  	[tilespmem:$0x1F400] =	vst @!p1 v25  }
0x2f8: {  	vm1 =	veq.s32 v16, $0x10;
	v23 =	vld.idx.msk [tilespmem:v23+s29+$0x0], $0xffff  }
0x2f9: {  	v16 =	vsel vm1, $0x0, v16;
	v24 =	vld.idx.msk [tilespmem:v24+s23+$0x0], $0xffff  }
0x2fa: {  	v55 =	vshll.u32 v16, $0x7  }
0x2fb: {  	v26 =	vor.u32 v1, v55  }
0x2fc: {  	v27 =	vadd.s32 v12, v20  }
0x2fd: {  	v28 =	vor.u32 v2, v22  }
0x2fe: {  	v23 =	vadd.f32 v24, v23;
	_ =	sdelay $0x1  }
0x2ff: {  	[tilespmem:v26+s25+$0x0] =	vst.idx.msk $0xffff, v23  }
0x300: {  	v23 =	vld.idx.msk [tilespmem:v27+s29+$0x0], $0xffff  }
0x301: {  	v56 =	vld.idx.msk [tilespmem:v28+s23+$0x0], $0xffff  }
0x302: {  	vm1 =	vne.s32 v19, v1  }
0x303: {  	v57 =	vor.u32 v2, v55;
	vm0 =	vmand vm0, vm1  }
0x304: {  	v58 =	vadd.s32 v13, v20;
	v60 =	vmpcnt.ones.xlane vm0  }
0x305: {  	v59 =	vor.u32 v3, v22  }
0x306: {  	(v2sf) =	vpush v60, $0x0;
	v23 =	vadd.f32 v56, v23;
	_ =	sdelay $0x1  }
0x307: {  	[tilespmem:v57+s25+$0x0] =	vst.idx.msk $0xffff, v23  }
0x308: {  	v61 =	vld.idx.msk [tilespmem:v58+s29+$0x0], $0xffff  }
0x309: {  	v26 =	vld.idx.msk [tilespmem:v59+s23+$0x0], $0xffff;
	_ =	sdelay $0x1  }
0x30a: {  	v62 =	vor.u32 v3, v55  }
0x30b: {  	v20 =	vadd.s32 v14, v20  }
0x30c: {  	v22 =	vor.u32 v4, v22  }
0x30d: {  	v24 =	vadd.f32 v26, v61;
	_ =	sdelay $0x1  }
0x30e: {  	[tilespmem:v62+s25+$0x0] =	vst.idx.msk $0xffff, v24  }
0x30f: {  	v20 =	vld.idx.msk [tilespmem:v20+s29+$0x0], $0xffff  }
0x310: {  	v22 =	vld.idx.msk [tilespmem:v22+s23+$0x0], $0xffff;
	_ =	sdelay $0x1  }
0x311: {  	v63 =	vor.u32 v4, v55;
	s31 =	spop (v2sf)  }
0x312: {  	p1 =	sgt.s32 s31, $0x0  }
.Ltmp36:
0x313: {  	_ = 	snop;
	(pc) =	sbr.rel @p1 .LBB2_46-.Ltmp36, $4  }
0x314: {  	v20 =	vadd.f32 v22, v20  }
0x315: {  	v19 =	vperm.xlane v21, v19  }
0x316: {  	[tilespmem:v63+s25+$0x0] =	vst.idx.msk $0xffff, v20  }
0x317: {  	[tilespmem:v16+s26+$0x0] =	vst.idx.msk $0x1, v19;
	v16 =	vadd.s32 $0x1, v16  }
.Ltmp37:
0x318: {  	_ = 	snop;
	(pc) =	sbr.rel .LBB2_47-.Ltmp37, $1  }
0x319: {  	_ =	sdelay $0x3  }
.LBB2_49:
0x31a: {  	_ =	sfence.sel $0x180000  }
0x31b: {  	[bflag:$0x0] =	sbarrier.arrive $0xFFFF  }
0x31c: {  	_ =	strace $0x90000047  }
0x31d: {  	s0 =	stileid.u32;
	[bflag:$0x2] =	sbarrier.arrive $0xFFFF  }
0x31e: {  	p0 =	sne.s32 s0, $0x0;
	s0 =	rddreg [dreg:$0x4]  }
0x31f: {  	s0 =	sadd.s32 @!p0 $0x100000, s0  }
0x320: {  	[sflag:s0] =	ssyncadd.tile.s32 @!p0 $0x1;
	_ =	shalt  }
.Lfunc_end2:
_tile_overlayer_lowered:
.L_overlay_start_2:
0x321: {  	(tag) =	ssettag $0x2  }
0x322: {  	s0 =	rddreg [dreg:$0x0];
	s2 =	stileid.u32  }
0x323: {  	s1 =	rddreg [dreg:$0x1];
	p0 =	sne.s32 s2, $0x0  }
0x324: {  	s3 =	rddreg [dreg:$0x2];
	[bflag:$0x3] =	sbarrier.arrive $0xFFFF;
	s2 =	simm.s32 @!p0 $0x1C03  }
0x325: {  	[timem:s3], [sflag:s2] =	dma.local @!p0 [hbm:s0], s1  }
0x326: {  	s0 =	simm.s32 @!p0 $0x3  }
0x327: {  	_ =	swait.ge @!p0 [sflag:s0], s1  }
0x328: {  	s1 =	ssub.s32 @!p0 $0x0, s1;
	[sflag:s0] =	ssyncset.done @!p0 $0x0  }
0x329: {  	[sflag:s0] =	ssyncadd.s32 @!p0 s1  }
0x32a: {  	[bflag:$0x3] =	sbarrier.arrive $0xFFFF  }
0x32b: {  	_ =	shalt  }

</sc_bundles>
